<compile_context>
chip_gen: v7x
topology: tpu7x:2x2x1
jax: 0.10.2.dev20260603
libtpu: 0.0.44.dev20260713+nightly
codegen_flags: <defaults>
</compile_context>

<pallas_src>
import jax
import jax.numpy as jnp
from jax import lax
from jax.experimental import pallas as pl
from jax.experimental.pallas import tpu as pltpu
from jax.experimental.pallas import tpu_sc as plsc

B, C, H, W = 16, 3, 224, 224
HIDDEN = 32
NTOK = 256
ROWPAD = 33
BC = B * C
NW = 32
HSTRIP = 8
NSTRIP = H // HSTRIP
UNITS = BC * NSTRIP
UPT = UNITS // NW
WVECS = W // 16
DCH = HIDDEN // 2


def _div28(u):
    return (u * 2341) >> 16


def _body(x_hbm, lut_hbm, out_hbm, lut, xb0, xb1, ob0, ob1,
          xs0, xs1, os0, os1):
    cid = lax.axis_index("c")
    sid = lax.axis_index("s")
    tid = sid * 2 + cid
    u0 = tid * UPT
    xbufs = (xb0, xb1)
    obufs = (ob0, ob1)
    xsems = (xs0, xs1)
    osems = (os0, os1)

    def xslice(u):
        bc = _div28(u)
        ht = u - bc * NSTRIP
        return x_hbm.at[bc, pl.ds(ht * HSTRIP, HSTRIP), :]

    def oslice(u, half):
        bc = _div28(u)
        ht = u - bc * NSTRIP
        return out_hbm.at[pl.ds(bc * HIDDEN + half * DCH, DCH),
                          pl.ds(ht * HSTRIP, HSTRIP), :]

    pltpu.sync_copy(lut_hbm, lut)
    pltpu.async_copy(xslice(u0), xb0, xs0)

    def compute_half(xbuf, obuf, half):
        def hbody(h, carry):
            @plsc.parallel_loop(0, WVECS, 1, unroll=2)
            def wbody(wc):
                base = xbuf[h, pl.ds(wc * 16, 16)] * ROWPAD + half * DCH
                for d in range(DCH):
                    vals = plsc.load_gather(lut, [base + d])
                    obuf[d, h, pl.ds(wc * 16, 16)] = vals
            return carry
        lax.fori_loop(0, HSTRIP, hbody, 0)

    def pair(k, carry):
        for par in range(2):
            r = k * 2 + par
            u = u0 + r
            xbuf = xbufs[par]
            pltpu.make_async_copy(xslice(u), xbuf, xsems[par]).wait()

            @pl.when(r < UPT - 1)
            def _():
                pltpu.async_copy(xslice(u + 1), xbufs[1 - par],
                                 xsems[1 - par])

            for half in range(2):
                @pl.when(r > 0)
                def _():
                    pltpu.make_async_copy(
                        obufs[half], oslice(u, half), osems[half]).wait()

                compute_half(xbuf, obufs[half], half)
                pltpu.async_copy(obufs[half], oslice(u, half), osems[half])
        return carry

    lax.fori_loop(0, UPT // 2, pair, 0)
    pltpu.make_async_copy(ob0, oslice(u0 + UPT - 1, 0), os0).wait()
    pltpu.make_async_copy(ob1, oslice(u0 + UPT - 1, 1), os1).wait()


@jax.jit
def _run(xf, tpad):
    f = pl.kernel(
        _body,
        out_type=jax.ShapeDtypeStruct((BC * HIDDEN, H, W), jnp.float32),
        mesh=plsc.VectorSubcoreMesh(core_axis_name="c", subcore_axis_name="s"),
        scratch_types=[
            pltpu.VMEM((NTOK * ROWPAD,), jnp.float32),
            pltpu.VMEM((HSTRIP, W), jnp.int32),
            pltpu.VMEM((HSTRIP, W), jnp.int32),
            pltpu.VMEM((DCH, HSTRIP, W), jnp.float32),
            pltpu.VMEM((DCH, HSTRIP, W), jnp.float32),
            pltpu.SemaphoreType.DMA,
            pltpu.SemaphoreType.DMA,
            pltpu.SemaphoreType.DMA,
            pltpu.SemaphoreType.DMA,
        ],
        compiler_params=pltpu.CompilerParams(needs_layout_passes=False),
    )
    return f(xf, tpad)


def kernel(x, table):
    xf = x.reshape(BC, H, W).astype(jnp.int32)
    tpad = jnp.pad(table, ((0, 0), (0, ROWPAD - HIDDEN))).reshape(-1)
    out = _run(xf, tpad)
    return out.reshape(B, C * HIDDEN, H, W)

# --- scband reference (transcript-rebuilt; emitter-appended) ---
"""Pipeline reference for scband-pixel-embedding-47442208752025 (READ-ONLY COPY).

The authoritative reference and input builder live on the scoring server;
editing this copy changes nothing except your own understanding.
"""

import jax, jax.numpy as jnp
import numpy as np

N_TOKENS = 256
HIDDEN = 32
B, C, H, W = 16, 3, 224, 224

def setup_inputs(seed: int = 0) -> dict:
    key = jax.random.key(seed)
    k1, k2 = jax.random.split(key)
    x = jax.random.randint(k1, (B, C, H, W), 0, N_TOKENS, dtype=jnp.int64 if jax.config.jax_enable_x64 else jnp.int32)
    table = jax.random.normal(k2, (N_TOKENS, HIDDEN), dtype=jnp.float32) * 0.02
    return {"x": x, "table": table}

def reference(x, table):
    # emb = embedding_table(x): gather rows -> [B, C, H, W, HIDDEN]
    emb = jnp.take(table, x, axis=0)
    # permute(0, 1, 4, 2, 3) -> [B, C, HIDDEN, H, W]
    emb = jnp.transpose(emb, (0, 1, 4, 2, 3))
    # reshape(B, -1, H, W)
    Bx = x.shape[0]
    Hx, Wx = x.shape[2], x.shape[3]
    result = emb.reshape(Bx, -1, Hx, Wx)
    return result

if __name__ == "__main__":
    import jax
    _d = setup_inputs()
    print(jax.jit(kernel)(*tuple(_d.values())))

</pallas_src>

<mosaic_0001>
#map = affine_map<(d0, d1) -> (0, 0, 0)>
#map1 = affine_map<(d0, d1) -> (0)>
module attributes {stable_mosaic.version = 14 : i64} {
  func.func @_body(%arg0: i32, %arg1: i32, %arg2: memref<48x224x224xi32, #tpu.memory_space<hbm>>, %arg3: memref<8448xf32, #tpu.memory_space<hbm>>, %arg4: memref<1536x224x224xf32, #tpu.memory_space<hbm>>, %arg5: memref<8448xf32, #tpu.memory_space<vmem>>, %arg6: memref<8x224xi32, #tpu.memory_space<vmem>>, %arg7: memref<8x224xi32, #tpu.memory_space<vmem>>, %arg8: memref<16x8x224xf32, #tpu.memory_space<vmem>>, %arg9: memref<16x8x224xf32, #tpu.memory_space<vmem>>, %arg10: memref<!tpu.dma_semaphore, #tpu.memory_space<semaphore_mem>>, %arg11: memref<!tpu.dma_semaphore, #tpu.memory_space<semaphore_mem>>, %arg12: memref<!tpu.dma_semaphore, #tpu.memory_space<semaphore_mem>>, %arg13: memref<!tpu.dma_semaphore, #tpu.memory_space<semaphore_mem>>) attributes {dimension_semantics = [#tpu.dimension_semantics<core_parallel>, #tpu.dimension_semantics<subcore_parallel>], iteration_bounds = array<i64: 2, 16>, scalar_prefetch = 0 : i64, scratch_operands = 9 : i64, tpu.core_type = #tpu.core_type<sc_vector_subcore>, window_params = [{transform_indices = #map}, {transform_indices = #map1}, {transform_indices = #map}]} {
    %mul3A = arith.constant 2 : i32
    %mul3A_0 = arith.muli %arg1, %mul3A : i32
    %add3A = arith.addi %mul3A_0, %arg0 : i32
    %mul3A_1 = arith.constant 42 : i32
    %mul3A_2 = arith.muli %add3A, %mul3A_1 : i32
    "tpu.region"() ({
      %run_scoped3A = tpu.sem_alloc : memref<!tpu.dma_semaphore, #tpu.memory_space<semaphore_mem>>
      tpu.enqueue_dma source(%arg3 : memref<8448xf32, #tpu.memory_space<hbm>>) target(%arg5 : memref<8448xf32, #tpu.memory_space<vmem>>) target_semaphore(%run_scoped3A : memref<!tpu.dma_semaphore, #tpu.memory_space<semaphore_mem>>)
      tpu.wait_dma2 semaphore(%run_scoped3A : memref<!tpu.dma_semaphore, #tpu.memory_space<semaphore_mem>>) src(%arg3 : memref<8448xf32, #tpu.memory_space<hbm>>) dst(%arg5 : memref<8448xf32, #tpu.memory_space<vmem>>)
      tpu.yield
    }) : () -> ()
    %mul3A_3 = arith.constant 2341 : i32
    %mul3A_4 = arith.muli %mul3A_2, %mul3A_3 : i32
    %shift_right_arithmetic3A = arith.constant 16 : i32
    %shift_right_arithmetic3A_5 = arith.shrsi %mul3A_4, %shift_right_arithmetic3A : i32
    %mul3A_6 = arith.constant 28 : i32
    %mul3A_7 = arith.muli %shift_right_arithmetic3A_5, %mul3A_6 : i32
    %sub3A = arith.subi %mul3A_2, %mul3A_7 : i32
    %mul3A_8 = arith.constant 8 : i32
    %mul3A_9 = arith.muli %sub3A, %mul3A_8 : i32
    %dma_start3A = arith.constant 0 : i32
    %dma_start3A_10 = tpu.memref_slice %arg2[%shift_right_arithmetic3A_5, %mul3A_9, %dma_start3A] : memref<48x224x224xi32, #tpu.memory_space<hbm>> -> memref<1x8x224xi32, #tpu.memory_space<hbm>>
    %dma_start3A_11 = tpu.memref_squeeze %dma_start3A_10 : memref<1x8x224xi32, #tpu.memory_space<hbm>> -> memref<8x224xi32, #tpu.memory_space<hbm>>
    %dma_start3A_12 = arith.constant 0 : i32
    %dma_start3A_13 = tpu.memref_slice %arg2[%shift_right_arithmetic3A_5, %mul3A_9, %dma_start3A_12] : memref<48x224x224xi32, #tpu.memory_space<hbm>> -> memref<1x8x224xi32, #tpu.memory_space<hbm>>
    %dma_start3A_14 = tpu.memref_squeeze %dma_start3A_13 : memref<1x8x224xi32, #tpu.memory_space<hbm>> -> memref<8x224xi32, #tpu.memory_space<hbm>>
    tpu.enqueue_dma source(%dma_start3A_14 : memref<8x224xi32, #tpu.memory_space<hbm>>) target(%arg6 : memref<8x224xi32, #tpu.memory_space<vmem>>) target_semaphore(%arg10 : memref<!tpu.dma_semaphore, #tpu.memory_space<semaphore_mem>>)
    %scan3A = arith.constant 0 : i32
    %scan3A_15 = arith.constant 0 : i32
    %scan3A_16 = arith.constant 21 : i32
    %scan3A_17 = arith.addi %scan3A_15, %scan3A_16 : i32
    %scan3A_18 = arith.constant 1 : i32
    scf.for %scan3A_61 = %scan3A_15 to %scan3A_17 step %scan3A_18  : i32 {
      %mul3A_62 = arith.constant 2 : i32
      %mul3A_63 = arith.muli %scan3A_61, %mul3A_62 : i32
      %add3A_64 = arith.constant 0 : i32
      %add3A_65 = arith.addi %mul3A_63, %add3A_64 : i32
      %add3A_66 = arith.addi %mul3A_2, %add3A_65 : i32
      %mul3A_67 = arith.constant 2341 : i32
      %mul3A_68 = arith.muli %add3A_66, %mul3A_67 : i32
      %shift_right_arithmetic3A_69 = arith.constant 16 : i32
      %shift_right_arithmetic3A_70 = arith.shrsi %mul3A_68, %shift_right_arithmetic3A_69 : i32
      %mul3A_71 = arith.constant 28 : i32
      %mul3A_72 = arith.muli %shift_right_arithmetic3A_70, %mul3A_71 : i32
      %sub3A_73 = arith.subi %add3A_66, %mul3A_72 : i32
      %mul3A_74 = arith.constant 8 : i32
      %mul3A_75 = arith.muli %sub3A_73, %mul3A_74 : i32
      %dma_wait3A_76 = arith.constant 0 : i32
      %dma_wait3A_77 = tpu.memref_slice %arg2[%shift_right_arithmetic3A_70, %mul3A_75, %dma_wait3A_76] : memref<48x224x224xi32, #tpu.memory_space<hbm>> -> memref<1x8x224xi32, #tpu.memory_space<hbm>>
      %dma_wait3A_78 = tpu.memref_squeeze %dma_wait3A_77 : memref<1x8x224xi32, #tpu.memory_space<hbm>> -> memref<8x224xi32, #tpu.memory_space<hbm>>
      %dma_wait3A_79 = arith.constant 0 : i32
      %dma_wait3A_80 = tpu.memref_slice %arg2[%shift_right_arithmetic3A_70, %mul3A_75, %dma_wait3A_79] : memref<48x224x224xi32, #tpu.memory_space<hbm>> -> memref<1x8x224xi32, #tpu.memory_space<hbm>>
      %dma_wait3A_81 = tpu.memref_squeeze %dma_wait3A_80 : memref<1x8x224xi32, #tpu.memory_space<hbm>> -> memref<8x224xi32, #tpu.memory_space<hbm>>
      tpu.wait_dma2 semaphore(%arg10 : memref<!tpu.dma_semaphore, #tpu.memory_space<semaphore_mem>>) src(%dma_wait3A_81 : memref<8x224xi32, #tpu.memory_space<hbm>>) dst(%arg6 : memref<8x224xi32, #tpu.memory_space<vmem>>)
      %lt3A = arith.constant 41 : i32
      %lt3A_82 = arith.cmpi slt, %add3A_65, %lt3A : i32
      %convert_element_type3A = arith.extui %lt3A_82 : i1 to i32
      %cond3A = arith.constant 0 : i32
      %cond3A_83 = arith.cmpi ne, %convert_element_type3A, %cond3A : i32
      scf.if %cond3A_83 {
        %add3A_220 = arith.constant 1 : i32
        %add3A_221 = arith.addi %add3A_66, %add3A_220 : i32
        %mul3A_222 = arith.constant 2341 : i32
        %mul3A_223 = arith.muli %add3A_221, %mul3A_222 : i32
        %shift_right_arithmetic3A_224 = arith.constant 16 : i32
        %shift_right_arithmetic3A_225 = arith.shrsi %mul3A_223, %shift_right_arithmetic3A_224 : i32
        %mul3A_226 = arith.constant 28 : i32
        %mul3A_227 = arith.muli %shift_right_arithmetic3A_225, %mul3A_226 : i32
        %sub3A_228 = arith.subi %add3A_221, %mul3A_227 : i32
        %mul3A_229 = arith.constant 8 : i32
        %mul3A_230 = arith.muli %sub3A_228, %mul3A_229 : i32
        %dma_start3A_231 = arith.constant 0 : i32
        %dma_start3A_232 = tpu.memref_slice %arg2[%shift_right_arithmetic3A_225, %mul3A_230, %dma_start3A_231] : memref<48x224x224xi32, #tpu.memory_space<hbm>> -> memref<1x8x224xi32, #tpu.memory_space<hbm>>
        %dma_start3A_233 = tpu.memref_squeeze %dma_start3A_232 : memref<1x8x224xi32, #tpu.memory_space<hbm>> -> memref<8x224xi32, #tpu.memory_space<hbm>>
        %dma_start3A_234 = arith.constant 0 : i32
        %dma_start3A_235 = tpu.memref_slice %arg2[%shift_right_arithmetic3A_225, %mul3A_230, %dma_start3A_234] : memref<48x224x224xi32, #tpu.memory_space<hbm>> -> memref<1x8x224xi32, #tpu.memory_space<hbm>>
        %dma_start3A_236 = tpu.memref_squeeze %dma_start3A_235 : memref<1x8x224xi32, #tpu.memory_space<hbm>> -> memref<8x224xi32, #tpu.memory_space<hbm>>
        tpu.enqueue_dma source(%dma_start3A_236 : memref<8x224xi32, #tpu.memory_space<hbm>>) target(%arg7 : memref<8x224xi32, #tpu.memory_space<vmem>>) target_semaphore(%arg11 : memref<!tpu.dma_semaphore, #tpu.memory_space<semaphore_mem>>)
      } else {
      }
      %gt3A = arith.constant 0 : i32
      %gt3A_84 = arith.cmpi sgt, %add3A_65, %gt3A : i32
      %convert_element_type3A_85 = arith.extui %gt3A_84 : i1 to i32
      %cond3A_86 = arith.constant 0 : i32
      %cond3A_87 = arith.cmpi ne, %convert_element_type3A_85, %cond3A_86 : i32
      scf.if %cond3A_87 {
        %mul3A_220 = arith.constant 2341 : i32
        %mul3A_221 = arith.muli %add3A_66, %mul3A_220 : i32
        %shift_right_arithmetic3A_222 = arith.constant 16 : i32
        %shift_right_arithmetic3A_223 = arith.shrsi %mul3A_221, %shift_right_arithmetic3A_222 : i32
        %mul3A_224 = arith.constant 28 : i32
        %mul3A_225 = arith.muli %shift_right_arithmetic3A_223, %mul3A_224 : i32
        %sub3A_226 = arith.subi %add3A_66, %mul3A_225 : i32
        %mul3A_227 = arith.constant 32 : i32
        %mul3A_228 = arith.muli %shift_right_arithmetic3A_223, %mul3A_227 : i32
        %add3A_229 = arith.constant 0 : i32
        %add3A_230 = arith.addi %mul3A_228, %add3A_229 : i32
        %mul3A_231 = arith.constant 8 : i32
        %mul3A_232 = arith.muli %sub3A_226, %mul3A_231 : i32
        %dma_wait3A_233 = arith.constant 0 : i32
        %dma_wait3A_234 = tpu.memref_slice %arg4[%add3A_230, %mul3A_232, %dma_wait3A_233] : memref<1536x224x224xf32, #tpu.memory_space<hbm>> -> memref<16x8x224xf32, #tpu.memory_space<hbm>>
        %dma_wait3A_235 = arith.constant 0 : i32
        %dma_wait3A_236 = tpu.memref_slice %arg4[%add3A_230, %mul3A_232, %dma_wait3A_235] : memref<1536x224x224xf32, #tpu.memory_space<hbm>> -> memref<16x8x224xf32, #tpu.memory_space<hbm>>
        tpu.wait_dma2 semaphore(%arg12 : memref<!tpu.dma_semaphore, #tpu.memory_space<semaphore_mem>>) src(%arg8 : memref<16x8x224xf32, #tpu.memory_space<vmem>>) dst(%dma_wait3A_236 : memref<16x8x224xf32, #tpu.memory_space<hbm>>)
      } else {
      }
      %scan3A_88 = arith.constant 0 : i32
      %scan3A_89 = arith.constant 0 : i32
      %scan3A_90 = arith.constant 8 : i32
      %scan3A_91 = arith.addi %scan3A_89, %scan3A_90 : i32
      %scan3A_92 = arith.constant 1 : i32
      scf.for %scan3A_220 = %scan3A_89 to %scan3A_91 step %scan3A_92  : i32 {
        %parallel_loop3A = arith.constant 0 : i32
        %parallel_loop3A_221 = arith.constant 14 : i32
        %parallel_loop3A_222 = arith.constant 1 : i32
        scf.for %parallel_loop3A_223 = %parallel_loop3A to %parallel_loop3A_221 step %parallel_loop3A_222  : i32 {
          %parallel_loop3A_224 = arith.constant 16 : i32
          %parallel_loop3A_225 = arith.muli %parallel_loop3A_223, %parallel_loop3A_224 : i32
          %parallel_loop3A_226 = arith.index_cast %scan3A_220 : i32 to index
          %parallel_loop3A_227 = arith.index_cast %parallel_loop3A_225 : i32 to index
          %parallel_loop3A_228 = tpu.vector_load %arg6[%parallel_loop3A_226, %parallel_loop3A_227] {strides = array<i32>} : memref<8x224xi32, #tpu.memory_space<vmem>>, vector<16xi32>,
          %parallel_loop3A_229 = arith.constant 33 : i32
          %parallel_loop3A_230 = vector.broadcast %parallel_loop3A_229 : i32 to vector<16xi32>
          %parallel_loop3A_231 = arith.muli %parallel_loop3A_228, %parallel_loop3A_230 : vector<16xi32>
          %parallel_loop3A_232 = arith.constant 0 : i32
          %parallel_loop3A_233 = vector.broadcast %parallel_loop3A_232 : i32 to vector<16xi32>
          %parallel_loop3A_234 = arith.addi %parallel_loop3A_231, %parallel_loop3A_233 : vector<16xi32>
          %parallel_loop3A_235 = arith.constant 0 : i32
          %parallel_loop3A_236 = vector.broadcast %parallel_loop3A_235 : i32 to vector<16xi32>
          %parallel_loop3A_237 = arith.addi %parallel_loop3A_234, %parallel_loop3A_236 : vector<16xi32>
          %parallel_loop3A_238 = tpu.vector_load_idx %arg5[%parallel_loop3A_237] : memref<8448xf32, #tpu.memory_space<vmem>>[vector<16xi32>], vector<16xf32>,
          %parallel_loop3A_239 = arith.constant 16 : i32
          %parallel_loop3A_240 = arith.muli %parallel_loop3A_223, %parallel_loop3A_239 : i32
          %parallel_loop3A_241 = arith.constant 0 : i32
          %parallel_loop3A_242 = arith.index_cast %parallel_loop3A_241 : i32 to index
          %parallel_loop3A_243 = arith.index_cast %scan3A_220 : i32 to index
          %parallel_loop3A_244 = arith.index_cast %parallel_loop3A_240 : i32 to index
          %parallel_loop3A_245 = tpu.vector_load %arg8[%parallel_loop3A_242, %parallel_loop3A_243, %parallel_loop3A_244] {strides = array<i32>} : memref<16x8x224xf32, #tpu.memory_space<vmem>>, vector<16xf32>,
          tpu.vector_store %arg8[%parallel_loop3A_242, %parallel_loop3A_243, %parallel_loop3A_244], %parallel_loop3A_238 {strides = array<i32>} : memref<16x8x224xf32, #tpu.memory_space<vmem>>, vector<16xf32>,
          %parallel_loop3A_246 = arith.constant 1 : i32
          %parallel_loop3A_247 = vector.broadcast %parallel_loop3A_246 : i32 to vector<16xi32>
          %parallel_loop3A_248 = arith.addi %parallel_loop3A_234, %parallel_loop3A_247 : vector<16xi32>
          %parallel_loop3A_249 = tpu.vector_load_idx %arg5[%parallel_loop3A_248] : memref<8448xf32, #tpu.memory_space<vmem>>[vector<16xi32>], vector<16xf32>,
          %parallel_loop3A_250 = arith.constant 16 : i32
          %parallel_loop3A_251 = arith.muli %parallel_loop3A_223, %parallel_loop3A_250 : i32
          %parallel_loop3A_252 = arith.constant 1 : i32
          %parallel_loop3A_253 = arith.index_cast %parallel_loop3A_252 : i32 to index
          %parallel_loop3A_254 = arith.index_cast %scan3A_220 : i32 to index
          %parallel_loop3A_255 = arith.index_cast %parallel_loop3A_251 : i32 to index
          %parallel_loop3A_256 = tpu.vector_load %arg8[%parallel_loop3A_253, %parallel_loop3A_254, %parallel_loop3A_255] {strides = array<i32>} : memref<16x8x224xf32, #tpu.memory_space<vmem>>, vector<16xf32>,
          tpu.vector_store %arg8[%parallel_loop3A_253, %parallel_loop3A_254, %parallel_loop3A_255], %parallel_loop3A_249 {strides = array<i32>} : memref<16x8x224xf32, #tpu.memory_space<vmem>>, vector<16xf32>,
          %parallel_loop3A_257 = arith.constant 2 : i32
          %parallel_loop3A_258 = vector.broadcast %parallel_loop3A_257 : i32 to vector<16xi32>
          %parallel_loop3A_259 = arith.addi %parallel_loop3A_234, %parallel_loop3A_258 : vector<16xi32>
          %parallel_loop3A_260 = tpu.vector_load_idx %arg5[%parallel_loop3A_259] : memref<8448xf32, #tpu.memory_space<vmem>>[vector<16xi32>], vector<16xf32>,
          %parallel_loop3A_261 = arith.constant 16 : i32
          %parallel_loop3A_262 = arith.muli %parallel_loop3A_223, %parallel_loop3A_261 : i32
          %parallel_loop3A_263 = arith.constant 2 : i32
          %parallel_loop3A_264 = arith.index_cast %parallel_loop3A_263 : i32 to index
          %parallel_loop3A_265 = arith.index_cast %scan3A_220 : i32 to index
          %parallel_loop3A_266 = arith.index_cast %parallel_loop3A_262 : i32 to index
          %parallel_loop3A_267 = tpu.vector_load %arg8[%parallel_loop3A_264, %parallel_loop3A_265, %parallel_loop3A_266] {strides = array<i32>} : memref<16x8x224xf32, #tpu.memory_space<vmem>>, vector<16xf32>,
          tpu.vector_store %arg8[%parallel_loop3A_264, %parallel_loop3A_265, %parallel_loop3A_266], %parallel_loop3A_260 {strides = array<i32>} : memref<16x8x224xf32, #tpu.memory_space<vmem>>, vector<16xf32>,
          %parallel_loop3A_268 = arith.constant 3 : i32
          %parallel_loop3A_269 = vector.broadcast %parallel_loop3A_268 : i32 to vector<16xi32>
          %parallel_loop3A_270 = arith.addi %parallel_loop3A_234, %parallel_loop3A_269 : vector<16xi32>
          %parallel_loop3A_271 = tpu.vector_load_idx %arg5[%parallel_loop3A_270] : memref<8448xf32, #tpu.memory_space<vmem>>[vector<16xi32>], vector<16xf32>,
          %parallel_loop3A_272 = arith.constant 16 : i32
          %parallel_loop3A_273 = arith.muli %parallel_loop3A_223, %parallel_loop3A_272 : i32
          %parallel_loop3A_274 = arith.constant 3 : i32
          %parallel_loop3A_275 = arith.index_cast %parallel_loop3A_274 : i32 to index
          %parallel_loop3A_276 = arith.index_cast %scan3A_220 : i32 to index
          %parallel_loop3A_277 = arith.index_cast %parallel_loop3A_273 : i32 to index
          %parallel_loop3A_278 = tpu.vector_load %arg8[%parallel_loop3A_275, %parallel_loop3A_276, %parallel_loop3A_277] {strides = array<i32>} : memref<16x8x224xf32, #tpu.memory_space<vmem>>, vector<16xf32>,
          tpu.vector_store %arg8[%parallel_loop3A_275, %parallel_loop3A_276, %parallel_loop3A_277], %parallel_loop3A_271 {strides = array<i32>} : memref<16x8x224xf32, #tpu.memory_space<vmem>>, vector<16xf32>,
          %parallel_loop3A_279 = arith.constant 4 : i32
          %parallel_loop3A_280 = vector.broadcast %parallel_loop3A_279 : i32 to vector<16xi32>
          %parallel_loop3A_281 = arith.addi %parallel_loop3A_234, %parallel_loop3A_280 : vector<16xi32>
          %parallel_loop3A_282 = tpu.vector_load_idx %arg5[%parallel_loop3A_281] : memref<8448xf32, #tpu.memory_space<vmem>>[vector<16xi32>], vector<16xf32>,
          %parallel_loop3A_283 = arith.constant 16 : i32
          %parallel_loop3A_284 = arith.muli %parallel_loop3A_223, %parallel_loop3A_283 : i32
          %parallel_loop3A_285 = arith.constant 4 : i32
          %parallel_loop3A_286 = arith.index_cast %parallel_loop3A_285 : i32 to index
          %parallel_loop3A_287 = arith.index_cast %scan3A_220 : i32 to index
          %parallel_loop3A_288 = arith.index_cast %parallel_loop3A_284 : i32 to index
          %parallel_loop3A_289 = tpu.vector_load %arg8[%parallel_loop3A_286, %parallel_loop3A_287, %parallel_loop3A_288] {strides = array<i32>} : memref<16x8x224xf32, #tpu.memory_space<vmem>>, vector<16xf32>,
          tpu.vector_store %arg8[%parallel_loop3A_286, %parallel_loop3A_287, %parallel_loop3A_288], %parallel_loop3A_282 {strides = array<i32>} : memref<16x8x224xf32, #tpu.memory_space<vmem>>, vector<16xf32>,
          %parallel_loop3A_290 = arith.constant 5 : i32
          %parallel_loop3A_291 = vector.broadcast %parallel_loop3A_290 : i32 to vector<16xi32>
          %parallel_loop3A_292 = arith.addi %parallel_loop3A_234, %parallel_loop3A_291 : vector<16xi32>
          %parallel_loop3A_293 = tpu.vector_load_idx %arg5[%parallel_loop3A_292] : memref<8448xf32, #tpu.memory_space<vmem>>[vector<16xi32>], vector<16xf32>,
          %parallel_loop3A_294 = arith.constant 16 : i32
          %parallel_loop3A_295 = arith.muli %parallel_loop3A_223, %parallel_loop3A_294 : i32
          %parallel_loop3A_296 = arith.constant 5 : i32
          %parallel_loop3A_297 = arith.index_cast %parallel_loop3A_296 : i32 to index
          %parallel_loop3A_298 = arith.index_cast %scan3A_220 : i32 to index
          %parallel_loop3A_299 = arith.index_cast %parallel_loop3A_295 : i32 to index
          %parallel_loop3A_300 = tpu.vector_load %arg8[%parallel_loop3A_297, %parallel_loop3A_298, %parallel_loop3A_299] {strides = array<i32>} : memref<16x8x224xf32, #tpu.memory_space<vmem>>, vector<16xf32>,
          tpu.vector_store %arg8[%parallel_loop3A_297, %parallel_loop3A_298, %parallel_loop3A_299], %parallel_loop3A_293 {strides = array<i32>} : memref<16x8x224xf32, #tpu.memory_space<vmem>>, vector<16xf32>,
          %parallel_loop3A_301 = arith.constant 6 : i32
          %parallel_loop3A_302 = vector.broadcast %parallel_loop3A_301 : i32 to vector<16xi32>
          %parallel_loop3A_303 = arith.addi %parallel_loop3A_234, %parallel_loop3A_302 : vector<16xi32>
          %parallel_loop3A_304 = tpu.vector_load_idx %arg5[%parallel_loop3A_303] : memref<8448xf32, #tpu.memory_space<vmem>>[vector<16xi32>], vector<16xf32>,
          %parallel_loop3A_305 = arith.constant 16 : i32
          %parallel_loop3A_306 = arith.muli %parallel_loop3A_223, %parallel_loop3A_305 : i32
          %parallel_loop3A_307 = arith.constant 6 : i32
          %parallel_loop3A_308 = arith.index_cast %parallel_loop3A_307 : i32 to index
          %parallel_loop3A_309 = arith.index_cast %scan3A_220 : i32 to index
          %parallel_loop3A_310 = arith.index_cast %parallel_loop3A_306 : i32 to index
          %parallel_loop3A_311 = tpu.vector_load %arg8[%parallel_loop3A_308, %parallel_loop3A_309, %parallel_loop3A_310] {strides = array<i32>} : memref<16x8x224xf32, #tpu.memory_space<vmem>>, vector<16xf32>,
          tpu.vector_store %arg8[%parallel_loop3A_308, %parallel_loop3A_309, %parallel_loop3A_310], %parallel_loop3A_304 {strides = array<i32>} : memref<16x8x224xf32, #tpu.memory_space<vmem>>, vector<16xf32>,
          %parallel_loop3A_312 = arith.constant 7 : i32
          %parallel_loop3A_313 = vector.broadcast %parallel_loop3A_312 : i32 to vector<16xi32>
          %parallel_loop3A_314 = arith.addi %parallel_loop3A_234, %parallel_loop3A_313 : vector<16xi32>
          %parallel_loop3A_315 = tpu.vector_load_idx %arg5[%parallel_loop3A_314] : memref<8448xf32, #tpu.memory_space<vmem>>[vector<16xi32>], vector<16xf32>,
          %parallel_loop3A_316 = arith.constant 16 : i32
          %parallel_loop3A_317 = arith.muli %parallel_loop3A_223, %parallel_loop3A_316 : i32
          %parallel_loop3A_318 = arith.constant 7 : i32
          %parallel_loop3A_319 = arith.index_cast %parallel_loop3A_318 : i32 to index
          %parallel_loop3A_320 = arith.index_cast %scan3A_220 : i32 to index
          %parallel_loop3A_321 = arith.index_cast %parallel_loop3A_317 : i32 to index
          %parallel_loop3A_322 = tpu.vector_load %arg8[%parallel_loop3A_319, %parallel_loop3A_320, %parallel_loop3A_321] {strides = array<i32>} : memref<16x8x224xf32, #tpu.memory_space<vmem>>, vector<16xf32>,
          tpu.vector_store %arg8[%parallel_loop3A_319, %parallel_loop3A_320, %parallel_loop3A_321], %parallel_loop3A_315 {strides = array<i32>} : memref<16x8x224xf32, #tpu.memory_space<vmem>>, vector<16xf32>,
          %parallel_loop3A_323 = arith.constant 8 : i32
          %parallel_loop3A_324 = vector.broadcast %parallel_loop3A_323 : i32 to vector<16xi32>
          %parallel_loop3A_325 = arith.addi %parallel_loop3A_234, %parallel_loop3A_324 : vector<16xi32>
          %parallel_loop3A_326 = tpu.vector_load_idx %arg5[%parallel_loop3A_325] : memref<8448xf32, #tpu.memory_space<vmem>>[vector<16xi32>], vector<16xf32>,
          %parallel_loop3A_327 = arith.constant 16 : i32
          %parallel_loop3A_328 = arith.muli %parallel_loop3A_223, %parallel_loop3A_327 : i32
          %parallel_loop3A_329 = arith.constant 8 : i32
          %parallel_loop3A_330 = arith.index_cast %parallel_loop3A_329 : i32 to index
          %parallel_loop3A_331 = arith.index_cast %scan3A_220 : i32 to index
          %parallel_loop3A_332 = arith.index_cast %parallel_loop3A_328 : i32 to index
          %parallel_loop3A_333 = tpu.vector_load %arg8[%parallel_loop3A_330, %parallel_loop3A_331, %parallel_loop3A_332] {strides = array<i32>} : memref<16x8x224xf32, #tpu.memory_space<vmem>>, vector<16xf32>,
          tpu.vector_store %arg8[%parallel_loop3A_330, %parallel_loop3A_331, %parallel_loop3A_332], %parallel_loop3A_326 {strides = array<i32>} : memref<16x8x224xf32, #tpu.memory_space<vmem>>, vector<16xf32>,
          %parallel_loop3A_334 = arith.constant 9 : i32
          %parallel_loop3A_335 = vector.broadcast %parallel_loop3A_334 : i32 to vector<16xi32>
          %parallel_loop3A_336 = arith.addi %parallel_loop3A_234, %parallel_loop3A_335 : vector<16xi32>
          %parallel_loop3A_337 = tpu.vector_load_idx %arg5[%parallel_loop3A_336] : memref<8448xf32, #tpu.memory_space<vmem>>[vector<16xi32>], vector<16xf32>,
          %parallel_loop3A_338 = arith.constant 16 : i32
          %parallel_loop3A_339 = arith.muli %parallel_loop3A_223, %parallel_loop3A_338 : i32
          %parallel_loop3A_340 = arith.constant 9 : i32
          %parallel_loop3A_341 = arith.index_cast %parallel_loop3A_340 : i32 to index
          %parallel_loop3A_342 = arith.index_cast %scan3A_220 : i32 to index
          %parallel_loop3A_343 = arith.index_cast %parallel_loop3A_339 : i32 to index
          %parallel_loop3A_344 = tpu.vector_load %arg8[%parallel_loop3A_341, %parallel_loop3A_342, %parallel_loop3A_343] {strides = array<i32>} : memref<16x8x224xf32, #tpu.memory_space<vmem>>, vector<16xf32>,
          tpu.vector_store %arg8[%parallel_loop3A_341, %parallel_loop3A_342, %parallel_loop3A_343], %parallel_loop3A_337 {strides = array<i32>} : memref<16x8x224xf32, #tpu.memory_space<vmem>>, vector<16xf32>,
          %parallel_loop3A_345 = arith.constant 10 : i32
          %parallel_loop3A_346 = vector.broadcast %parallel_loop3A_345 : i32 to vector<16xi32>
          %parallel_loop3A_347 = arith.addi %parallel_loop3A_234, %parallel_loop3A_346 : vector<16xi32>
          %parallel_loop3A_348 = tpu.vector_load_idx %arg5[%parallel_loop3A_347] : memref<8448xf32, #tpu.memory_space<vmem>>[vector<16xi32>], vector<16xf32>,
          %parallel_loop3A_349 = arith.constant 16 : i32
          %parallel_loop3A_350 = arith.muli %parallel_loop3A_223, %parallel_loop3A_349 : i32
          %parallel_loop3A_351 = arith.constant 10 : i32
          %parallel_loop3A_352 = arith.index_cast %parallel_loop3A_351 : i32 to index
          %parallel_loop3A_353 = arith.index_cast %scan3A_220 : i32 to index
          %parallel_loop3A_354 = arith.index_cast %parallel_loop3A_350 : i32 to index
          %parallel_loop3A_355 = tpu.vector_load %arg8[%parallel_loop3A_352, %parallel_loop3A_353, %parallel_loop3A_354] {strides = array<i32>} : memref<16x8x224xf32, #tpu.memory_space<vmem>>, vector<16xf32>,
          tpu.vector_store %arg8[%parallel_loop3A_352, %parallel_loop3A_353, %parallel_loop3A_354], %parallel_loop3A_348 {strides = array<i32>} : memref<16x8x224xf32, #tpu.memory_space<vmem>>, vector<16xf32>,
          %parallel_loop3A_356 = arith.constant 11 : i32
          %parallel_loop3A_357 = vector.broadcast %parallel_loop3A_356 : i32 to vector<16xi32>
          %parallel_loop3A_358 = arith.addi %parallel_loop3A_234, %parallel_loop3A_357 : vector<16xi32>
          %parallel_loop3A_359 = tpu.vector_load_idx %arg5[%parallel_loop3A_358] : memref<8448xf32, #tpu.memory_space<vmem>>[vector<16xi32>], vector<16xf32>,
          %parallel_loop3A_360 = arith.constant 16 : i32
          %parallel_loop3A_361 = arith.muli %parallel_loop3A_223, %parallel_loop3A_360 : i32
          %parallel_loop3A_362 = arith.constant 11 : i32
          %parallel_loop3A_363 = arith.index_cast %parallel_loop3A_362 : i32 to index
          %parallel_loop3A_364 = arith.index_cast %scan3A_220 : i32 to index
          %parallel_loop3A_365 = arith.index_cast %parallel_loop3A_361 : i32 to index
          %parallel_loop3A_366 = tpu.vector_load %arg8[%parallel_loop3A_363, %parallel_loop3A_364, %parallel_loop3A_365] {strides = array<i32>} : memref<16x8x224xf32, #tpu.memory_space<vmem>>, vector<16xf32>,
          tpu.vector_store %arg8[%parallel_loop3A_363, %parallel_loop3A_364, %parallel_loop3A_365], %parallel_loop3A_359 {strides = array<i32>} : memref<16x8x224xf32, #tpu.memory_space<vmem>>, vector<16xf32>,
          %parallel_loop3A_367 = arith.constant 12 : i32
          %parallel_loop3A_368 = vector.broadcast %parallel_loop3A_367 : i32 to vector<16xi32>
          %parallel_loop3A_369 = arith.addi %parallel_loop3A_234, %parallel_loop3A_368 : vector<16xi32>
          %parallel_loop3A_370 = tpu.vector_load_idx %arg5[%parallel_loop3A_369] : memref<8448xf32, #tpu.memory_space<vmem>>[vector<16xi32>], vector<16xf32>,
          %parallel_loop3A_371 = arith.constant 16 : i32
          %parallel_loop3A_372 = arith.muli %parallel_loop3A_223, %parallel_loop3A_371 : i32
          %parallel_loop3A_373 = arith.constant 12 : i32
          %parallel_loop3A_374 = arith.index_cast %parallel_loop3A_373 : i32 to index
          %parallel_loop3A_375 = arith.index_cast %scan3A_220 : i32 to index
          %parallel_loop3A_376 = arith.index_cast %parallel_loop3A_372 : i32 to index
          %parallel_loop3A_377 = tpu.vector_load %arg8[%parallel_loop3A_374, %parallel_loop3A_375, %parallel_loop3A_376] {strides = array<i32>} : memref<16x8x224xf32, #tpu.memory_space<vmem>>, vector<16xf32>,
          tpu.vector_store %arg8[%parallel_loop3A_374, %parallel_loop3A_375, %parallel_loop3A_376], %parallel_loop3A_370 {strides = array<i32>} : memref<16x8x224xf32, #tpu.memory_space<vmem>>, vector<16xf32>,
          %parallel_loop3A_378 = arith.constant 13 : i32
          %parallel_loop3A_379 = vector.broadcast %parallel_loop3A_378 : i32 to vector<16xi32>
          %parallel_loop3A_380 = arith.addi %parallel_loop3A_234, %parallel_loop3A_379 : vector<16xi32>
          %parallel_loop3A_381 = tpu.vector_load_idx %arg5[%parallel_loop3A_380] : memref<8448xf32, #tpu.memory_space<vmem>>[vector<16xi32>], vector<16xf32>,
          %parallel_loop3A_382 = arith.constant 16 : i32
          %parallel_loop3A_383 = arith.muli %parallel_loop3A_223, %parallel_loop3A_382 : i32
          %parallel_loop3A_384 = arith.constant 13 : i32
          %parallel_loop3A_385 = arith.index_cast %parallel_loop3A_384 : i32 to index
          %parallel_loop3A_386 = arith.index_cast %scan3A_220 : i32 to index
          %parallel_loop3A_387 = arith.index_cast %parallel_loop3A_383 : i32 to index
          %parallel_loop3A_388 = tpu.vector_load %arg8[%parallel_loop3A_385, %parallel_loop3A_386, %parallel_loop3A_387] {strides = array<i32>} : memref<16x8x224xf32, #tpu.memory_space<vmem>>, vector<16xf32>,
          tpu.vector_store %arg8[%parallel_loop3A_385, %parallel_loop3A_386, %parallel_loop3A_387], %parallel_loop3A_381 {strides = array<i32>} : memref<16x8x224xf32, #tpu.memory_space<vmem>>, vector<16xf32>,
          %parallel_loop3A_389 = arith.constant 14 : i32
          %parallel_loop3A_390 = vector.broadcast %parallel_loop3A_389 : i32 to vector<16xi32>
          %parallel_loop3A_391 = arith.addi %parallel_loop3A_234, %parallel_loop3A_390 : vector<16xi32>
          %parallel_loop3A_392 = tpu.vector_load_idx %arg5[%parallel_loop3A_391] : memref<8448xf32, #tpu.memory_space<vmem>>[vector<16xi32>], vector<16xf32>,
          %parallel_loop3A_393 = arith.constant 16 : i32
          %parallel_loop3A_394 = arith.muli %parallel_loop3A_223, %parallel_loop3A_393 : i32
          %parallel_loop3A_395 = arith.constant 14 : i32
          %parallel_loop3A_396 = arith.index_cast %parallel_loop3A_395 : i32 to index
          %parallel_loop3A_397 = arith.index_cast %scan3A_220 : i32 to index
          %parallel_loop3A_398 = arith.index_cast %parallel_loop3A_394 : i32 to index
          %parallel_loop3A_399 = tpu.vector_load %arg8[%parallel_loop3A_396, %parallel_loop3A_397, %parallel_loop3A_398] {strides = array<i32>} : memref<16x8x224xf32, #tpu.memory_space<vmem>>, vector<16xf32>,
          tpu.vector_store %arg8[%parallel_loop3A_396, %parallel_loop3A_397, %parallel_loop3A_398], %parallel_loop3A_392 {strides = array<i32>} : memref<16x8x224xf32, #tpu.memory_space<vmem>>, vector<16xf32>,
          %parallel_loop3A_400 = arith.constant 15 : i32
          %parallel_loop3A_401 = vector.broadcast %parallel_loop3A_400 : i32 to vector<16xi32>
          %parallel_loop3A_402 = arith.addi %parallel_loop3A_234, %parallel_loop3A_401 : vector<16xi32>
          %parallel_loop3A_403 = tpu.vector_load_idx %arg5[%parallel_loop3A_402] : memref<8448xf32, #tpu.memory_space<vmem>>[vector<16xi32>], vector<16xf32>,
          %parallel_loop3A_404 = arith.constant 16 : i32
          %parallel_loop3A_405 = arith.muli %parallel_loop3A_223, %parallel_loop3A_404 : i32
          %parallel_loop3A_406 = arith.constant 15 : i32
          %parallel_loop3A_407 = arith.index_cast %parallel_loop3A_406 : i32 to index
          %parallel_loop3A_408 = arith.index_cast %scan3A_220 : i32 to index
          %parallel_loop3A_409 = arith.index_cast %parallel_loop3A_405 : i32 to index
          %parallel_loop3A_410 = tpu.vector_load %arg8[%parallel_loop3A_407, %parallel_loop3A_408, %parallel_loop3A_409] {strides = array<i32>} : memref<16x8x224xf32, #tpu.memory_space<vmem>>, vector<16xf32>,
          tpu.vector_store %arg8[%parallel_loop3A_407, %parallel_loop3A_408, %parallel_loop3A_409], %parallel_loop3A_403 {strides = array<i32>} : memref<16x8x224xf32, #tpu.memory_space<vmem>>, vector<16xf32>,
        } {sc.loop_unroll_factor = 2 : i64, sc.parallel_access}
      }
      %scan3A_93 = arith.constant 8 : i32
      %mul3A_94 = arith.constant 2341 : i32
      %mul3A_95 = arith.muli %add3A_66, %mul3A_94 : i32
      %shift_right_arithmetic3A_96 = arith.constant 16 : i32
      %shift_right_arithmetic3A_97 = arith.shrsi %mul3A_95, %shift_right_arithmetic3A_96 : i32
      %mul3A_98 = arith.constant 28 : i32
      %mul3A_99 = arith.muli %shift_right_arithmetic3A_97, %mul3A_98 : i32
      %sub3A_100 = arith.subi %add3A_66, %mul3A_99 : i32
      %mul3A_101 = arith.constant 32 : i32
      %mul3A_102 = arith.muli %shift_right_arithmetic3A_97, %mul3A_101 : i32
      %add3A_103 = arith.constant 0 : i32
      %add3A_104 = arith.addi %mul3A_102, %add3A_103 : i32
      %mul3A_105 = arith.constant 8 : i32
      %mul3A_106 = arith.muli %sub3A_100, %mul3A_105 : i32
      %dma_start3A_107 = arith.constant 0 : i32
      %dma_start3A_108 = tpu.memref_slice %arg4[%add3A_104, %mul3A_106, %dma_start3A_107] : memref<1536x224x224xf32, #tpu.memory_space<hbm>> -> memref<16x8x224xf32, #tpu.memory_space<hbm>>
      %dma_start3A_109 = arith.constant 0 : i32
      %dma_start3A_110 = tpu.memref_slice %arg4[%add3A_104, %mul3A_106, %dma_start3A_109] : memref<1536x224x224xf32, #tpu.memory_space<hbm>> -> memref<16x8x224xf32, #tpu.memory_space<hbm>>
      tpu.enqueue_dma source(%arg8 : memref<16x8x224xf32, #tpu.memory_space<vmem>>) target(%dma_start3A_110 : memref<16x8x224xf32, #tpu.memory_space<hbm>>) target_semaphore(%arg12 : memref<!tpu.dma_semaphore, #tpu.memory_space<semaphore_mem>>)
      %gt3A_111 = arith.constant 0 : i32
      %gt3A_112 = arith.cmpi sgt, %add3A_65, %gt3A_111 : i32
      %convert_element_type3A_113 = arith.extui %gt3A_112 : i1 to i32
      %cond3A_114 = arith.constant 0 : i32
      %cond3A_115 = arith.cmpi ne, %convert_element_type3A_113, %cond3A_114 : i32
      scf.if %cond3A_115 {
        %mul3A_220 = arith.constant 2341 : i32
        %mul3A_221 = arith.muli %add3A_66, %mul3A_220 : i32
        %shift_right_arithmetic3A_222 = arith.constant 16 : i32
        %shift_right_arithmetic3A_223 = arith.shrsi %mul3A_221, %shift_right_arithmetic3A_222 : i32
        %mul3A_224 = arith.constant 28 : i32
        %mul3A_225 = arith.muli %shift_right_arithmetic3A_223, %mul3A_224 : i32
        %sub3A_226 = arith.subi %add3A_66, %mul3A_225 : i32
        %mul3A_227 = arith.constant 32 : i32
        %mul3A_228 = arith.muli %shift_right_arithmetic3A_223, %mul3A_227 : i32
        %add3A_229 = arith.constant 16 : i32
        %add3A_230 = arith.addi %mul3A_228, %add3A_229 : i32
        %mul3A_231 = arith.constant 8 : i32
        %mul3A_232 = arith.muli %sub3A_226, %mul3A_231 : i32
        %dma_wait3A_233 = arith.constant 0 : i32
        %dma_wait3A_234 = tpu.memref_slice %arg4[%add3A_230, %mul3A_232, %dma_wait3A_233] : memref<1536x224x224xf32, #tpu.memory_space<hbm>> -> memref<16x8x224xf32, #tpu.memory_space<hbm>>
        %dma_wait3A_235 = arith.constant 0 : i32
        %dma_wait3A_236 = tpu.memref_slice %arg4[%add3A_230, %mul3A_232, %dma_wait3A_235] : memref<1536x224x224xf32, #tpu.memory_space<hbm>> -> memref<16x8x224xf32, #tpu.memory_space<hbm>>
        tpu.wait_dma2 semaphore(%arg13 : memref<!tpu.dma_semaphore, #tpu.memory_space<semaphore_mem>>) src(%arg9 : memref<16x8x224xf32, #tpu.memory_space<vmem>>) dst(%dma_wait3A_236 : memref<16x8x224xf32, #tpu.memory_space<hbm>>)
      } else {
      }
      %scan3A_116 = arith.constant 0 : i32
      %scan3A_117 = arith.constant 0 : i32
      %scan3A_118 = arith.constant 8 : i32
      %scan3A_119 = arith.addi %scan3A_117, %scan3A_118 : i32
      %scan3A_120 = arith.constant 1 : i32
      scf.for %scan3A_220 = %scan3A_117 to %scan3A_119 step %scan3A_120  : i32 {
        %parallel_loop3A = arith.constant 0 : i32
        %parallel_loop3A_221 = arith.constant 14 : i32
        %parallel_loop3A_222 = arith.constant 1 : i32
        scf.for %parallel_loop3A_223 = %parallel_loop3A to %parallel_loop3A_221 step %parallel_loop3A_222  : i32 {
          %parallel_loop3A_224 = arith.constant 16 : i32
          %parallel_loop3A_225 = arith.muli %parallel_loop3A_223, %parallel_loop3A_224 : i32
          %parallel_loop3A_226 = arith.index_cast %scan3A_220 : i32 to index
          %parallel_loop3A_227 = arith.index_cast %parallel_loop3A_225 : i32 to index
          %parallel_loop3A_228 = tpu.vector_load %arg6[%parallel_loop3A_226, %parallel_loop3A_227] {strides = array<i32>} : memref<8x224xi32, #tpu.memory_space<vmem>>, vector<16xi32>,
          %parallel_loop3A_229 = arith.constant 33 : i32
          %parallel_loop3A_230 = vector.broadcast %parallel_loop3A_229 : i32 to vector<16xi32>
          %parallel_loop3A_231 = arith.muli %parallel_loop3A_228, %parallel_loop3A_230 : vector<16xi32>
          %parallel_loop3A_232 = arith.constant 16 : i32
          %parallel_loop3A_233 = vector.broadcast %parallel_loop3A_232 : i32 to vector<16xi32>
          %parallel_loop3A_234 = arith.addi %parallel_loop3A_231, %parallel_loop3A_233 : vector<16xi32>
          %parallel_loop3A_235 = arith.constant 0 : i32
          %parallel_loop3A_236 = vector.broadcast %parallel_loop3A_235 : i32 to vector<16xi32>
          %parallel_loop3A_237 = arith.addi %parallel_loop3A_234, %parallel_loop3A_236 : vector<16xi32>
          %parallel_loop3A_238 = tpu.vector_load_idx %arg5[%parallel_loop3A_237] : memref<8448xf32, #tpu.memory_space<vmem>>[vector<16xi32>], vector<16xf32>,
          %parallel_loop3A_239 = arith.constant 16 : i32
          %parallel_loop3A_240 = arith.muli %parallel_loop3A_223, %parallel_loop3A_239 : i32
          %parallel_loop3A_241 = arith.constant 0 : i32
          %parallel_loop3A_242 = arith.index_cast %parallel_loop3A_241 : i32 to index
          %parallel_loop3A_243 = arith.index_cast %scan3A_220 : i32 to index
          %parallel_loop3A_244 = arith.index_cast %parallel_loop3A_240 : i32 to index
          %parallel_loop3A_245 = tpu.vector_load %arg9[%parallel_loop3A_242, %parallel_loop3A_243, %parallel_loop3A_244] {strides = array<i32>} : memref<16x8x224xf32, #tpu.memory_space<vmem>>, vector<16xf32>,
          tpu.vector_store %arg9[%parallel_loop3A_242, %parallel_loop3A_243, %parallel_loop3A_244], %parallel_loop3A_238 {strides = array<i32>} : memref<16x8x224xf32, #tpu.memory_space<vmem>>, vector<16xf32>,
          %parallel_loop3A_246 = arith.constant 1 : i32
          %parallel_loop3A_247 = vector.broadcast %parallel_loop3A_246 : i32 to vector<16xi32>
          %parallel_loop3A_248 = arith.addi %parallel_loop3A_234, %parallel_loop3A_247 : vector<16xi32>
          %parallel_loop3A_249 = tpu.vector_load_idx %arg5[%parallel_loop3A_248] : memref<8448xf32, #tpu.memory_space<vmem>>[vector<16xi32>], vector<16xf32>,
          %parallel_loop3A_250 = arith.constant 16 : i32
          %parallel_loop3A_251 = arith.muli %parallel_loop3A_223, %parallel_loop3A_250 : i32
          %parallel_loop3A_252 = arith.constant 1 : i32
          %parallel_loop3A_253 = arith.index_cast %parallel_loop3A_252 : i32 to index
          %parallel_loop3A_254 = arith.index_cast %scan3A_220 : i32 to index
          %parallel_loop3A_255 = arith.index_cast %parallel_loop3A_251 : i32 to index
          %parallel_loop3A_256 = tpu.vector_load %arg9[%parallel_loop3A_253, %parallel_loop3A_254, %parallel_loop3A_255] {strides = array<i32>} : memref<16x8x224xf32, #tpu.memory_space<vmem>>, vector<16xf32>,
          tpu.vector_store %arg9[%parallel_loop3A_253, %parallel_loop3A_254, %parallel_loop3A_255], %parallel_loop3A_249 {strides = array<i32>} : memref<16x8x224xf32, #tpu.memory_space<vmem>>, vector<16xf32>,
          %parallel_loop3A_257 = arith.constant 2 : i32
          %parallel_loop3A_258 = vector.broadcast %parallel_loop3A_257 : i32 to vector<16xi32>
          %parallel_loop3A_259 = arith.addi %parallel_loop3A_234, %parallel_loop3A_258 : vector<16xi32>
          %parallel_loop3A_260 = tpu.vector_load_idx %arg5[%parallel_loop3A_259] : memref<8448xf32, #tpu.memory_space<vmem>>[vector<16xi32>], vector<16xf32>,
          %parallel_loop3A_261 = arith.constant 16 : i32
          %parallel_loop3A_262 = arith.muli %parallel_loop3A_223, %parallel_loop3A_261 : i32
          %parallel_loop3A_263 = arith.constant 2 : i32
          %parallel_loop3A_264 = arith.index_cast %parallel_loop3A_263 : i32 to index
          %parallel_loop3A_265 = arith.index_cast %scan3A_220 : i32 to index
          %parallel_loop3A_266 = arith.index_cast %parallel_loop3A_262 : i32 to index
          %parallel_loop3A_267 = tpu.vector_load %arg9[%parallel_loop3A_264, %parallel_loop3A_265, %parallel_loop3A_266] {strides = array<i32>} : memref<16x8x224xf32, #tpu.memory_space<vmem>>, vector<16xf32>,
          tpu.vector_store %arg9[%parallel_loop3A_264, %parallel_loop3A_265, %parallel_loop3A_266], %parallel_loop3A_260 {strides = array<i32>} : memref<16x8x224xf32, #tpu.memory_space<vmem>>, vector<16xf32>,
          %parallel_loop3A_268 = arith.constant 3 : i32
          %parallel_loop3A_269 = vector.broadcast %parallel_loop3A_268 : i32 to vector<16xi32>
          %parallel_loop3A_270 = arith.addi %parallel_loop3A_234, %parallel_loop3A_269 : vector<16xi32>
          %parallel_loop3A_271 = tpu.vector_load_idx %arg5[%parallel_loop3A_270] : memref<8448xf32, #tpu.memory_space<vmem>>[vector<16xi32>], vector<16xf32>,
          %parallel_loop3A_272 = arith.constant 16 : i32
          %parallel_loop3A_273 = arith.muli %parallel_loop3A_223, %parallel_loop3A_272 : i32
          %parallel_loop3A_274 = arith.constant 3 : i32
          %parallel_loop3A_275 = arith.index_cast %parallel_loop3A_274 : i32 to index
          %parallel_loop3A_276 = arith.index_cast %scan3A_220 : i32 to index
          %parallel_loop3A_277 = arith.index_cast %parallel_loop3A_273 : i32 to index
          %parallel_loop3A_278 = tpu.vector_load %arg9[%parallel_loop3A_275, %parallel_loop3A_276, %parallel_loop3A_277] {strides = array<i32>} : memref<16x8x224xf32, #tpu.memory_space<vmem>>, vector<16xf32>,
          tpu.vector_store %arg9[%parallel_loop3A_275, %parallel_loop3A_276, %parallel_loop3A_277], %parallel_loop3A_271 {strides = array<i32>} : memref<16x8x224xf32, #tpu.memory_space<vmem>>, vector<16xf32>,
          %parallel_loop3A_279 = arith.constant 4 : i32
          %parallel_loop3A_280 = vector.broadcast %parallel_loop3A_279 : i32 to vector<16xi32>
          %parallel_loop3A_281 = arith.addi %parallel_loop3A_234, %parallel_loop3A_280 : vector<16xi32>
          %parallel_loop3A_282 = tpu.vector_load_idx %arg5[%parallel_loop3A_281] : memref<8448xf32, #tpu.memory_space<vmem>>[vector<16xi32>], vector<16xf32>,
          %parallel_loop3A_283 = arith.constant 16 : i32
          %parallel_loop3A_284 = arith.muli %parallel_loop3A_223, %parallel_loop3A_283 : i32
          %parallel_loop3A_285 = arith.constant 4 : i32
          %parallel_loop3A_286 = arith.index_cast %parallel_loop3A_285 : i32 to index
          %parallel_loop3A_287 = arith.index_cast %scan3A_220 : i32 to index
          %parallel_loop3A_288 = arith.index_cast %parallel_loop3A_284 : i32 to index
          %parallel_loop3A_289 = tpu.vector_load %arg9[%parallel_loop3A_286, %parallel_loop3A_287, %parallel_loop3A_288] {strides = array<i32>} : memref<16x8x224xf32, #tpu.memory_space<vmem>>, vector<16xf32>,
          tpu.vector_store %arg9[%parallel_loop3A_286, %parallel_loop3A_287, %parallel_loop3A_288], %parallel_loop3A_282 {strides = array<i32>} : memref<16x8x224xf32, #tpu.memory_space<vmem>>, vector<16xf32>,
          %parallel_loop3A_290 = arith.constant 5 : i32
          %parallel_loop3A_291 = vector.broadcast %parallel_loop3A_290 : i32 to vector<16xi32>
          %parallel_loop3A_292 = arith.addi %parallel_loop3A_234, %parallel_loop3A_291 : vector<16xi32>
          %parallel_loop3A_293 = tpu.vector_load_idx %arg5[%parallel_loop3A_292] : memref<8448xf32, #tpu.memory_space<vmem>>[vector<16xi32>], vector<16xf32>,
          %parallel_loop3A_294 = arith.constant 16 : i32
          %parallel_loop3A_295 = arith.muli %parallel_loop3A_223, %parallel_loop3A_294 : i32
          %parallel_loop3A_296 = arith.constant 5 : i32
          %parallel_loop3A_297 = arith.index_cast %parallel_loop3A_296 : i32 to index
          %parallel_loop3A_298 = arith.index_cast %scan3A_220 : i32 to index
          %parallel_loop3A_299 = arith.index_cast %parallel_loop3A_295 : i32 to index
          %parallel_loop3A_300 = tpu.vector_load %arg9[%parallel_loop3A_297, %parallel_loop3A_298, %parallel_loop3A_299] {strides = array<i32>} : memref<16x8x224xf32, #tpu.memory_space<vmem>>, vector<16xf32>,
          tpu.vector_store %arg9[%parallel_loop3A_297, %parallel_loop3A_298, %parallel_loop3A_299], %parallel_loop3A_293 {strides = array<i32>} : memref<16x8x224xf32, #tpu.memory_space<vmem>>, vector<16xf32>,
          %parallel_loop3A_301 = arith.constant 6 : i32
          %parallel_loop3A_302 = vector.broadcast %parallel_loop3A_301 : i32 to vector<16xi32>
          %parallel_loop3A_303 = arith.addi %parallel_loop3A_234, %parallel_loop3A_302 : vector<16xi32>
          %parallel_loop3A_304 = tpu.vector_load_idx %arg5[%parallel_loop3A_303] : memref<8448xf32, #tpu.memory_space<vmem>>[vector<16xi32>], vector<16xf32>,
          %parallel_loop3A_305 = arith.constant 16 : i32
          %parallel_loop3A_306 = arith.muli %parallel_loop3A_223, %parallel_loop3A_305 : i32
          %parallel_loop3A_307 = arith.constant 6 : i32
          %parallel_loop3A_308 = arith.index_cast %parallel_loop3A_307 : i32 to index
          %parallel_loop3A_309 = arith.index_cast %scan3A_220 : i32 to index
          %parallel_loop3A_310 = arith.index_cast %parallel_loop3A_306 : i32 to index
          %parallel_loop3A_311 = tpu.vector_load %arg9[%parallel_loop3A_308, %parallel_loop3A_309, %parallel_loop3A_310] {strides = array<i32>} : memref<16x8x224xf32, #tpu.memory_space<vmem>>, vector<16xf32>,
          tpu.vector_store %arg9[%parallel_loop3A_308, %parallel_loop3A_309, %parallel_loop3A_310], %parallel_loop3A_304 {strides = array<i32>} : memref<16x8x224xf32, #tpu.memory_space<vmem>>, vector<16xf32>,
          %parallel_loop3A_312 = arith.constant 7 : i32
          %parallel_loop3A_313 = vector.broadcast %parallel_loop3A_312 : i32 to vector<16xi32>
          %parallel_loop3A_314 = arith.addi %parallel_loop3A_234, %parallel_loop3A_313 : vector<16xi32>
          %parallel_loop3A_315 = tpu.vector_load_idx %arg5[%parallel_loop3A_314] : memref<8448xf32, #tpu.memory_space<vmem>>[vector<16xi32>], vector<16xf32>,
          %parallel_loop3A_316 = arith.constant 16 : i32
          %parallel_loop3A_317 = arith.muli %parallel_loop3A_223, %parallel_loop3A_316 : i32
          %parallel_loop3A_318 = arith.constant 7 : i32
          %parallel_loop3A_319 = arith.index_cast %parallel_loop3A_318 : i32 to index
          %parallel_loop3A_320 = arith.index_cast %scan3A_220 : i32 to index
          %parallel_loop3A_321 = arith.index_cast %parallel_loop3A_317 : i32 to index
          %parallel_loop3A_322 = tpu.vector_load %arg9[%parallel_loop3A_319, %parallel_loop3A_320, %parallel_loop3A_321] {strides = array<i32>} : memref<16x8x224xf32, #tpu.memory_space<vmem>>, vector<16xf32>,
          tpu.vector_store %arg9[%parallel_loop3A_319, %parallel_loop3A_320, %parallel_loop3A_321], %parallel_loop3A_315 {strides = array<i32>} : memref<16x8x224xf32, #tpu.memory_space<vmem>>, vector<16xf32>,
          %parallel_loop3A_323 = arith.constant 8 : i32
          %parallel_loop3A_324 = vector.broadcast %parallel_loop3A_323 : i32 to vector<16xi32>
          %parallel_loop3A_325 = arith.addi %parallel_loop3A_234, %parallel_loop3A_324 : vector<16xi32>
          %parallel_loop3A_326 = tpu.vector_load_idx %arg5[%parallel_loop3A_325] : memref<8448xf32, #tpu.memory_space<vmem>>[vector<16xi32>], vector<16xf32>,
          %parallel_loop3A_327 = arith.constant 16 : i32
          %parallel_loop3A_328 = arith.muli %parallel_loop3A_223, %parallel_loop3A_327 : i32
          %parallel_loop3A_329 = arith.constant 8 : i32
          %parallel_loop3A_330 = arith.index_cast %parallel_loop3A_329 : i32 to index
          %parallel_loop3A_331 = arith.index_cast %scan3A_220 : i32 to index
          %parallel_loop3A_332 = arith.index_cast %parallel_loop3A_328 : i32 to index
          %parallel_loop3A_333 = tpu.vector_load %arg9[%parallel_loop3A_330, %parallel_loop3A_331, %parallel_loop3A_332] {strides = array<i32>} : memref<16x8x224xf32, #tpu.memory_space<vmem>>, vector<16xf32>,
          tpu.vector_store %arg9[%parallel_loop3A_330, %parallel_loop3A_331, %parallel_loop3A_332], %parallel_loop3A_326 {strides = array<i32>} : memref<16x8x224xf32, #tpu.memory_space<vmem>>, vector<16xf32>,
          %parallel_loop3A_334 = arith.constant 9 : i32
          %parallel_loop3A_335 = vector.broadcast %parallel_loop3A_334 : i32 to vector<16xi32>
          %parallel_loop3A_336 = arith.addi %parallel_loop3A_234, %parallel_loop3A_335 : vector<16xi32>
          %parallel_loop3A_337 = tpu.vector_load_idx %arg5[%parallel_loop3A_336] : memref<8448xf32, #tpu.memory_space<vmem>>[vector<16xi32>], vector<16xf32>,
          %parallel_loop3A_338 = arith.constant 16 : i32
          %parallel_loop3A_339 = arith.muli %parallel_loop3A_223, %parallel_loop3A_338 : i32
          %parallel_loop3A_340 = arith.constant 9 : i32
          %parallel_loop3A_341 = arith.index_cast %parallel_loop3A_340 : i32 to index
          %parallel_loop3A_342 = arith.index_cast %scan3A_220 : i32 to index
          %parallel_loop3A_343 = arith.index_cast %parallel_loop3A_339 : i32 to index
          %parallel_loop3A_344 = tpu.vector_load %arg9[%parallel_loop3A_341, %parallel_loop3A_342, %parallel_loop3A_343] {strides = array<i32>} : memref<16x8x224xf32, #tpu.memory_space<vmem>>, vector<16xf32>,
          tpu.vector_store %arg9[%parallel_loop3A_341, %parallel_loop3A_342, %parallel_loop3A_343], %parallel_loop3A_337 {strides = array<i32>} : memref<16x8x224xf32, #tpu.memory_space<vmem>>, vector<16xf32>,
          %parallel_loop3A_345 = arith.constant 10 : i32
          %parallel_loop3A_346 = vector.broadcast %parallel_loop3A_345 : i32 to vector<16xi32>
          %parallel_loop3A_347 = arith.addi %parallel_loop3A_234, %parallel_loop3A_346 : vector<16xi32>
          %parallel_loop3A_348 = tpu.vector_load_idx %arg5[%parallel_loop3A_347] : memref<8448xf32, #tpu.memory_space<vmem>>[vector<16xi32>], vector<16xf32>,
          %parallel_loop3A_349 = arith.constant 16 : i32
          %parallel_loop3A_350 = arith.muli %parallel_loop3A_223, %parallel_loop3A_349 : i32
          %parallel_loop3A_351 = arith.constant 10 : i32
          %parallel_loop3A_352 = arith.index_cast %parallel_loop3A_351 : i32 to index
          %parallel_loop3A_353 = arith.index_cast %scan3A_220 : i32 to index
          %parallel_loop3A_354 = arith.index_cast %parallel_loop3A_350 : i32 to index
          %parallel_loop3A_355 = tpu.vector_load %arg9[%parallel_loop3A_352, %parallel_loop3A_353, %parallel_loop3A_354] {strides = array<i32>} : memref<16x8x224xf32, #tpu.memory_space<vmem>>, vector<16xf32>,
          tpu.vector_store %arg9[%parallel_loop3A_352, %parallel_loop3A_353, %parallel_loop3A_354], %parallel_loop3A_348 {strides = array<i32>} : memref<16x8x224xf32, #tpu.memory_space<vmem>>, vector<16xf32>,
          %parallel_loop3A_356 = arith.constant 11 : i32
          %parallel_loop3A_357 = vector.broadcast %parallel_loop3A_356 : i32 to vector<16xi32>
          %parallel_loop3A_358 = arith.addi %parallel_loop3A_234, %parallel_loop3A_357 : vector<16xi32>
          %parallel_loop3A_359 = tpu.vector_load_idx %arg5[%parallel_loop3A_358] : memref<8448xf32, #tpu.memory_space<vmem>>[vector<16xi32>], vector<16xf32>,
          %parallel_loop3A_360 = arith.constant 16 : i32
          %parallel_loop3A_361 = arith.muli %parallel_loop3A_223, %parallel_loop3A_360 : i32
          %parallel_loop3A_362 = arith.constant 11 : i32
          %parallel_loop3A_363 = arith.index_cast %parallel_loop3A_362 : i32 to index
          %parallel_loop3A_364 = arith.index_cast %scan3A_220 : i32 to index
          %parallel_loop3A_365 = arith.index_cast %parallel_loop3A_361 : i32 to index
          %parallel_loop3A_366 = tpu.vector_load %arg9[%parallel_loop3A_363, %parallel_loop3A_364, %parallel_loop3A_365] {strides = array<i32>} : memref<16x8x224xf32, #tpu.memory_space<vmem>>, vector<16xf32>,
          tpu.vector_store %arg9[%parallel_loop3A_363, %parallel_loop3A_364, %parallel_loop3A_365], %parallel_loop3A_359 {strides = array<i32>} : memref<16x8x224xf32, #tpu.memory_space<vmem>>, vector<16xf32>,
          %parallel_loop3A_367 = arith.constant 12 : i32
          %parallel_loop3A_368 = vector.broadcast %parallel_loop3A_367 : i32 to vector<16xi32>
          %parallel_loop3A_369 = arith.addi %parallel_loop3A_234, %parallel_loop3A_368 : vector<16xi32>
          %parallel_loop3A_370 = tpu.vector_load_idx %arg5[%parallel_loop3A_369] : memref<8448xf32, #tpu.memory_space<vmem>>[vector<16xi32>], vector<16xf32>,
          %parallel_loop3A_371 = arith.constant 16 : i32
          %parallel_loop3A_372 = arith.muli %parallel_loop3A_223, %parallel_loop3A_371 : i32
          %parallel_loop3A_373 = arith.constant 12 : i32
          %parallel_loop3A_374 = arith.index_cast %parallel_loop3A_373 : i32 to index
          %parallel_loop3A_375 = arith.index_cast %scan3A_220 : i32 to index
          %parallel_loop3A_376 = arith.index_cast %parallel_loop3A_372 : i32 to index
          %parallel_loop3A_377 = tpu.vector_load %arg9[%parallel_loop3A_374, %parallel_loop3A_375, %parallel_loop3A_376] {strides = array<i32>} : memref<16x8x224xf32, #tpu.memory_space<vmem>>, vector<16xf32>,
          tpu.vector_store %arg9[%parallel_loop3A_374, %parallel_loop3A_375, %parallel_loop3A_376], %parallel_loop3A_370 {strides = array<i32>} : memref<16x8x224xf32, #tpu.memory_space<vmem>>, vector<16xf32>,
          %parallel_loop3A_378 = arith.constant 13 : i32
          %parallel_loop3A_379 = vector.broadcast %parallel_loop3A_378 : i32 to vector<16xi32>
          %parallel_loop3A_380 = arith.addi %parallel_loop3A_234, %parallel_loop3A_379 : vector<16xi32>
          %parallel_loop3A_381 = tpu.vector_load_idx %arg5[%parallel_loop3A_380] : memref<8448xf32, #tpu.memory_space<vmem>>[vector<16xi32>], vector<16xf32>,
          %parallel_loop3A_382 = arith.constant 16 : i32
          %parallel_loop3A_383 = arith.muli %parallel_loop3A_223, %parallel_loop3A_382 : i32
          %parallel_loop3A_384 = arith.constant 13 : i32
          %parallel_loop3A_385 = arith.index_cast %parallel_loop3A_384 : i32 to index
          %parallel_loop3A_386 = arith.index_cast %scan3A_220 : i32 to index
          %parallel_loop3A_387 = arith.index_cast %parallel_loop3A_383 : i32 to index
          %parallel_loop3A_388 = tpu.vector_load %arg9[%parallel_loop3A_385, %parallel_loop3A_386, %parallel_loop3A_387] {strides = array<i32>} : memref<16x8x224xf32, #tpu.memory_space<vmem>>, vector<16xf32>,
          tpu.vector_store %arg9[%parallel_loop3A_385, %parallel_loop3A_386, %parallel_loop3A_387], %parallel_loop3A_381 {strides = array<i32>} : memref<16x8x224xf32, #tpu.memory_space<vmem>>, vector<16xf32>,
          %parallel_loop3A_389 = arith.constant 14 : i32
          %parallel_loop3A_390 = vector.broadcast %parallel_loop3A_389 : i32 to vector<16xi32>
          %parallel_loop3A_391 = arith.addi %parallel_loop3A_234, %parallel_loop3A_390 : vector<16xi32>
          %parallel_loop3A_392 = tpu.vector_load_idx %arg5[%parallel_loop3A_391] : memref<8448xf32, #tpu.memory_space<vmem>>[vector<16xi32>], vector<16xf32>,
          %parallel_loop3A_393 = arith.constant 16 : i32
          %parallel_loop3A_394 = arith.muli %parallel_loop3A_223, %parallel_loop3A_393 : i32
          %parallel_loop3A_395 = arith.constant 14 : i32
          %parallel_loop3A_396 = arith.index_cast %parallel_loop3A_395 : i32 to index
          %parallel_loop3A_397 = arith.index_cast %scan3A_220 : i32 to index
          %parallel_loop3A_398 = arith.index_cast %parallel_loop3A_394 : i32 to index
          %parallel_loop3A_399 = tpu.vector_load %arg9[%parallel_loop3A_396, %parallel_loop3A_397, %parallel_loop3A_398] {strides = array<i32>} : memref<16x8x224xf32, #tpu.memory_space<vmem>>, vector<16xf32>,
          tpu.vector_store %arg9[%parallel_loop3A_396, %parallel_loop3A_397, %parallel_loop3A_398], %parallel_loop3A_392 {strides = array<i32>} : memref<16x8x224xf32, #tpu.memory_space<vmem>>, vector<16xf32>,
          %parallel_loop3A_400 = arith.constant 15 : i32
          %parallel_loop3A_401 = vector.broadcast %parallel_loop3A_400 : i32 to vector<16xi32>
          %parallel_loop3A_402 = arith.addi %parallel_loop3A_234, %parallel_loop3A_401 : vector<16xi32>
          %parallel_loop3A_403 = tpu.vector_load_idx %arg5[%parallel_loop3A_402] : memref<8448xf32, #tpu.memory_space<vmem>>[vector<16xi32>], vector<16xf32>,
          %parallel_loop3A_404 = arith.constant 16 : i32
          %parallel_loop3A_405 = arith.muli %parallel_loop3A_223, %parallel_loop3A_404 : i32
          %parallel_loop3A_406 = arith.constant 15 : i32
          %parallel_loop3A_407 = arith.index_cast %parallel_loop3A_406 : i32 to index
          %parallel_loop3A_408 = arith.index_cast %scan3A_220 : i32 to index
          %parallel_loop3A_409 = arith.index_cast %parallel_loop3A_405 : i32 to index
          %parallel_loop3A_410 = tpu.vector_load %arg9[%parallel_loop3A_407, %parallel_loop3A_408, %parallel_loop3A_409] {strides = array<i32>} : memref<16x8x224xf32, #tpu.memory_space<vmem>>, vector<16xf32>,
          tpu.vector_store %arg9[%parallel_loop3A_407, %parallel_loop3A_408, %parallel_loop3A_409], %parallel_loop3A_403 {strides = array<i32>} : memref<16x8x224xf32, #tpu.memory_space<vmem>>, vector<16xf32>,
        } {sc.loop_unroll_factor = 2 : i64, sc.parallel_access}
      }
      %scan3A_121 = arith.constant 8 : i32
      %mul3A_122 = arith.constant 2341 : i32
      %mul3A_123 = arith.muli %add3A_66, %mul3A_122 : i32
      %shift_right_arithmetic3A_124 = arith.constant 16 : i32
      %shift_right_arithmetic3A_125 = arith.shrsi %mul3A_123, %shift_right_arithmetic3A_124 : i32
      %mul3A_126 = arith.constant 28 : i32
      %mul3A_127 = arith.muli %shift_right_arithmetic3A_125, %mul3A_126 : i32
      %sub3A_128 = arith.subi %add3A_66, %mul3A_127 : i32
      %mul3A_129 = arith.constant 32 : i32
      %mul3A_130 = arith.muli %shift_right_arithmetic3A_125, %mul3A_129 : i32
      %add3A_131 = arith.constant 16 : i32
      %add3A_132 = arith.addi %mul3A_130, %add3A_131 : i32
      %mul3A_133 = arith.constant 8 : i32
      %mul3A_134 = arith.muli %sub3A_128, %mul3A_133 : i32
      %dma_start3A_135 = arith.constant 0 : i32
      %dma_start3A_136 = tpu.memref_slice %arg4[%add3A_132, %mul3A_134, %dma_start3A_135] : memref<1536x224x224xf32, #tpu.memory_space<hbm>> -> memref<16x8x224xf32, #tpu.memory_space<hbm>>
      %dma_start3A_137 = arith.constant 0 : i32
      %dma_start3A_138 = tpu.memref_slice %arg4[%add3A_132, %mul3A_134, %dma_start3A_137] : memref<1536x224x224xf32, #tpu.memory_space<hbm>> -> memref<16x8x224xf32, #tpu.memory_space<hbm>>
      tpu.enqueue_dma source(%arg9 : memref<16x8x224xf32, #tpu.memory_space<vmem>>) target(%dma_start3A_138 : memref<16x8x224xf32, #tpu.memory_space<hbm>>) target_semaphore(%arg13 : memref<!tpu.dma_semaphore, #tpu.memory_space<semaphore_mem>>)
      %mul3A_139 = arith.constant 2 : i32
      %mul3A_140 = arith.muli %scan3A_61, %mul3A_139 : i32
      %add3A_141 = arith.constant 1 : i32
      %add3A_142 = arith.addi %mul3A_140, %add3A_141 : i32
      %add3A_143 = arith.addi %mul3A_2, %add3A_142 : i32
      %mul3A_144 = arith.constant 2341 : i32
      %mul3A_145 = arith.muli %add3A_143, %mul3A_144 : i32
      %shift_right_arithmetic3A_146 = arith.constant 16 : i32
      %shift_right_arithmetic3A_147 = arith.shrsi %mul3A_145, %shift_right_arithmetic3A_146 : i32
      %mul3A_148 = arith.constant 28 : i32
      %mul3A_149 = arith.muli %shift_right_arithmetic3A_147, %mul3A_148 : i32
      %sub3A_150 = arith.subi %add3A_143, %mul3A_149 : i32
      %mul3A_151 = arith.constant 8 : i32
      %mul3A_152 = arith.muli %sub3A_150, %mul3A_151 : i32
      %dma_wait3A_153 = arith.constant 0 : i32
      %dma_wait3A_154 = tpu.memref_slice %arg2[%shift_right_arithmetic3A_147, %mul3A_152, %dma_wait3A_153] : memref<48x224x224xi32, #tpu.memory_space<hbm>> -> memref<1x8x224xi32, #tpu.memory_space<hbm>>
      %dma_wait3A_155 = tpu.memref_squeeze %dma_wait3A_154 : memref<1x8x224xi32, #tpu.memory_space<hbm>> -> memref<8x224xi32, #tpu.memory_space<hbm>>
      %dma_wait3A_156 = arith.constant 0 : i32
      %dma_wait3A_157 = tpu.memref_slice %arg2[%shift_right_arithmetic3A_147, %mul3A_152, %dma_wait3A_156] : memref<48x224x224xi32, #tpu.memory_space<hbm>> -> memref<1x8x224xi32, #tpu.memory_space<hbm>>
      %dma_wait3A_158 = tpu.memref_squeeze %dma_wait3A_157 : memref<1x8x224xi32, #tpu.memory_space<hbm>> -> memref<8x224xi32, #tpu.memory_space<hbm>>
      tpu.wait_dma2 semaphore(%arg11 : memref<!tpu.dma_semaphore, #tpu.memory_space<semaphore_mem>>) src(%dma_wait3A_158 : memref<8x224xi32, #tpu.memory_space<hbm>>) dst(%arg7 : memref<8x224xi32, #tpu.memory_space<vmem>>)
      %lt3A_159 = arith.constant 41 : i32
      %lt3A_160 = arith.cmpi slt, %add3A_142, %lt3A_159 : i32
      %convert_element_type3A_161 = arith.extui %lt3A_160 : i1 to i32
      %cond3A_162 = arith.constant 0 : i32
      %cond3A_163 = arith.cmpi ne, %convert_element_type3A_161, %cond3A_162 : i32
      scf.if %cond3A_163 {
        %add3A_220 = arith.constant 1 : i32
        %add3A_221 = arith.addi %add3A_143, %add3A_220 : i32
        %mul3A_222 = arith.constant 2341 : i32
        %mul3A_223 = arith.muli %add3A_221, %mul3A_222 : i32
        %shift_right_arithmetic3A_224 = arith.constant 16 : i32
        %shift_right_arithmetic3A_225 = arith.shrsi %mul3A_223, %shift_right_arithmetic3A_224 : i32
        %mul3A_226 = arith.constant 28 : i32
        %mul3A_227 = arith.muli %shift_right_arithmetic3A_225, %mul3A_226 : i32
        %sub3A_228 = arith.subi %add3A_221, %mul3A_227 : i32
        %mul3A_229 = arith.constant 8 : i32
        %mul3A_230 = arith.muli %sub3A_228, %mul3A_229 : i32
        %dma_start3A_231 = arith.constant 0 : i32
        %dma_start3A_232 = tpu.memref_slice %arg2[%shift_right_arithmetic3A_225, %mul3A_230, %dma_start3A_231] : memref<48x224x224xi32, #tpu.memory_space<hbm>> -> memref<1x8x224xi32, #tpu.memory_space<hbm>>
        %dma_start3A_233 = tpu.memref_squeeze %dma_start3A_232 : memref<1x8x224xi32, #tpu.memory_space<hbm>> -> memref<8x224xi32, #tpu.memory_space<hbm>>
        %dma_start3A_234 = arith.constant 0 : i32
        %dma_start3A_235 = tpu.memref_slice %arg2[%shift_right_arithmetic3A_225, %mul3A_230, %dma_start3A_234] : memref<48x224x224xi32, #tpu.memory_space<hbm>> -> memref<1x8x224xi32, #tpu.memory_space<hbm>>
        %dma_start3A_236 = tpu.memref_squeeze %dma_start3A_235 : memref<1x8x224xi32, #tpu.memory_space<hbm>> -> memref<8x224xi32, #tpu.memory_space<hbm>>
        tpu.enqueue_dma source(%dma_start3A_236 : memref<8x224xi32, #tpu.memory_space<hbm>>) target(%arg6 : memref<8x224xi32, #tpu.memory_space<vmem>>) target_semaphore(%arg10 : memref<!tpu.dma_semaphore, #tpu.memory_space<semaphore_mem>>)
      } else {
      }
      %gt3A_164 = arith.constant 0 : i32
      %gt3A_165 = arith.cmpi sgt, %add3A_142, %gt3A_164 : i32
      %convert_element_type3A_166 = arith.extui %gt3A_165 : i1 to i32
      %cond3A_167 = arith.constant 0 : i32
      %cond3A_168 = arith.cmpi ne, %convert_element_type3A_166, %cond3A_167 : i32
      scf.if %cond3A_168 {
        %mul3A_220 = arith.constant 2341 : i32
        %mul3A_221 = arith.muli %add3A_143, %mul3A_220 : i32
        %shift_right_arithmetic3A_222 = arith.constant 16 : i32
        %shift_right_arithmetic3A_223 = arith.shrsi %mul3A_221, %shift_right_arithmetic3A_222 : i32
        %mul3A_224 = arith.constant 28 : i32
        %mul3A_225 = arith.muli %shift_right_arithmetic3A_223, %mul3A_224 : i32
        %sub3A_226 = arith.subi %add3A_143, %mul3A_225 : i32
        %mul3A_227 = arith.constant 32 : i32
        %mul3A_228 = arith.muli %shift_right_arithmetic3A_223, %mul3A_227 : i32
        %add3A_229 = arith.constant 0 : i32
        %add3A_230 = arith.addi %mul3A_228, %add3A_229 : i32
        %mul3A_231 = arith.constant 8 : i32
        %mul3A_232 = arith.muli %sub3A_226, %mul3A_231 : i32
        %dma_wait3A_233 = arith.constant 0 : i32
        %dma_wait3A_234 = tpu.memref_slice %arg4[%add3A_230, %mul3A_232, %dma_wait3A_233] : memref<1536x224x224xf32, #tpu.memory_space<hbm>> -> memref<16x8x224xf32, #tpu.memory_space<hbm>>
        %dma_wait3A_235 = arith.constant 0 : i32
        %dma_wait3A_236 = tpu.memref_slice %arg4[%add3A_230, %mul3A_232, %dma_wait3A_235] : memref<1536x224x224xf32, #tpu.memory_space<hbm>> -> memref<16x8x224xf32, #tpu.memory_space<hbm>>
        tpu.wait_dma2 semaphore(%arg12 : memref<!tpu.dma_semaphore, #tpu.memory_space<semaphore_mem>>) src(%arg8 : memref<16x8x224xf32, #tpu.memory_space<vmem>>) dst(%dma_wait3A_236 : memref<16x8x224xf32, #tpu.memory_space<hbm>>)
      } else {
      }
      %scan3A_169 = arith.constant 0 : i32
      %scan3A_170 = arith.constant 0 : i32
      %scan3A_171 = arith.constant 8 : i32
      %scan3A_172 = arith.addi %scan3A_170, %scan3A_171 : i32
      %scan3A_173 = arith.constant 1 : i32
      scf.for %scan3A_220 = %scan3A_170 to %scan3A_172 step %scan3A_173  : i32 {
        %parallel_loop3A = arith.constant 0 : i32
        %parallel_loop3A_221 = arith.constant 14 : i32
        %parallel_loop3A_222 = arith.constant 1 : i32
        scf.for %parallel_loop3A_223 = %parallel_loop3A to %parallel_loop3A_221 step %parallel_loop3A_222  : i32 {
          %parallel_loop3A_224 = arith.constant 16 : i32
          %parallel_loop3A_225 = arith.muli %parallel_loop3A_223, %parallel_loop3A_224 : i32
          %parallel_loop3A_226 = arith.index_cast %scan3A_220 : i32 to index
          %parallel_loop3A_227 = arith.index_cast %parallel_loop3A_225 : i32 to index
          %parallel_loop3A_228 = tpu.vector_load %arg7[%parallel_loop3A_226, %parallel_loop3A_227] {strides = array<i32>} : memref<8x224xi32, #tpu.memory_space<vmem>>, vector<16xi32>,
          %parallel_loop3A_229 = arith.constant 33 : i32
          %parallel_loop3A_230 = vector.broadcast %parallel_loop3A_229 : i32 to vector<16xi32>
          %parallel_loop3A_231 = arith.muli %parallel_loop3A_228, %parallel_loop3A_230 : vector<16xi32>
          %parallel_loop3A_232 = arith.constant 0 : i32
          %parallel_loop3A_233 = vector.broadcast %parallel_loop3A_232 : i32 to vector<16xi32>
          %parallel_loop3A_234 = arith.addi %parallel_loop3A_231, %parallel_loop3A_233 : vector<16xi32>
          %parallel_loop3A_235 = arith.constant 0 : i32
          %parallel_loop3A_236 = vector.broadcast %parallel_loop3A_235 : i32 to vector<16xi32>
          %parallel_loop3A_237 = arith.addi %parallel_loop3A_234, %parallel_loop3A_236 : vector<16xi32>
          %parallel_loop3A_238 = tpu.vector_load_idx %arg5[%parallel_loop3A_237] : memref<8448xf32, #tpu.memory_space<vmem>>[vector<16xi32>], vector<16xf32>,
          %parallel_loop3A_239 = arith.constant 16 : i32
          %parallel_loop3A_240 = arith.muli %parallel_loop3A_223, %parallel_loop3A_239 : i32
          %parallel_loop3A_241 = arith.constant 0 : i32
          %parallel_loop3A_242 = arith.index_cast %parallel_loop3A_241 : i32 to index
          %parallel_loop3A_243 = arith.index_cast %scan3A_220 : i32 to index
          %parallel_loop3A_244 = arith.index_cast %parallel_loop3A_240 : i32 to index
          %parallel_loop3A_245 = tpu.vector_load %arg8[%parallel_loop3A_242, %parallel_loop3A_243, %parallel_loop3A_244] {strides = array<i32>} : memref<16x8x224xf32, #tpu.memory_space<vmem>>, vector<16xf32>,
          tpu.vector_store %arg8[%parallel_loop3A_242, %parallel_loop3A_243, %parallel_loop3A_244], %parallel_loop3A_238 {strides = array<i32>} : memref<16x8x224xf32, #tpu.memory_space<vmem>>, vector<16xf32>,
          %parallel_loop3A_246 = arith.constant 1 : i32
          %parallel_loop3A_247 = vector.broadcast %parallel_loop3A_246 : i32 to vector<16xi32>
          %parallel_loop3A_248 = arith.addi %parallel_loop3A_234, %parallel_loop3A_247 : vector<16xi32>
          %parallel_loop3A_249 = tpu.vector_load_idx %arg5[%parallel_loop3A_248] : memref<8448xf32, #tpu.memory_space<vmem>>[vector<16xi32>], vector<16xf32>,
          %parallel_loop3A_250 = arith.constant 16 : i32
          %parallel_loop3A_251 = arith.muli %parallel_loop3A_223, %parallel_loop3A_250 : i32
          %parallel_loop3A_252 = arith.constant 1 : i32
          %parallel_loop3A_253 = arith.index_cast %parallel_loop3A_252 : i32 to index
          %parallel_loop3A_254 = arith.index_cast %scan3A_220 : i32 to index
          %parallel_loop3A_255 = arith.index_cast %parallel_loop3A_251 : i32 to index
          %parallel_loop3A_256 = tpu.vector_load %arg8[%parallel_loop3A_253, %parallel_loop3A_254, %parallel_loop3A_255] {strides = array<i32>} : memref<16x8x224xf32, #tpu.memory_space<vmem>>, vector<16xf32>,
          tpu.vector_store %arg8[%parallel_loop3A_253, %parallel_loop3A_254, %parallel_loop3A_255], %parallel_loop3A_249 {strides = array<i32>} : memref<16x8x224xf32, #tpu.memory_space<vmem>>, vector<16xf32>,
          %parallel_loop3A_257 = arith.constant 2 : i32
          %parallel_loop3A_258 = vector.broadcast %parallel_loop3A_257 : i32 to vector<16xi32>
          %parallel_loop3A_259 = arith.addi %parallel_loop3A_234, %parallel_loop3A_258 : vector<16xi32>
          %parallel_loop3A_260 = tpu.vector_load_idx %arg5[%parallel_loop3A_259] : memref<8448xf32, #tpu.memory_space<vmem>>[vector<16xi32>], vector<16xf32>,
          %parallel_loop3A_261 = arith.constant 16 : i32
          %parallel_loop3A_262 = arith.muli %parallel_loop3A_223, %parallel_loop3A_261 : i32
          %parallel_loop3A_263 = arith.constant 2 : i32
          %parallel_loop3A_264 = arith.index_cast %parallel_loop3A_263 : i32 to index
          %parallel_loop3A_265 = arith.index_cast %scan3A_220 : i32 to index
          %parallel_loop3A_266 = arith.index_cast %parallel_loop3A_262 : i32 to index
          %parallel_loop3A_267 = tpu.vector_load %arg8[%parallel_loop3A_264, %parallel_loop3A_265, %parallel_loop3A_266] {strides = array<i32>} : memref<16x8x224xf32, #tpu.memory_space<vmem>>, vector<16xf32>,
          tpu.vector_store %arg8[%parallel_loop3A_264, %parallel_loop3A_265, %parallel_loop3A_266], %parallel_loop3A_260 {strides = array<i32>} : memref<16x8x224xf32, #tpu.memory_space<vmem>>, vector<16xf32>,
          %parallel_loop3A_268 = arith.constant 3 : i32
          %parallel_loop3A_269 = vector.broadcast %parallel_loop3A_268 : i32 to vector<16xi32>
          %parallel_loop3A_270 = arith.addi %parallel_loop3A_234, %parallel_loop3A_269 : vector<16xi32>
          %parallel_loop3A_271 = tpu.vector_load_idx %arg5[%parallel_loop3A_270] : memref<8448xf32, #tpu.memory_space<vmem>>[vector<16xi32>], vector<16xf32>,
          %parallel_loop3A_272 = arith.constant 16 : i32
          %parallel_loop3A_273 = arith.muli %parallel_loop3A_223, %parallel_loop3A_272 : i32
          %parallel_loop3A_274 = arith.constant 3 : i32
          %parallel_loop3A_275 = arith.index_cast %parallel_loop3A_274 : i32 to index
          %parallel_loop3A_276 = arith.index_cast %scan3A_220 : i32 to index
          %parallel_loop3A_277 = arith.index_cast %parallel_loop3A_273 : i32 to index
          %parallel_loop3A_278 = tpu.vector_load %arg8[%parallel_loop3A_275, %parallel_loop3A_276, %parallel_loop3A_277] {strides = array<i32>} : memref<16x8x224xf32, #tpu.memory_space<vmem>>, vector<16xf32>,
          tpu.vector_store %arg8[%parallel_loop3A_275, %parallel_loop3A_276, %parallel_loop3A_277], %parallel_loop3A_271 {strides = array<i32>} : memref<16x8x224xf32, #tpu.memory_space<vmem>>, vector<16xf32>,
          %parallel_loop3A_279 = arith.constant 4 : i32
          %parallel_loop3A_280 = vector.broadcast %parallel_loop3A_279 : i32 to vector<16xi32>
          %parallel_loop3A_281 = arith.addi %parallel_loop3A_234, %parallel_loop3A_280 : vector<16xi32>
          %parallel_loop3A_282 = tpu.vector_load_idx %arg5[%parallel_loop3A_281] : memref<8448xf32, #tpu.memory_space<vmem>>[vector<16xi32>], vector<16xf32>,
          %parallel_loop3A_283 = arith.constant 16 : i32
          %parallel_loop3A_284 = arith.muli %parallel_loop3A_223, %parallel_loop3A_283 : i32
          %parallel_loop3A_285 = arith.constant 4 : i32
          %parallel_loop3A_286 = arith.index_cast %parallel_loop3A_285 : i32 to index
          %parallel_loop3A_287 = arith.index_cast %scan3A_220 : i32 to index
          %parallel_loop3A_288 = arith.index_cast %parallel_loop3A_284 : i32 to index
          %parallel_loop3A_289 = tpu.vector_load %arg8[%parallel_loop3A_286, %parallel_loop3A_287, %parallel_loop3A_288] {strides = array<i32>} : memref<16x8x224xf32, #tpu.memory_space<vmem>>, vector<16xf32>,
          tpu.vector_store %arg8[%parallel_loop3A_286, %parallel_loop3A_287, %parallel_loop3A_288], %parallel_loop3A_282 {strides = array<i32>} : memref<16x8x224xf32, #tpu.memory_space<vmem>>, vector<16xf32>,
          %parallel_loop3A_290 = arith.constant 5 : i32
          %parallel_loop3A_291 = vector.broadcast %parallel_loop3A_290 : i32 to vector<16xi32>
          %parallel_loop3A_292 = arith.addi %parallel_loop3A_234, %parallel_loop3A_291 : vector<16xi32>
          %parallel_loop3A_293 = tpu.vector_load_idx %arg5[%parallel_loop3A_292] : memref<8448xf32, #tpu.memory_space<vmem>>[vector<16xi32>], vector<16xf32>,
          %parallel_loop3A_294 = arith.constant 16 : i32
          %parallel_loop3A_295 = arith.muli %parallel_loop3A_223, %parallel_loop3A_294 : i32
          %parallel_loop3A_296 = arith.constant 5 : i32
          %parallel_loop3A_297 = arith.index_cast %parallel_loop3A_296 : i32 to index
          %parallel_loop3A_298 = arith.index_cast %scan3A_220 : i32 to index
          %parallel_loop3A_299 = arith.index_cast %parallel_loop3A_295 : i32 to index
          %parallel_loop3A_300 = tpu.vector_load %arg8[%parallel_loop3A_297, %parallel_loop3A_298, %parallel_loop3A_299] {strides = array<i32>} : memref<16x8x224xf32, #tpu.memory_space<vmem>>, vector<16xf32>,
          tpu.vector_store %arg8[%parallel_loop3A_297, %parallel_loop3A_298, %parallel_loop3A_299], %parallel_loop3A_293 {strides = array<i32>} : memref<16x8x224xf32, #tpu.memory_space<vmem>>, vector<16xf32>,
          %parallel_loop3A_301 = arith.constant 6 : i32
          %parallel_loop3A_302 = vector.broadcast %parallel_loop3A_301 : i32 to vector<16xi32>
          %parallel_loop3A_303 = arith.addi %parallel_loop3A_234, %parallel_loop3A_302 : vector<16xi32>
          %parallel_loop3A_304 = tpu.vector_load_idx %arg5[%parallel_loop3A_303] : memref<8448xf32, #tpu.memory_space<vmem>>[vector<16xi32>], vector<16xf32>,
          %parallel_loop3A_305 = arith.constant 16 : i32
          %parallel_loop3A_306 = arith.muli %parallel_loop3A_223, %parallel_loop3A_305 : i32
          %parallel_loop3A_307 = arith.constant 6 : i32
          %parallel_loop3A_308 = arith.index_cast %parallel_loop3A_307 : i32 to index
          %parallel_loop3A_309 = arith.index_cast %scan3A_220 : i32 to index
          %parallel_loop3A_310 = arith.index_cast %parallel_loop3A_306 : i32 to index
          %parallel_loop3A_311 = tpu.vector_load %arg8[%parallel_loop3A_308, %parallel_loop3A_309, %parallel_loop3A_310] {strides = array<i32>} : memref<16x8x224xf32, #tpu.memory_space<vmem>>, vector<16xf32>,
          tpu.vector_store %arg8[%parallel_loop3A_308, %parallel_loop3A_309, %parallel_loop3A_310], %parallel_loop3A_304 {strides = array<i32>} : memref<16x8x224xf32, #tpu.memory_space<vmem>>, vector<16xf32>,
          %parallel_loop3A_312 = arith.constant 7 : i32
          %parallel_loop3A_313 = vector.broadcast %parallel_loop3A_312 : i32 to vector<16xi32>
          %parallel_loop3A_314 = arith.addi %parallel_loop3A_234, %parallel_loop3A_313 : vector<16xi32>
          %parallel_loop3A_315 = tpu.vector_load_idx %arg5[%parallel_loop3A_314] : memref<8448xf32, #tpu.memory_space<vmem>>[vector<16xi32>], vector<16xf32>,
          %parallel_loop3A_316 = arith.constant 16 : i32
          %parallel_loop3A_317 = arith.muli %parallel_loop3A_223, %parallel_loop3A_316 : i32
          %parallel_loop3A_318 = arith.constant 7 : i32
          %parallel_loop3A_319 = arith.index_cast %parallel_loop3A_318 : i32 to index
          %parallel_loop3A_320 = arith.index_cast %scan3A_220 : i32 to index
          %parallel_loop3A_321 = arith.index_cast %parallel_loop3A_317 : i32 to index
          %parallel_loop3A_322 = tpu.vector_load %arg8[%parallel_loop3A_319, %parallel_loop3A_320, %parallel_loop3A_321] {strides = array<i32>} : memref<16x8x224xf32, #tpu.memory_space<vmem>>, vector<16xf32>,
          tpu.vector_store %arg8[%parallel_loop3A_319, %parallel_loop3A_320, %parallel_loop3A_321], %parallel_loop3A_315 {strides = array<i32>} : memref<16x8x224xf32, #tpu.memory_space<vmem>>, vector<16xf32>,
          %parallel_loop3A_323 = arith.constant 8 : i32
          %parallel_loop3A_324 = vector.broadcast %parallel_loop3A_323 : i32 to vector<16xi32>
          %parallel_loop3A_325 = arith.addi %parallel_loop3A_234, %parallel_loop3A_324 : vector<16xi32>
          %parallel_loop3A_326 = tpu.vector_load_idx %arg5[%parallel_loop3A_325] : memref<8448xf32, #tpu.memory_space<vmem>>[vector<16xi32>], vector<16xf32>,
          %parallel_loop3A_327 = arith.constant 16 : i32
          %parallel_loop3A_328 = arith.muli %parallel_loop3A_223, %parallel_loop3A_327 : i32
          %parallel_loop3A_329 = arith.constant 8 : i32
          %parallel_loop3A_330 = arith.index_cast %parallel_loop3A_329 : i32 to index
          %parallel_loop3A_331 = arith.index_cast %scan3A_220 : i32 to index
          %parallel_loop3A_332 = arith.index_cast %parallel_loop3A_328 : i32 to index
          %parallel_loop3A_333 = tpu.vector_load %arg8[%parallel_loop3A_330, %parallel_loop3A_331, %parallel_loop3A_332] {strides = array<i32>} : memref<16x8x224xf32, #tpu.memory_space<vmem>>, vector<16xf32>,
          tpu.vector_store %arg8[%parallel_loop3A_330, %parallel_loop3A_331, %parallel_loop3A_332], %parallel_loop3A_326 {strides = array<i32>} : memref<16x8x224xf32, #tpu.memory_space<vmem>>, vector<16xf32>,
          %parallel_loop3A_334 = arith.constant 9 : i32
          %parallel_loop3A_335 = vector.broadcast %parallel_loop3A_334 : i32 to vector<16xi32>
          %parallel_loop3A_336 = arith.addi %parallel_loop3A_234, %parallel_loop3A_335 : vector<16xi32>
          %parallel_loop3A_337 = tpu.vector_load_idx %arg5[%parallel_loop3A_336] : memref<8448xf32, #tpu.memory_space<vmem>>[vector<16xi32>], vector<16xf32>,
          %parallel_loop3A_338 = arith.constant 16 : i32
          %parallel_loop3A_339 = arith.muli %parallel_loop3A_223, %parallel_loop3A_338 : i32
          %parallel_loop3A_340 = arith.constant 9 : i32
          %parallel_loop3A_341 = arith.index_cast %parallel_loop3A_340 : i32 to index
          %parallel_loop3A_342 = arith.index_cast %scan3A_220 : i32 to index
          %parallel_loop3A_343 = arith.index_cast %parallel_loop3A_339 : i32 to index
          %parallel_loop3A_344 = tpu.vector_load %arg8[%parallel_loop3A_341, %parallel_loop3A_342, %parallel_loop3A_343] {strides = array<i32>} : memref<16x8x224xf32, #tpu.memory_space<vmem>>, vector<16xf32>,
          tpu.vector_store %arg8[%parallel_loop3A_341, %parallel_loop3A_342, %parallel_loop3A_343], %parallel_loop3A_337 {strides = array<i32>} : memref<16x8x224xf32, #tpu.memory_space<vmem>>, vector<16xf32>,
          %parallel_loop3A_345 = arith.constant 10 : i32
          %parallel_loop3A_346 = vector.broadcast %parallel_loop3A_345 : i32 to vector<16xi32>
          %parallel_loop3A_347 = arith.addi %parallel_loop3A_234, %parallel_loop3A_346 : vector<16xi32>
          %parallel_loop3A_348 = tpu.vector_load_idx %arg5[%parallel_loop3A_347] : memref<8448xf32, #tpu.memory_space<vmem>>[vector<16xi32>], vector<16xf32>,
          %parallel_loop3A_349 = arith.constant 16 : i32
          %parallel_loop3A_350 = arith.muli %parallel_loop3A_223, %parallel_loop3A_349 : i32
          %parallel_loop3A_351 = arith.constant 10 : i32
          %parallel_loop3A_352 = arith.index_cast %parallel_loop3A_351 : i32 to index
          %parallel_loop3A_353 = arith.index_cast %scan3A_220 : i32 to index
          %parallel_loop3A_354 = arith.index_cast %parallel_loop3A_350 : i32 to index
          %parallel_loop3A_355 = tpu.vector_load %arg8[%parallel_loop3A_352, %parallel_loop3A_353, %parallel_loop3A_354] {strides = array<i32>} : memref<16x8x224xf32, #tpu.memory_space<vmem>>, vector<16xf32>,
          tpu.vector_store %arg8[%parallel_loop3A_352, %parallel_loop3A_353, %parallel_loop3A_354], %parallel_loop3A_348 {strides = array<i32>} : memref<16x8x224xf32, #tpu.memory_space<vmem>>, vector<16xf32>,
          %parallel_loop3A_356 = arith.constant 11 : i32
          %parallel_loop3A_357 = vector.broadcast %parallel_loop3A_356 : i32 to vector<16xi32>
          %parallel_loop3A_358 = arith.addi %parallel_loop3A_234, %parallel_loop3A_357 : vector<16xi32>
          %parallel_loop3A_359 = tpu.vector_load_idx %arg5[%parallel_loop3A_358] : memref<8448xf32, #tpu.memory_space<vmem>>[vector<16xi32>], vector<16xf32>,
          %parallel_loop3A_360 = arith.constant 16 : i32
          %parallel_loop3A_361 = arith.muli %parallel_loop3A_223, %parallel_loop3A_360 : i32
          %parallel_loop3A_362 = arith.constant 11 : i32
          %parallel_loop3A_363 = arith.index_cast %parallel_loop3A_362 : i32 to index
          %parallel_loop3A_364 = arith.index_cast %scan3A_220 : i32 to index
          %parallel_loop3A_365 = arith.index_cast %parallel_loop3A_361 : i32 to index
          %parallel_loop3A_366 = tpu.vector_load %arg8[%parallel_loop3A_363, %parallel_loop3A_364, %parallel_loop3A_365] {strides = array<i32>} : memref<16x8x224xf32, #tpu.memory_space<vmem>>, vector<16xf32>,
          tpu.vector_store %arg8[%parallel_loop3A_363, %parallel_loop3A_364, %parallel_loop3A_365], %parallel_loop3A_359 {strides = array<i32>} : memref<16x8x224xf32, #tpu.memory_space<vmem>>, vector<16xf32>,
          %parallel_loop3A_367 = arith.constant 12 : i32
          %parallel_loop3A_368 = vector.broadcast %parallel_loop3A_367 : i32 to vector<16xi32>
          %parallel_loop3A_369 = arith.addi %parallel_loop3A_234, %parallel_loop3A_368 : vector<16xi32>
          %parallel_loop3A_370 = tpu.vector_load_idx %arg5[%parallel_loop3A_369] : memref<8448xf32, #tpu.memory_space<vmem>>[vector<16xi32>], vector<16xf32>,
          %parallel_loop3A_371 = arith.constant 16 : i32
          %parallel_loop3A_372 = arith.muli %parallel_loop3A_223, %parallel_loop3A_371 : i32
          %parallel_loop3A_373 = arith.constant 12 : i32
          %parallel_loop3A_374 = arith.index_cast %parallel_loop3A_373 : i32 to index
          %parallel_loop3A_375 = arith.index_cast %scan3A_220 : i32 to index
          %parallel_loop3A_376 = arith.index_cast %parallel_loop3A_372 : i32 to index
          %parallel_loop3A_377 = tpu.vector_load %arg8[%parallel_loop3A_374, %parallel_loop3A_375, %parallel_loop3A_376] {strides = array<i32>} : memref<16x8x224xf32, #tpu.memory_space<vmem>>, vector<16xf32>,
          tpu.vector_store %arg8[%parallel_loop3A_374, %parallel_loop3A_375, %parallel_loop3A_376], %parallel_loop3A_370 {strides = array<i32>} : memref<16x8x224xf32, #tpu.memory_space<vmem>>, vector<16xf32>,
          %parallel_loop3A_378 = arith.constant 13 : i32
          %parallel_loop3A_379 = vector.broadcast %parallel_loop3A_378 : i32 to vector<16xi32>
          %parallel_loop3A_380 = arith.addi %parallel_loop3A_234, %parallel_loop3A_379 : vector<16xi32>
          %parallel_loop3A_381 = tpu.vector_load_idx %arg5[%parallel_loop3A_380] : memref<8448xf32, #tpu.memory_space<vmem>>[vector<16xi32>], vector<16xf32>,
          %parallel_loop3A_382 = arith.constant 16 : i32
          %parallel_loop3A_383 = arith.muli %parallel_loop3A_223, %parallel_loop3A_382 : i32
          %parallel_loop3A_384 = arith.constant 13 : i32
          %parallel_loop3A_385 = arith.index_cast %parallel_loop3A_384 : i32 to index
          %parallel_loop3A_386 = arith.index_cast %scan3A_220 : i32 to index
          %parallel_loop3A_387 = arith.index_cast %parallel_loop3A_383 : i32 to index
          %parallel_loop3A_388 = tpu.vector_load %arg8[%parallel_loop3A_385, %parallel_loop3A_386, %parallel_loop3A_387] {strides = array<i32>} : memref<16x8x224xf32, #tpu.memory_space<vmem>>, vector<16xf32>,
          tpu.vector_store %arg8[%parallel_loop3A_385, %parallel_loop3A_386, %parallel_loop3A_387], %parallel_loop3A_381 {strides = array<i32>} : memref<16x8x224xf32, #tpu.memory_space<vmem>>, vector<16xf32>,
          %parallel_loop3A_389 = arith.constant 14 : i32
          %parallel_loop3A_390 = vector.broadcast %parallel_loop3A_389 : i32 to vector<16xi32>
          %parallel_loop3A_391 = arith.addi %parallel_loop3A_234, %parallel_loop3A_390 : vector<16xi32>
          %parallel_loop3A_392 = tpu.vector_load_idx %arg5[%parallel_loop3A_391] : memref<8448xf32, #tpu.memory_space<vmem>>[vector<16xi32>], vector<16xf32>,
          %parallel_loop3A_393 = arith.constant 16 : i32
          %parallel_loop3A_394 = arith.muli %parallel_loop3A_223, %parallel_loop3A_393 : i32
          %parallel_loop3A_395 = arith.constant 14 : i32
          %parallel_loop3A_396 = arith.index_cast %parallel_loop3A_395 : i32 to index
          %parallel_loop3A_397 = arith.index_cast %scan3A_220 : i32 to index
          %parallel_loop3A_398 = arith.index_cast %parallel_loop3A_394 : i32 to index
          %parallel_loop3A_399 = tpu.vector_load %arg8[%parallel_loop3A_396, %parallel_loop3A_397, %parallel_loop3A_398] {strides = array<i32>} : memref<16x8x224xf32, #tpu.memory_space<vmem>>, vector<16xf32>,
          tpu.vector_store %arg8[%parallel_loop3A_396, %parallel_loop3A_397, %parallel_loop3A_398], %parallel_loop3A_392 {strides = array<i32>} : memref<16x8x224xf32, #tpu.memory_space<vmem>>, vector<16xf32>,
          %parallel_loop3A_400 = arith.constant 15 : i32
          %parallel_loop3A_401 = vector.broadcast %parallel_loop3A_400 : i32 to vector<16xi32>
          %parallel_loop3A_402 = arith.addi %parallel_loop3A_234, %parallel_loop3A_401 : vector<16xi32>
          %parallel_loop3A_403 = tpu.vector_load_idx %arg5[%parallel_loop3A_402] : memref<8448xf32, #tpu.memory_space<vmem>>[vector<16xi32>], vector<16xf32>,
          %parallel_loop3A_404 = arith.constant 16 : i32
          %parallel_loop3A_405 = arith.muli %parallel_loop3A_223, %parallel_loop3A_404 : i32
          %parallel_loop3A_406 = arith.constant 15 : i32
          %parallel_loop3A_407 = arith.index_cast %parallel_loop3A_406 : i32 to index
          %parallel_loop3A_408 = arith.index_cast %scan3A_220 : i32 to index
          %parallel_loop3A_409 = arith.index_cast %parallel_loop3A_405 : i32 to index
          %parallel_loop3A_410 = tpu.vector_load %arg8[%parallel_loop3A_407, %parallel_loop3A_408, %parallel_loop3A_409] {strides = array<i32>} : memref<16x8x224xf32, #tpu.memory_space<vmem>>, vector<16xf32>,
          tpu.vector_store %arg8[%parallel_loop3A_407, %parallel_loop3A_408, %parallel_loop3A_409], %parallel_loop3A_403 {strides = array<i32>} : memref<16x8x224xf32, #tpu.memory_space<vmem>>, vector<16xf32>,
        } {sc.loop_unroll_factor = 2 : i64, sc.parallel_access}
      }
      %scan3A_174 = arith.constant 8 : i32
      %mul3A_175 = arith.constant 2341 : i32
      %mul3A_176 = arith.muli %add3A_143, %mul3A_175 : i32
      %shift_right_arithmetic3A_177 = arith.constant 16 : i32
      %shift_right_arithmetic3A_178 = arith.shrsi %mul3A_176, %shift_right_arithmetic3A_177 : i32
      %mul3A_179 = arith.constant 28 : i32
      %mul3A_180 = arith.muli %shift_right_arithmetic3A_178, %mul3A_179 : i32
      %sub3A_181 = arith.subi %add3A_143, %mul3A_180 : i32
      %mul3A_182 = arith.constant 32 : i32
      %mul3A_183 = arith.muli %shift_right_arithmetic3A_178, %mul3A_182 : i32
      %add3A_184 = arith.constant 0 : i32
      %add3A_185 = arith.addi %mul3A_183, %add3A_184 : i32
      %mul3A_186 = arith.constant 8 : i32
      %mul3A_187 = arith.muli %sub3A_181, %mul3A_186 : i32
      %dma_start3A_188 = arith.constant 0 : i32
      %dma_start3A_189 = tpu.memref_slice %arg4[%add3A_185, %mul3A_187, %dma_start3A_188] : memref<1536x224x224xf32, #tpu.memory_space<hbm>> -> memref<16x8x224xf32, #tpu.memory_space<hbm>>
      %dma_start3A_190 = arith.constant 0 : i32
      %dma_start3A_191 = tpu.memref_slice %arg4[%add3A_185, %mul3A_187, %dma_start3A_190] : memref<1536x224x224xf32, #tpu.memory_space<hbm>> -> memref<16x8x224xf32, #tpu.memory_space<hbm>>
      tpu.enqueue_dma source(%arg8 : memref<16x8x224xf32, #tpu.memory_space<vmem>>) target(%dma_start3A_191 : memref<16x8x224xf32, #tpu.memory_space<hbm>>) target_semaphore(%arg12 : memref<!tpu.dma_semaphore, #tpu.memory_space<semaphore_mem>>)
      %gt3A_192 = arith.constant 0 : i32
      %gt3A_193 = arith.cmpi sgt, %add3A_142, %gt3A_192 : i32
      %convert_element_type3A_194 = arith.extui %gt3A_193 : i1 to i32
      %cond3A_195 = arith.constant 0 : i32
      %cond3A_196 = arith.cmpi ne, %convert_element_type3A_194, %cond3A_195 : i32
      scf.if %cond3A_196 {
        %mul3A_220 = arith.constant 2341 : i32
        %mul3A_221 = arith.muli %add3A_143, %mul3A_220 : i32
        %shift_right_arithmetic3A_222 = arith.constant 16 : i32
        %shift_right_arithmetic3A_223 = arith.shrsi %mul3A_221, %shift_right_arithmetic3A_222 : i32
        %mul3A_224 = arith.constant 28 : i32
        %mul3A_225 = arith.muli %shift_right_arithmetic3A_223, %mul3A_224 : i32
        %sub3A_226 = arith.subi %add3A_143, %mul3A_225 : i32
        %mul3A_227 = arith.constant 32 : i32
        %mul3A_228 = arith.muli %shift_right_arithmetic3A_223, %mul3A_227 : i32
        %add3A_229 = arith.constant 16 : i32
        %add3A_230 = arith.addi %mul3A_228, %add3A_229 : i32
        %mul3A_231 = arith.constant 8 : i32
        %mul3A_232 = arith.muli %sub3A_226, %mul3A_231 : i32
        %dma_wait3A_233 = arith.constant 0 : i32
        %dma_wait3A_234 = tpu.memref_slice %arg4[%add3A_230, %mul3A_232, %dma_wait3A_233] : memref<1536x224x224xf32, #tpu.memory_space<hbm>> -> memref<16x8x224xf32, #tpu.memory_space<hbm>>
        %dma_wait3A_235 = arith.constant 0 : i32
        %dma_wait3A_236 = tpu.memref_slice %arg4[%add3A_230, %mul3A_232, %dma_wait3A_235] : memref<1536x224x224xf32, #tpu.memory_space<hbm>> -> memref<16x8x224xf32, #tpu.memory_space<hbm>>
        tpu.wait_dma2 semaphore(%arg13 : memref<!tpu.dma_semaphore, #tpu.memory_space<semaphore_mem>>) src(%arg9 : memref<16x8x224xf32, #tpu.memory_space<vmem>>) dst(%dma_wait3A_236 : memref<16x8x224xf32, #tpu.memory_space<hbm>>)
      } else {
      }
      %scan3A_197 = arith.constant 0 : i32
      %scan3A_198 = arith.constant 0 : i32
      %scan3A_199 = arith.constant 8 : i32
      %scan3A_200 = arith.addi %scan3A_198, %scan3A_199 : i32
      %scan3A_201 = arith.constant 1 : i32
      scf.for %scan3A_220 = %scan3A_198 to %scan3A_200 step %scan3A_201  : i32 {
        %parallel_loop3A = arith.constant 0 : i32
        %parallel_loop3A_221 = arith.constant 14 : i32
        %parallel_loop3A_222 = arith.constant 1 : i32
        scf.for %parallel_loop3A_223 = %parallel_loop3A to %parallel_loop3A_221 step %parallel_loop3A_222  : i32 {
          %parallel_loop3A_224 = arith.constant 16 : i32
          %parallel_loop3A_225 = arith.muli %parallel_loop3A_223, %parallel_loop3A_224 : i32
          %parallel_loop3A_226 = arith.index_cast %scan3A_220 : i32 to index
          %parallel_loop3A_227 = arith.index_cast %parallel_loop3A_225 : i32 to index
          %parallel_loop3A_228 = tpu.vector_load %arg7[%parallel_loop3A_226, %parallel_loop3A_227] {strides = array<i32>} : memref<8x224xi32, #tpu.memory_space<vmem>>, vector<16xi32>,
          %parallel_loop3A_229 = arith.constant 33 : i32
          %parallel_loop3A_230 = vector.broadcast %parallel_loop3A_229 : i32 to vector<16xi32>
          %parallel_loop3A_231 = arith.muli %parallel_loop3A_228, %parallel_loop3A_230 : vector<16xi32>
          %parallel_loop3A_232 = arith.constant 16 : i32
          %parallel_loop3A_233 = vector.broadcast %parallel_loop3A_232 : i32 to vector<16xi32>
          %parallel_loop3A_234 = arith.addi %parallel_loop3A_231, %parallel_loop3A_233 : vector<16xi32>
          %parallel_loop3A_235 = arith.constant 0 : i32
          %parallel_loop3A_236 = vector.broadcast %parallel_loop3A_235 : i32 to vector<16xi32>
          %parallel_loop3A_237 = arith.addi %parallel_loop3A_234, %parallel_loop3A_236 : vector<16xi32>
          %parallel_loop3A_238 = tpu.vector_load_idx %arg5[%parallel_loop3A_237] : memref<8448xf32, #tpu.memory_space<vmem>>[vector<16xi32>], vector<16xf32>,
          %parallel_loop3A_239 = arith.constant 16 : i32
          %parallel_loop3A_240 = arith.muli %parallel_loop3A_223, %parallel_loop3A_239 : i32
          %parallel_loop3A_241 = arith.constant 0 : i32
          %parallel_loop3A_242 = arith.index_cast %parallel_loop3A_241 : i32 to index
          %parallel_loop3A_243 = arith.index_cast %scan3A_220 : i32 to index
          %parallel_loop3A_244 = arith.index_cast %parallel_loop3A_240 : i32 to index
          %parallel_loop3A_245 = tpu.vector_load %arg9[%parallel_loop3A_242, %parallel_loop3A_243, %parallel_loop3A_244] {strides = array<i32>} : memref<16x8x224xf32, #tpu.memory_space<vmem>>, vector<16xf32>,
          tpu.vector_store %arg9[%parallel_loop3A_242, %parallel_loop3A_243, %parallel_loop3A_244], %parallel_loop3A_238 {strides = array<i32>} : memref<16x8x224xf32, #tpu.memory_space<vmem>>, vector<16xf32>,
          %parallel_loop3A_246 = arith.constant 1 : i32
          %parallel_loop3A_247 = vector.broadcast %parallel_loop3A_246 : i32 to vector<16xi32>
          %parallel_loop3A_248 = arith.addi %parallel_loop3A_234, %parallel_loop3A_247 : vector<16xi32>
          %parallel_loop3A_249 = tpu.vector_load_idx %arg5[%parallel_loop3A_248] : memref<8448xf32, #tpu.memory_space<vmem>>[vector<16xi32>], vector<16xf32>,
          %parallel_loop3A_250 = arith.constant 16 : i32
          %parallel_loop3A_251 = arith.muli %parallel_loop3A_223, %parallel_loop3A_250 : i32
          %parallel_loop3A_252 = arith.constant 1 : i32
          %parallel_loop3A_253 = arith.index_cast %parallel_loop3A_252 : i32 to index
          %parallel_loop3A_254 = arith.index_cast %scan3A_220 : i32 to index
          %parallel_loop3A_255 = arith.index_cast %parallel_loop3A_251 : i32 to index
          %parallel_loop3A_256 = tpu.vector_load %arg9[%parallel_loop3A_253, %parallel_loop3A_254, %parallel_loop3A_255] {strides = array<i32>} : memref<16x8x224xf32, #tpu.memory_space<vmem>>, vector<16xf32>,
          tpu.vector_store %arg9[%parallel_loop3A_253, %parallel_loop3A_254, %parallel_loop3A_255], %parallel_loop3A_249 {strides = array<i32>} : memref<16x8x224xf32, #tpu.memory_space<vmem>>, vector<16xf32>,
          %parallel_loop3A_257 = arith.constant 2 : i32
          %parallel_loop3A_258 = vector.broadcast %parallel_loop3A_257 : i32 to vector<16xi32>
          %parallel_loop3A_259 = arith.addi %parallel_loop3A_234, %parallel_loop3A_258 : vector<16xi32>
          %parallel_loop3A_260 = tpu.vector_load_idx %arg5[%parallel_loop3A_259] : memref<8448xf32, #tpu.memory_space<vmem>>[vector<16xi32>], vector<16xf32>,
          %parallel_loop3A_261 = arith.constant 16 : i32
          %parallel_loop3A_262 = arith.muli %parallel_loop3A_223, %parallel_loop3A_261 : i32
          %parallel_loop3A_263 = arith.constant 2 : i32
          %parallel_loop3A_264 = arith.index_cast %parallel_loop3A_263 : i32 to index
          %parallel_loop3A_265 = arith.index_cast %scan3A_220 : i32 to index
          %parallel_loop3A_266 = arith.index_cast %parallel_loop3A_262 : i32 to index
          %parallel_loop3A_267 = tpu.vector_load %arg9[%parallel_loop3A_264, %parallel_loop3A_265, %parallel_loop3A_266] {strides = array<i32>} : memref<16x8x224xf32, #tpu.memory_space<vmem>>, vector<16xf32>,
          tpu.vector_store %arg9[%parallel_loop3A_264, %parallel_loop3A_265, %parallel_loop3A_266], %parallel_loop3A_260 {strides = array<i32>} : memref<16x8x224xf32, #tpu.memory_space<vmem>>, vector<16xf32>,
          %parallel_loop3A_268 = arith.constant 3 : i32
          %parallel_loop3A_269 = vector.broadcast %parallel_loop3A_268 : i32 to vector<16xi32>
          %parallel_loop3A_270 = arith.addi %parallel_loop3A_234, %parallel_loop3A_269 : vector<16xi32>
          %parallel_loop3A_271 = tpu.vector_load_idx %arg5[%parallel_loop3A_270] : memref<8448xf32, #tpu.memory_space<vmem>>[vector<16xi32>], vector<16xf32>,
          %parallel_loop3A_272 = arith.constant 16 : i32
          %parallel_loop3A_273 = arith.muli %parallel_loop3A_223, %parallel_loop3A_272 : i32
          %parallel_loop3A_274 = arith.constant 3 : i32
          %parallel_loop3A_275 = arith.index_cast %parallel_loop3A_274 : i32 to index
          %parallel_loop3A_276 = arith.index_cast %scan3A_220 : i32 to index
          %parallel_loop3A_277 = arith.index_cast %parallel_loop3A_273 : i32 to index
          %parallel_loop3A_278 = tpu.vector_load %arg9[%parallel_loop3A_275, %parallel_loop3A_276, %parallel_loop3A_277] {strides = array<i32>} : memref<16x8x224xf32, #tpu.memory_space<vmem>>, vector<16xf32>,
          tpu.vector_store %arg9[%parallel_loop3A_275, %parallel_loop3A_276, %parallel_loop3A_277], %parallel_loop3A_271 {strides = array<i32>} : memref<16x8x224xf32, #tpu.memory_space<vmem>>, vector<16xf32>,
          %parallel_loop3A_279 = arith.constant 4 : i32
          %parallel_loop3A_280 = vector.broadcast %parallel_loop3A_279 : i32 to vector<16xi32>
          %parallel_loop3A_281 = arith.addi %parallel_loop3A_234, %parallel_loop3A_280 : vector<16xi32>
          %parallel_loop3A_282 = tpu.vector_load_idx %arg5[%parallel_loop3A_281] : memref<8448xf32, #tpu.memory_space<vmem>>[vector<16xi32>], vector<16xf32>,
          %parallel_loop3A_283 = arith.constant 16 : i32
          %parallel_loop3A_284 = arith.muli %parallel_loop3A_223, %parallel_loop3A_283 : i32
          %parallel_loop3A_285 = arith.constant 4 : i32
          %parallel_loop3A_286 = arith.index_cast %parallel_loop3A_285 : i32 to index
          %parallel_loop3A_287 = arith.index_cast %scan3A_220 : i32 to index
          %parallel_loop3A_288 = arith.index_cast %parallel_loop3A_284 : i32 to index
          %parallel_loop3A_289 = tpu.vector_load %arg9[%parallel_loop3A_286, %parallel_loop3A_287, %parallel_loop3A_288] {strides = array<i32>} : memref<16x8x224xf32, #tpu.memory_space<vmem>>, vector<16xf32>,
          tpu.vector_store %arg9[%parallel_loop3A_286, %parallel_loop3A_287, %parallel_loop3A_288], %parallel_loop3A_282 {strides = array<i32>} : memref<16x8x224xf32, #tpu.memory_space<vmem>>, vector<16xf32>,
          %parallel_loop3A_290 = arith.constant 5 : i32
          %parallel_loop3A_291 = vector.broadcast %parallel_loop3A_290 : i32 to vector<16xi32>
          %parallel_loop3A_292 = arith.addi %parallel_loop3A_234, %parallel_loop3A_291 : vector<16xi32>
          %parallel_loop3A_293 = tpu.vector_load_idx %arg5[%parallel_loop3A_292] : memref<8448xf32, #tpu.memory_space<vmem>>[vector<16xi32>], vector<16xf32>,
          %parallel_loop3A_294 = arith.constant 16 : i32
          %parallel_loop3A_295 = arith.muli %parallel_loop3A_223, %parallel_loop3A_294 : i32
          %parallel_loop3A_296 = arith.constant 5 : i32
          %parallel_loop3A_297 = arith.index_cast %parallel_loop3A_296 : i32 to index
          %parallel_loop3A_298 = arith.index_cast %scan3A_220 : i32 to index
          %parallel_loop3A_299 = arith.index_cast %parallel_loop3A_295 : i32 to index
          %parallel_loop3A_300 = tpu.vector_load %arg9[%parallel_loop3A_297, %parallel_loop3A_298, %parallel_loop3A_299] {strides = array<i32>} : memref<16x8x224xf32, #tpu.memory_space<vmem>>, vector<16xf32>,
          tpu.vector_store %arg9[%parallel_loop3A_297, %parallel_loop3A_298, %parallel_loop3A_299], %parallel_loop3A_293 {strides = array<i32>} : memref<16x8x224xf32, #tpu.memory_space<vmem>>, vector<16xf32>,
          %parallel_loop3A_301 = arith.constant 6 : i32
          %parallel_loop3A_302 = vector.broadcast %parallel_loop3A_301 : i32 to vector<16xi32>
          %parallel_loop3A_303 = arith.addi %parallel_loop3A_234, %parallel_loop3A_302 : vector<16xi32>
          %parallel_loop3A_304 = tpu.vector_load_idx %arg5[%parallel_loop3A_303] : memref<8448xf32, #tpu.memory_space<vmem>>[vector<16xi32>], vector<16xf32>,
          %parallel_loop3A_305 = arith.constant 16 : i32
          %parallel_loop3A_306 = arith.muli %parallel_loop3A_223, %parallel_loop3A_305 : i32
          %parallel_loop3A_307 = arith.constant 6 : i32
          %parallel_loop3A_308 = arith.index_cast %parallel_loop3A_307 : i32 to index
          %parallel_loop3A_309 = arith.index_cast %scan3A_220 : i32 to index
          %parallel_loop3A_310 = arith.index_cast %parallel_loop3A_306 : i32 to index
          %parallel_loop3A_311 = tpu.vector_load %arg9[%parallel_loop3A_308, %parallel_loop3A_309, %parallel_loop3A_310] {strides = array<i32>} : memref<16x8x224xf32, #tpu.memory_space<vmem>>, vector<16xf32>,
          tpu.vector_store %arg9[%parallel_loop3A_308, %parallel_loop3A_309, %parallel_loop3A_310], %parallel_loop3A_304 {strides = array<i32>} : memref<16x8x224xf32, #tpu.memory_space<vmem>>, vector<16xf32>,
          %parallel_loop3A_312 = arith.constant 7 : i32
          %parallel_loop3A_313 = vector.broadcast %parallel_loop3A_312 : i32 to vector<16xi32>
          %parallel_loop3A_314 = arith.addi %parallel_loop3A_234, %parallel_loop3A_313 : vector<16xi32>
          %parallel_loop3A_315 = tpu.vector_load_idx %arg5[%parallel_loop3A_314] : memref<8448xf32, #tpu.memory_space<vmem>>[vector<16xi32>], vector<16xf32>,
          %parallel_loop3A_316 = arith.constant 16 : i32
          %parallel_loop3A_317 = arith.muli %parallel_loop3A_223, %parallel_loop3A_316 : i32
          %parallel_loop3A_318 = arith.constant 7 : i32
          %parallel_loop3A_319 = arith.index_cast %parallel_loop3A_318 : i32 to index
          %parallel_loop3A_320 = arith.index_cast %scan3A_220 : i32 to index
          %parallel_loop3A_321 = arith.index_cast %parallel_loop3A_317 : i32 to index
          %parallel_loop3A_322 = tpu.vector_load %arg9[%parallel_loop3A_319, %parallel_loop3A_320, %parallel_loop3A_321] {strides = array<i32>} : memref<16x8x224xf32, #tpu.memory_space<vmem>>, vector<16xf32>,
          tpu.vector_store %arg9[%parallel_loop3A_319, %parallel_loop3A_320, %parallel_loop3A_321], %parallel_loop3A_315 {strides = array<i32>} : memref<16x8x224xf32, #tpu.memory_space<vmem>>, vector<16xf32>,
          %parallel_loop3A_323 = arith.constant 8 : i32
          %parallel_loop3A_324 = vector.broadcast %parallel_loop3A_323 : i32 to vector<16xi32>
          %parallel_loop3A_325 = arith.addi %parallel_loop3A_234, %parallel_loop3A_324 : vector<16xi32>
          %parallel_loop3A_326 = tpu.vector_load_idx %arg5[%parallel_loop3A_325] : memref<8448xf32, #tpu.memory_space<vmem>>[vector<16xi32>], vector<16xf32>,
          %parallel_loop3A_327 = arith.constant 16 : i32
          %parallel_loop3A_328 = arith.muli %parallel_loop3A_223, %parallel_loop3A_327 : i32
          %parallel_loop3A_329 = arith.constant 8 : i32
          %parallel_loop3A_330 = arith.index_cast %parallel_loop3A_329 : i32 to index
          %parallel_loop3A_331 = arith.index_cast %scan3A_220 : i32 to index
          %parallel_loop3A_332 = arith.index_cast %parallel_loop3A_328 : i32 to index
          %parallel_loop3A_333 = tpu.vector_load %arg9[%parallel_loop3A_330, %parallel_loop3A_331, %parallel_loop3A_332] {strides = array<i32>} : memref<16x8x224xf32, #tpu.memory_space<vmem>>, vector<16xf32>,
          tpu.vector_store %arg9[%parallel_loop3A_330, %parallel_loop3A_331, %parallel_loop3A_332], %parallel_loop3A_326 {strides = array<i32>} : memref<16x8x224xf32, #tpu.memory_space<vmem>>, vector<16xf32>,
          %parallel_loop3A_334 = arith.constant 9 : i32
          %parallel_loop3A_335 = vector.broadcast %parallel_loop3A_334 : i32 to vector<16xi32>
          %parallel_loop3A_336 = arith.addi %parallel_loop3A_234, %parallel_loop3A_335 : vector<16xi32>
          %parallel_loop3A_337 = tpu.vector_load_idx %arg5[%parallel_loop3A_336] : memref<8448xf32, #tpu.memory_space<vmem>>[vector<16xi32>], vector<16xf32>,
          %parallel_loop3A_338 = arith.constant 16 : i32
          %parallel_loop3A_339 = arith.muli %parallel_loop3A_223, %parallel_loop3A_338 : i32
          %parallel_loop3A_340 = arith.constant 9 : i32
          %parallel_loop3A_341 = arith.index_cast %parallel_loop3A_340 : i32 to index
          %parallel_loop3A_342 = arith.index_cast %scan3A_220 : i32 to index
          %parallel_loop3A_343 = arith.index_cast %parallel_loop3A_339 : i32 to index
          %parallel_loop3A_344 = tpu.vector_load %arg9[%parallel_loop3A_341, %parallel_loop3A_342, %parallel_loop3A_343] {strides = array<i32>} : memref<16x8x224xf32, #tpu.memory_space<vmem>>, vector<16xf32>,
          tpu.vector_store %arg9[%parallel_loop3A_341, %parallel_loop3A_342, %parallel_loop3A_343], %parallel_loop3A_337 {strides = array<i32>} : memref<16x8x224xf32, #tpu.memory_space<vmem>>, vector<16xf32>,
          %parallel_loop3A_345 = arith.constant 10 : i32
          %parallel_loop3A_346 = vector.broadcast %parallel_loop3A_345 : i32 to vector<16xi32>
          %parallel_loop3A_347 = arith.addi %parallel_loop3A_234, %parallel_loop3A_346 : vector<16xi32>
          %parallel_loop3A_348 = tpu.vector_load_idx %arg5[%parallel_loop3A_347] : memref<8448xf32, #tpu.memory_space<vmem>>[vector<16xi32>], vector<16xf32>,
          %parallel_loop3A_349 = arith.constant 16 : i32
          %parallel_loop3A_350 = arith.muli %parallel_loop3A_223, %parallel_loop3A_349 : i32
          %parallel_loop3A_351 = arith.constant 10 : i32
          %parallel_loop3A_352 = arith.index_cast %parallel_loop3A_351 : i32 to index
          %parallel_loop3A_353 = arith.index_cast %scan3A_220 : i32 to index
          %parallel_loop3A_354 = arith.index_cast %parallel_loop3A_350 : i32 to index
          %parallel_loop3A_355 = tpu.vector_load %arg9[%parallel_loop3A_352, %parallel_loop3A_353, %parallel_loop3A_354] {strides = array<i32>} : memref<16x8x224xf32, #tpu.memory_space<vmem>>, vector<16xf32>,
          tpu.vector_store %arg9[%parallel_loop3A_352, %parallel_loop3A_353, %parallel_loop3A_354], %parallel_loop3A_348 {strides = array<i32>} : memref<16x8x224xf32, #tpu.memory_space<vmem>>, vector<16xf32>,
          %parallel_loop3A_356 = arith.constant 11 : i32
          %parallel_loop3A_357 = vector.broadcast %parallel_loop3A_356 : i32 to vector<16xi32>
          %parallel_loop3A_358 = arith.addi %parallel_loop3A_234, %parallel_loop3A_357 : vector<16xi32>
          %parallel_loop3A_359 = tpu.vector_load_idx %arg5[%parallel_loop3A_358] : memref<8448xf32, #tpu.memory_space<vmem>>[vector<16xi32>], vector<16xf32>,
          %parallel_loop3A_360 = arith.constant 16 : i32
          %parallel_loop3A_361 = arith.muli %parallel_loop3A_223, %parallel_loop3A_360 : i32
          %parallel_loop3A_362 = arith.constant 11 : i32
          %parallel_loop3A_363 = arith.index_cast %parallel_loop3A_362 : i32 to index
          %parallel_loop3A_364 = arith.index_cast %scan3A_220 : i32 to index
          %parallel_loop3A_365 = arith.index_cast %parallel_loop3A_361 : i32 to index
          %parallel_loop3A_366 = tpu.vector_load %arg9[%parallel_loop3A_363, %parallel_loop3A_364, %parallel_loop3A_365] {strides = array<i32>} : memref<16x8x224xf32, #tpu.memory_space<vmem>>, vector<16xf32>,
          tpu.vector_store %arg9[%parallel_loop3A_363, %parallel_loop3A_364, %parallel_loop3A_365], %parallel_loop3A_359 {strides = array<i32>} : memref<16x8x224xf32, #tpu.memory_space<vmem>>, vector<16xf32>,
          %parallel_loop3A_367 = arith.constant 12 : i32
          %parallel_loop3A_368 = vector.broadcast %parallel_loop3A_367 : i32 to vector<16xi32>
          %parallel_loop3A_369 = arith.addi %parallel_loop3A_234, %parallel_loop3A_368 : vector<16xi32>
          %parallel_loop3A_370 = tpu.vector_load_idx %arg5[%parallel_loop3A_369] : memref<8448xf32, #tpu.memory_space<vmem>>[vector<16xi32>], vector<16xf32>,
          %parallel_loop3A_371 = arith.constant 16 : i32
          %parallel_loop3A_372 = arith.muli %parallel_loop3A_223, %parallel_loop3A_371 : i32
          %parallel_loop3A_373 = arith.constant 12 : i32
          %parallel_loop3A_374 = arith.index_cast %parallel_loop3A_373 : i32 to index
          %parallel_loop3A_375 = arith.index_cast %scan3A_220 : i32 to index
          %parallel_loop3A_376 = arith.index_cast %parallel_loop3A_372 : i32 to index
          %parallel_loop3A_377 = tpu.vector_load %arg9[%parallel_loop3A_374, %parallel_loop3A_375, %parallel_loop3A_376] {strides = array<i32>} : memref<16x8x224xf32, #tpu.memory_space<vmem>>, vector<16xf32>,
          tpu.vector_store %arg9[%parallel_loop3A_374, %parallel_loop3A_375, %parallel_loop3A_376], %parallel_loop3A_370 {strides = array<i32>} : memref<16x8x224xf32, #tpu.memory_space<vmem>>, vector<16xf32>,
          %parallel_loop3A_378 = arith.constant 13 : i32
          %parallel_loop3A_379 = vector.broadcast %parallel_loop3A_378 : i32 to vector<16xi32>
          %parallel_loop3A_380 = arith.addi %parallel_loop3A_234, %parallel_loop3A_379 : vector<16xi32>
          %parallel_loop3A_381 = tpu.vector_load_idx %arg5[%parallel_loop3A_380] : memref<8448xf32, #tpu.memory_space<vmem>>[vector<16xi32>], vector<16xf32>,
          %parallel_loop3A_382 = arith.constant 16 : i32
          %parallel_loop3A_383 = arith.muli %parallel_loop3A_223, %parallel_loop3A_382 : i32
          %parallel_loop3A_384 = arith.constant 13 : i32
          %parallel_loop3A_385 = arith.index_cast %parallel_loop3A_384 : i32 to index
          %parallel_loop3A_386 = arith.index_cast %scan3A_220 : i32 to index
          %parallel_loop3A_387 = arith.index_cast %parallel_loop3A_383 : i32 to index
          %parallel_loop3A_388 = tpu.vector_load %arg9[%parallel_loop3A_385, %parallel_loop3A_386, %parallel_loop3A_387] {strides = array<i32>} : memref<16x8x224xf32, #tpu.memory_space<vmem>>, vector<16xf32>,
          tpu.vector_store %arg9[%parallel_loop3A_385, %parallel_loop3A_386, %parallel_loop3A_387], %parallel_loop3A_381 {strides = array<i32>} : memref<16x8x224xf32, #tpu.memory_space<vmem>>, vector<16xf32>,
          %parallel_loop3A_389 = arith.constant 14 : i32
          %parallel_loop3A_390 = vector.broadcast %parallel_loop3A_389 : i32 to vector<16xi32>
          %parallel_loop3A_391 = arith.addi %parallel_loop3A_234, %parallel_loop3A_390 : vector<16xi32>
          %parallel_loop3A_392 = tpu.vector_load_idx %arg5[%parallel_loop3A_391] : memref<8448xf32, #tpu.memory_space<vmem>>[vector<16xi32>], vector<16xf32>,
          %parallel_loop3A_393 = arith.constant 16 : i32
          %parallel_loop3A_394 = arith.muli %parallel_loop3A_223, %parallel_loop3A_393 : i32
          %parallel_loop3A_395 = arith.constant 14 : i32
          %parallel_loop3A_396 = arith.index_cast %parallel_loop3A_395 : i32 to index
          %parallel_loop3A_397 = arith.index_cast %scan3A_220 : i32 to index
          %parallel_loop3A_398 = arith.index_cast %parallel_loop3A_394 : i32 to index
          %parallel_loop3A_399 = tpu.vector_load %arg9[%parallel_loop3A_396, %parallel_loop3A_397, %parallel_loop3A_398] {strides = array<i32>} : memref<16x8x224xf32, #tpu.memory_space<vmem>>, vector<16xf32>,
          tpu.vector_store %arg9[%parallel_loop3A_396, %parallel_loop3A_397, %parallel_loop3A_398], %parallel_loop3A_392 {strides = array<i32>} : memref<16x8x224xf32, #tpu.memory_space<vmem>>, vector<16xf32>,
          %parallel_loop3A_400 = arith.constant 15 : i32
          %parallel_loop3A_401 = vector.broadcast %parallel_loop3A_400 : i32 to vector<16xi32>
          %parallel_loop3A_402 = arith.addi %parallel_loop3A_234, %parallel_loop3A_401 : vector<16xi32>
          %parallel_loop3A_403 = tpu.vector_load_idx %arg5[%parallel_loop3A_402] : memref<8448xf32, #tpu.memory_space<vmem>>[vector<16xi32>], vector<16xf32>,
          %parallel_loop3A_404 = arith.constant 16 : i32
          %parallel_loop3A_405 = arith.muli %parallel_loop3A_223, %parallel_loop3A_404 : i32
          %parallel_loop3A_406 = arith.constant 15 : i32
          %parallel_loop3A_407 = arith.index_cast %parallel_loop3A_406 : i32 to index
          %parallel_loop3A_408 = arith.index_cast %scan3A_220 : i32 to index
          %parallel_loop3A_409 = arith.index_cast %parallel_loop3A_405 : i32 to index
          %parallel_loop3A_410 = tpu.vector_load %arg9[%parallel_loop3A_407, %parallel_loop3A_408, %parallel_loop3A_409] {strides = array<i32>} : memref<16x8x224xf32, #tpu.memory_space<vmem>>, vector<16xf32>,
          tpu.vector_store %arg9[%parallel_loop3A_407, %parallel_loop3A_408, %parallel_loop3A_409], %parallel_loop3A_403 {strides = array<i32>} : memref<16x8x224xf32, #tpu.memory_space<vmem>>, vector<16xf32>,
        } {sc.loop_unroll_factor = 2 : i64, sc.parallel_access}
      }
      %scan3A_202 = arith.constant 8 : i32
      %mul3A_203 = arith.constant 2341 : i32
      %mul3A_204 = arith.muli %add3A_143, %mul3A_203 : i32
      %shift_right_arithmetic3A_205 = arith.constant 16 : i32
      %shift_right_arithmetic3A_206 = arith.shrsi %mul3A_204, %shift_right_arithmetic3A_205 : i32
      %mul3A_207 = arith.constant 28 : i32
      %mul3A_208 = arith.muli %shift_right_arithmetic3A_206, %mul3A_207 : i32
      %sub3A_209 = arith.subi %add3A_143, %mul3A_208 : i32
      %mul3A_210 = arith.constant 32 : i32
      %mul3A_211 = arith.muli %shift_right_arithmetic3A_206, %mul3A_210 : i32
      %add3A_212 = arith.constant 16 : i32
      %add3A_213 = arith.addi %mul3A_211, %add3A_212 : i32
      %mul3A_214 = arith.constant 8 : i32
      %mul3A_215 = arith.muli %sub3A_209, %mul3A_214 : i32
      %dma_start3A_216 = arith.constant 0 : i32
      %dma_start3A_217 = tpu.memref_slice %arg4[%add3A_213, %mul3A_215, %dma_start3A_216] : memref<1536x224x224xf32, #tpu.memory_space<hbm>> -> memref<16x8x224xf32, #tpu.memory_space<hbm>>
      %dma_start3A_218 = arith.constant 0 : i32
      %dma_start3A_219 = tpu.memref_slice %arg4[%add3A_213, %mul3A_215, %dma_start3A_218] : memref<1536x224x224xf32, #tpu.memory_space<hbm>> -> memref<16x8x224xf32, #tpu.memory_space<hbm>>
      tpu.enqueue_dma source(%arg9 : memref<16x8x224xf32, #tpu.memory_space<vmem>>) target(%dma_start3A_219 : memref<16x8x224xf32, #tpu.memory_space<hbm>>) target_semaphore(%arg13 : memref<!tpu.dma_semaphore, #tpu.memory_space<semaphore_mem>>)
    }
    %scan3A_19 = arith.constant 21 : i32
    %add3A_20 = arith.constant 42 : i32
    %add3A_21 = arith.addi %mul3A_2, %add3A_20 : i32
    %sub3A_22 = arith.constant 1 : i32
    %sub3A_23 = arith.subi %add3A_21, %sub3A_22 : i32
    %mul3A_24 = arith.constant 2341 : i32
    %mul3A_25 = arith.muli %sub3A_23, %mul3A_24 : i32
    %shift_right_arithmetic3A_26 = arith.constant 16 : i32
    %shift_right_arithmetic3A_27 = arith.shrsi %mul3A_25, %shift_right_arithmetic3A_26 : i32
    %mul3A_28 = arith.constant 28 : i32
    %mul3A_29 = arith.muli %shift_right_arithmetic3A_27, %mul3A_28 : i32
    %sub3A_30 = arith.subi %sub3A_23, %mul3A_29 : i32
    %mul3A_31 = arith.constant 32 : i32
    %mul3A_32 = arith.muli %shift_right_arithmetic3A_27, %mul3A_31 : i32
    %add3A_33 = arith.constant 0 : i32
    %add3A_34 = arith.addi %mul3A_32, %add3A_33 : i32
    %mul3A_35 = arith.constant 8 : i32
    %mul3A_36 = arith.muli %sub3A_30, %mul3A_35 : i32
    %dma_wait3A = arith.constant 0 : i32
    %dma_wait3A_37 = tpu.memref_slice %arg4[%add3A_34, %mul3A_36, %dma_wait3A] : memref<1536x224x224xf32, #tpu.memory_space<hbm>> -> memref<16x8x224xf32, #tpu.memory_space<hbm>>
    %dma_wait3A_38 = arith.constant 0 : i32
    %dma_wait3A_39 = tpu.memref_slice %arg4[%add3A_34, %mul3A_36, %dma_wait3A_38] : memref<1536x224x224xf32, #tpu.memory_space<hbm>> -> memref<16x8x224xf32, #tpu.memory_space<hbm>>
    tpu.wait_dma2 semaphore(%arg12 : memref<!tpu.dma_semaphore, #tpu.memory_space<semaphore_mem>>) src(%arg8 : memref<16x8x224xf32, #tpu.memory_space<vmem>>) dst(%dma_wait3A_39 : memref<16x8x224xf32, #tpu.memory_space<hbm>>)
    %add3A_40 = arith.constant 42 : i32
    %add3A_41 = arith.addi %mul3A_2, %add3A_40 : i32
    %sub3A_42 = arith.constant 1 : i32
    %sub3A_43 = arith.subi %add3A_41, %sub3A_42 : i32
    %mul3A_44 = arith.constant 2341 : i32
    %mul3A_45 = arith.muli %sub3A_43, %mul3A_44 : i32
    %shift_right_arithmetic3A_46 = arith.constant 16 : i32
    %shift_right_arithmetic3A_47 = arith.shrsi %mul3A_45, %shift_right_arithmetic3A_46 : i32
    %mul3A_48 = arith.constant 28 : i32
    %mul3A_49 = arith.muli %shift_right_arithmetic3A_47, %mul3A_48 : i32
    %sub3A_50 = arith.subi %sub3A_43, %mul3A_49 : i32
    %mul3A_51 = arith.constant 32 : i32
    %mul3A_52 = arith.muli %shift_right_arithmetic3A_47, %mul3A_51 : i32
    %add3A_53 = arith.constant 16 : i32
    %add3A_54 = arith.addi %mul3A_52, %add3A_53 : i32
    %mul3A_55 = arith.constant 8 : i32
    %mul3A_56 = arith.muli %sub3A_50, %mul3A_55 : i32
    %dma_wait3A_57 = arith.constant 0 : i32
    %dma_wait3A_58 = tpu.memref_slice %arg4[%add3A_54, %mul3A_56, %dma_wait3A_57] : memref<1536x224x224xf32, #tpu.memory_space<hbm>> -> memref<16x8x224xf32, #tpu.memory_space<hbm>>
    %dma_wait3A_59 = arith.constant 0 : i32
    %dma_wait3A_60 = tpu.memref_slice %arg4[%add3A_54, %mul3A_56, %dma_wait3A_59] : memref<1536x224x224xf32, #tpu.memory_space<hbm>> -> memref<16x8x224xf32, #tpu.memory_space<hbm>>
    tpu.wait_dma2 semaphore(%arg13 : memref<!tpu.dma_semaphore, #tpu.memory_space<semaphore_mem>>) src(%arg9 : memref<16x8x224xf32, #tpu.memory_space<vmem>>) dst(%dma_wait3A_60 : memref<16x8x224xf32, #tpu.memory_space<hbm>>)
    return
  }
}

</mosaic_0001>

<sc_bundles>
// kernel: _run.3.cloned.1.call-start
scs
__scs_entry_jumppad:
0x0: {  	(pc) =	sbr.rel $0x88, $3  }
0x1: {  	(tag) =	ssettag $0x0;
	lr =	simm.s32 $0x1  }
0x2: {  	[smem:$0x3F9F] =	sst lr;
	_ =	strace $0xD0000000  }
0x3: {  	_ = 	snop  }
0x4: {  	_ = 	snop  }
0x5: {  	_ = 	snop  }
0x6: {  	_ = 	snop  }
0x7: {  	_ = 	snop  }
__scs_overlays_trampoline_lowered:
0x8: {  	[smem:$0x3FAE] =	sst s0  }
0x9: {  	[smem:$0x3FAF] =	sst s1  }
0xa: {  	[smem:$0x3FB0] =	sst s2  }
0xb: {  	[smem:$0x3FB1] =	sst s3  }
0xc: {  	[smem:$0x3FB2] =	sst s4  }
0xd: {  	[smem:$0x3FB3] =	sst s5  }
0xe: {  	[smem:$0x3FB4] =	sst s6  }
0xf: {  	[smem:$0x3FB5] =	sst s7  }
0x10: {  	[smem:$0x3FB6] =	sst s8  }
0x11: {  	[smem:$0x3FB7] =	sst s9;
	s0 =	simm.s32 @!p0 $0x0  }
0x12: {  	s1 =	sld [smem:$0x3F9D];
	s0 =	simm.s32 @p0 $0x1  }
0x13: {  	[smem:$0x3FB8] =	sst s0;
	s0 =	simm.s32 @!p1 $0x0  }
0x14: {  	s2 =	sld [smem:$0x3F9C];
	s0 =	simm.s32 @p1 $0x1  }
0x15: {  	[smem:$0x3FB9] =	sst s0;
	s0 =	simm.s32 @!p2 $0x0  }
0x16: {  	s3 =	sld [smem:$0x3FDB];
	s0 =	simm.s32 @p2 $0x1  }
0x17: {  	s4 =	simm.s32 $0x1BF5;
	[smem:$0x3FBB] =	sst s0  }
0x18: {  	s0 =	sld [smem:$0x3F9E];
	_ =	swait.ge [sflag:s4], $0x0  }
0x19: {  	s7 =	sld [smem:$0x3F9F]  }
0x1a: {  	s8 =	sadd.s32 $0xFFFFE003, lr  }
0x1b: {  	s9 =	sadd.s32 $0xFFFFFEF7, lr;
	s5 =	simm.s32 $0xFFFFFFFF;
	p2 =	slt.u32 s8, $0xFFFFF086  }
0x1c: {  	p1 =	slt.u32 s9, $0xF7A;
	s5 =	simm.s32 @!p2 $0x0  }
0x1d: {  	s5 =	simm.s32 @p1 $0x1;
	p0 =	seq.s32 s7, s2  }
0x1e: {  	s7 =	smul.u32 @!p0 $0xF7A, s2;
	p2 =	seq.s32 @!p0 s5, $0x0  }
0x1f: {  	s9 =	smul.u32 $0xF7A, s1;
	s8 =	simm.s32 @!p0 $0x1BF5;
	p2 =	por !p2, p0  }
0x20: {  	[sflag:s8] =	ssyncset.s32 @!p0 $0xFFFFF086;
	s6 =	sadd.s32 @!p0 s3, s7;
	s7 =	simm.s32 @!p0 $0x108  }
0x21: {  	s3 =	sadd.s32 s3, s9;
	s6 =	sadd.s32 @!p0 $0x88, s6;
	s7 =	simm.s32 @p2 $0x1082  }
0x22: {  	[simem:s7], [sflag:s8] =	dma.local @!p0 [hbm:s6], $0xF7A  }
0x23: {  	s9 =	sor.u32 $0xD0000000, s2;
	s6 =	simm.s32 $0x108;
	_ =	swait.ge @!p0 [sflag:s8], $0x0  }
0x24: {  	s3 =	sadd.s32 $0x88, s3;
	s6 =	simm.s32 @!p1 $0x1082;
	[sflag:s4] =	ssyncset.s32 $0xFFFFF086  }
0x25: {  	[simem:s6], [sflag:s4] =	dma.local [hbm:s3], $0xF7A  }
0x26: {  	[smem:$0x3F9F] =	sst s1;
	(tag) =	ssettag s2;
	_ =	strace s9  }
0x27: {  	s1 =	sld [smem:$0x3FAF]  }
0x28: {  	s2 =	sld [smem:$0x3FB0]  }
0x29: {  	s4 =	sld [smem:$0x3FB2]  }
0x2a: {  	p0 =	seq.s32 s5, $0x0;
	s5 =	sld [smem:$0x3FB3]  }
0x2b: {  	s6 =	sld [smem:$0x3FB4]  }
0x2c: {  	s7 =	sld [smem:$0x3FB5]  }
0x2d: {  	s3 =	simm.s32 $0x108;
	s8 =	sld [smem:$0x3FB6]  }
0x2e: {  	s3 =	simm.s32 @!p0 $0x1082;
	s9 =	sld [smem:$0x3FB7]  }
0x2f: {  	lr =	sadd.s32 s0, s3;
	s0 =	sld [smem:$0x3FAE]  }
0x30: {  	s3 =	sld [smem:$0x3FB1]  }
0x31: {  	[smem:$0x3FBA] =	sst s10  }
0x32: {  	s10 =	sld [smem:$0x3FB8];
	_ =	sdelay $0x3  }
0x33: {  	p0 =	seq.s32 s10, $0x1;
	s10 =	sld [smem:$0x3FBA];
	_ =	sdelay $0x3  }
0x34: {  	[smem:$0x3FBA] =	sst s10  }
0x35: {  	s10 =	sld [smem:$0x3FB9];
	_ =	sdelay $0x3  }
0x36: {  	p1 =	seq.s32 s10, $0x1;
	s10 =	sld [smem:$0x3FBA];
	_ =	sdelay $0x3  }
0x37: {  	[smem:$0x3FBA] =	sst s10  }
0x38: {  	s10 =	sld [smem:$0x3FBB]  }
0x39: {  	_ = 	snop;
	(pc) =	sbr.ind lr, $3  }
0x3a: {  	_ = 	snop  }
0x3b: {  	_ = 	snop  }
0x3c: {  	p2 =	seq.s32 s10, $0x1;
	s10 =	sld [smem:$0x3FBA]  }
0x3d: {  	_ =	shalt  }
0x3e: {  	_ =	shalt  }
0x3f: {  	_ =	shalt  }
0x40: {  	_ =	shalt  }
0x41: {  	_ =	shalt  }
0x42: {  	_ =	shalt  }
0x43: {  	_ =	shalt  }
0x44: {  	_ =	shalt  }
0x45: {  	_ =	shalt  }
0x46: {  	_ =	shalt  }
0x47: {  	_ =	shalt  }
0x48: {  	_ =	shalt  }
0x49: {  	_ =	shalt  }
0x4a: {  	_ =	shalt  }
0x4b: {  	_ =	shalt  }
0x4c: {  	_ =	shalt  }
0x4d: {  	_ =	shalt  }
0x4e: {  	_ =	shalt  }
0x4f: {  	_ =	shalt  }
0x50: {  	_ =	shalt  }
0x51: {  	_ =	shalt  }
0x52: {  	_ =	shalt  }
0x53: {  	_ =	shalt  }
0x54: {  	_ =	shalt  }
0x55: {  	_ =	shalt  }
0x56: {  	_ =	shalt  }
0x57: {  	_ =	shalt  }
0x58: {  	_ =	shalt  }
0x59: {  	_ =	shalt  }
0x5a: {  	_ =	shalt  }
0x5b: {  	_ =	shalt  }
0x5c: {  	_ =	shalt  }
0x5d: {  	_ =	shalt  }
0x5e: {  	_ =	shalt  }
0x5f: {  	_ =	shalt  }
0x60: {  	_ =	shalt  }
0x61: {  	_ =	shalt  }
0x62: {  	_ =	shalt  }
0x63: {  	_ =	shalt  }
0x64: {  	_ =	shalt  }
0x65: {  	_ =	shalt  }
0x66: {  	_ =	shalt  }
0x67: {  	_ =	shalt  }
0x68: {  	_ =	shalt  }
0x69: {  	_ =	shalt  }
0x6a: {  	_ =	shalt  }
0x6b: {  	_ =	shalt  }
0x6c: {  	_ =	shalt  }
0x6d: {  	_ =	shalt  }
0x6e: {  	_ =	shalt  }
0x6f: {  	_ =	shalt  }
0x70: {  	_ =	shalt  }
0x71: {  	_ =	shalt  }
0x72: {  	_ =	shalt  }
0x73: {  	_ =	shalt  }
0x74: {  	_ =	shalt  }
0x75: {  	_ =	shalt  }
0x76: {  	_ =	shalt  }
0x77: {  	_ =	shalt  }
0x78: {  	_ =	shalt  }
0x79: {  	_ =	shalt  }
0x7a: {  	_ =	shalt  }
0x7b: {  	_ =	shalt  }
0x7c: {  	_ =	shalt  }
0x7d: {  	_ =	shalt  }
0x7e: {  	_ =	shalt  }
0x7f: {  	_ =	shalt  }
0x80: {  	_ =	shalt  }
0x81: {  	_ =	shalt  }
0x82: {  	_ =	shalt  }
0x83: {  	_ =	shalt  }
0x84: {  	_ =	shalt  }
0x85: {  	_ =	shalt  }
0x86: {  	_ =	shalt  }
0x87: {  	_ =	shalt  }
.Lfunc_end0:
.L_simem_size_0:
called_computation_lowered:
.L_overlay_start_0:
0x88: {  	s2 =	sld [smem:$0x3FD9]  }
0x89: {  	s3 =	sld [smem:$0x3FFE];
	_ =	sdelay $0x1  }
0x8a: {  	s1 =	srdreg.scid  }
0x8b: {  	s0 =	sand.u32 $0x1, s1  }
0x8c: {  	s17 =	sshll.u32 s0, $0xA;
	s2 =	sadd.s32 s3, s2  }
0x8d: {  	s2 =	sadd.s32 s2, s17  }
0x8e: {  	[smem:$0x3FC6] =	sst s2  }
0x8f: {  	_ = 	snop  }
0x90: {  	s2 =	sld [smem:$0x3FC9]  }
0x91: {  	s18 =	sld [smem:$0x3FC8];
	(tm) =	ssettm $0x1  }
0x92: {  	s4 =	sld [smem:$0x3FFB];
	_ =	sdelay $0x3  }
0x93: {  	_ =	strace s4  }
0x94: {  	s4 =	sld [smem:$0x3FFC];
	_ =	sdelay $0x3  }
0x95: {  	_ =	strace s4  }
0x96: {  	s4 =	sld [smem:$0x3FFD];
	_ =	sdelay $0x3  }
0x97: {  	_ =	strace s4  }
0x98: {  	_ =	strace $0x8FFFFFFF  }
0x99: {  	s19 =	sld [smem:$0x3FDB];
	_ =	sdelay $0x1  }
0x9a: {  	s5 =	simm.s32 $_scs_section_size  }
0x9b: {  	s6 =	simm.s32 $_size__tile_overlayer_lowered;
	s7 =	simm.s32 $_tile_overlayer_lowered  }
0x9c: {  	s22 =	simm.s32 $0x1BFF;
	s21 =	sshll.u32 s7, $0x1;
	s4 =	sadd.s32 s5, s19  }
0x9d: {  	s8 =	simm.s32 $0x0;
	s20 =	sshll.u32 s6, $0x1;
	s6 =	sadd.s32 s21, s4  }
0x9e: {  	[timem:s8], [sflag:s22] =	dma.local [hbm:s6], s20  }
0x9f: {  	_ =	swait.ge [sflag:s22], s20  }
0xa0: {  	s5 =	ssub.s32 $0x0, s20;
	[sflag:s22] =	ssyncset.done $0x0  }
0xa1: {  	[sflag:s22] =	ssyncadd.s32 s5;
	_ =	sdelay $0x1  }
0xa2: {  	s23 =	simm.s32 $0x1B8B  }
0xa3: {  	_ =	swait.ge [sflag:s23], $0x1  }
0xa4: {  	[sflag:s23] =	ssyncset.done $0x0  }
0xa5: {  	s25 =	simm.s32 $0x1B8E;
	s24 =	sld [smem:$0x3FFE];
	[sflag:s23] =	ssyncadd.s32 $0xFFFFFFFF  }
0xa6: {  	s26 =	simm.s32 $execute0_lowered;
	[smem:$0x3FD2] =	sst s25  }
0xa7: {  	s6 =	sshll.u32 s26, $0x1;
	_ =	strace $0x80000046;
	[dreg:$0x1] =	wrdreg $0xFFFFFFFF  }
0xa8: {  	s28 =	simm.s32 $_size_execute0_lowered;
	s4 =	sadd.s32 s4, s6;
	[dreg:$0x0] =	wrdreg $0x0  }
0xa9: {  	s6 =	sshll.u32 s28, $0x1;
	[dreg:$0x2] =	wrdreg s4  }
0xaa: {  	[dreg:$0x3] =	wrdreg s6  }
0xab: {  	[dreg:$0x4] =	wrdreg $0xC0  }
0xac: {  	_ =	task [dreg:s8], $0x5FFFF  }
0xad: {  	[dreg:$0x1] =	wrdreg $0xFFFFFFFF  }
0xae: {  	[dreg:$0x0] =	wrdreg $0x60  }
0xaf: {  	[dreg:$0x2] =	wrdreg s2  }
0xb0: {  	[dreg:$0x3] =	wrdreg s18  }
0xb1: {  	[dreg:$0x4] =	wrdreg s24  }
0xb2: {  	[dreg:$0x5] =	wrdreg $0x9  }
0xb3: {  	_ =	task.clear_ibuf [dreg:s8], $0x6FFFF;
	_ =	strace $0x90000046  }
0xb4: {  	s29 =	simm.s32 $0x9;
	_ =	strace $0x80000048  }
0xb5: {  	_ =	swait.ge [sflag:s29], $0x1  }
0xb6: {  	[sflag:s29] =	ssyncadd.s32 $0xFFFFFFFF  }
0xb7: {  	_ =	strace $0x90000048  }
0xb8: {  	_ =	sfence  }
0xb9: {  	s30 =	sld [smem:$0x0];
	_ =	sdelay $0x2  }
0xba: {  	s31 =	sshll.u32 s1, $0xD;
	s1 =	sshrl.u32 s1, $0x2  }
0xbb: {  	s3 =	sand.u32 $0x4000, s31;
	s1 =	sadd.s32 s1, s30  }
0xbc: {  	s0 =	sor.u32 s3, s0;
	s1 =	sshll.u32 s1, $0x11  }
0xbd: {  	s0 =	sor.u32 s1, s0  }
0xbe: {  	s0 =	sadd.s32 $0x8F2B, s0  }
0xbf: {  	[sflag:s0] =	ssyncadd.remote.s32 $0x1  }
0xc0: {  	_ =	sfence.sel $0xFFFF  }
0xc1: {  	[dreg:$0x0] =	wrdreg $0xFFFFFFFF;
	(pc) =	sbr.abs _section_cstart, $3  }
0xc2: {  	[dreg:$0x1] =	wrdreg $0xFFFFFFFF  }
0xc3: {  	_ =	task.clear_ibuf [dreg:s8], $0x2FFFF;
	_ =	strace $0x9FFFFFFF  }
0xc4: {  	(tm) =	ssettm $0x7FFFFFFF  }
0xc5: {  	_ =	shalt  }
tec
execute0_lowered:
.L_overlay_start_1:
0x0: {  	(tag) =	ssettag $0x1  }
0x1: {  	s0 =	srdreg.scid;
	s1 =	stileid.u32  }
0x2: {  	s0 =	sand.u32 $0x1, s0;
	s1 =	sshll.u32 s1, $0x1  }
0x3: {  	s1 =	sor.u32 s0, s1  }
0x4: {  	s2 =	smul.u32 $0x18012, s1;
	_ =	sdelay $0x1  }
0x5: {  	s6 =	rddreg [dreg:$0x0];
	s4 =	smul.u32 $0x2A, s1;
	s29 =	sshrl.u32 s2, $0x10  }
0x6: {  	s3 =	rddreg [dreg:$0x2];
	s5 =	simm.s32 $0x0;
	s2 =	smul.u32 $0x1FFFE4, s29  }
0x7: {  	[smem:$0x7FF] =	sst s5;
	s0 =	ssub.s32 $0x2, s0  }
0x8: {  	s30 =	sshrl.u32 s0, $0x1;
	s1 =	smul.u32 $0xE000, s29;
	s2 =	sadd.s32 s4, s2  }
0x9: {  	s31 =	sadd.s32 $0x400, s3;
	s0 =	ssub.s32 s0, s30;
	s2 =	sshll.u32 s2, $0xB  }
0xa: {  	[smem:$0x7FA] =	sst s4;
	s0 =	smax.u32 s0, $0x1;
	s1 =	sadd.s32 s1, s2  }
0xb: {  	_ =	strace $0x80000047;
	[smem:$0x7FB] =	sst s31;
	s1 =	sshrl.u32 s1, $0x3  }
0xc: {  	[smem:$0x7FD] =	sst s0;
	s1 =	sadd.s32 s6, s1  }
0xd: {  	s2 =	simm.s32 $0x0;
	[smem:$0x7FC] =	sst s1  }
.LBB2_1:
0xe: {  	[smem:$0x7F9] =	sst s2  }
0xf: {  	s0 =	rddreg [dreg:$0x1];
	s30 =	simm.s32 $0x5  }
0x10: {  	[tilespmem:s5], [sflag:$0x5] =	stream.linear.gather [hbm4b:s0+s5], $0x2100, $0x38;
	[tilespmem:$0x13100] =	vst v63  }
0x11: {  	_ =	swait.ge [sflag:s30], $0x2100  }
0x12: {  	s31 =	sld [smem:$0x7FC]  }
0x13: {  	[sflag:s30] =	ssyncset.done $0x0  }
0x14: {  	s1 =	simm.s32 $0x2100;
	s4 =	simm.s32 $0x0;
	[sflag:s30] =	ssyncadd.s32 $0xFFFFDF00  }
0x15: {  	[tilespmem:s1], [sflag:$0x1] =	stream.linear.gather [hbm4b:s31+s5], $0x800, $0x38;
	[tilespmem:$0x13100] =	vst v63  }
.LBB2_2:
0x16: {  	s0 =	sld [smem:$0x7FA];
	_ =	sdelay $0x1  }
0x17: {  	s1 =	sshll.u32 s4, $0x1  }
0x18: {  	s0 =	sadd.s32 s0, s1  }
0x19: {  	[smem:$0x7F7] =	sst s1;
	s1 =	sor.u32 $0x1, s0  }
0x1a: {  	s2 =	smul.u32 $0x925, s1;
	_ =	sdelay $0x1  }
0x1b: {  	s2 =	sshrl.u32 s2, $0x10  }
0x1c: {  	s3 =	smul.u32 $0x1FFFE4, s2  }
0x1d: {  	s28 =	simm.s32 $0x1;
	s30 =	simm.s32 $0x2900  }
0x1e: {  	_ =	swait.ge [sflag:s28], $0x800;
	s2 =	smul.u32 $0xE000, s2;
	s1 =	sadd.s32 s1, s3  }
0x1f: {  	[sflag:s28] =	ssyncset.done $0x0;
	[smem:$0x7F8] =	sst s4;
	s1 =	sshll.u32 s1, $0xB  }
0x20: {  	s29 =	smul.u32 $0x925, s0;
	[sflag:s28] =	ssyncadd.s32 $0xFFFFF800;
	s1 =	sadd.s32 s2, s1  }
0x21: {  	p0 =	seq.s32 s4, $0x0;
	s3 =	rddreg [dreg:$0x0];
	s1 =	sshrl.u32 s1, $0x3  }
0x22: {  	s23 =	sshrl.u32 s29, $0x10;
	s2 =	simm.s32 @!p0 $0x3;
	s1 =	sadd.s32 s3, s1  }
0x23: {  	[tilespmem:s30], [sflag:$0x2] =	stream.linear.gather [hbm4b:s1+s5], $0x800, $0x38;
	[tilespmem:$0x13100] =	vst v63  }
0x24: {  	s31 =	smul.u32 $0x1FFFE4, s23;
	_ =	swait.ge @!p0 [sflag:s2], $0x8000  }
0x25: {  	s25 =	simm.s32 $0x0;
	[sflag:s2] =	ssyncset.done @!p0 $0x0  }
0x26: {  	s26 =	simm.s32 $0x0;
	s21 =	sadd.s32 s0, s31;
	[sflag:s2] =	ssyncadd.s32 @!p0 $0xFFFF8000  }
.LBB2_3:
0x27: {  	s4 =	sshll.u32 s26, $0x7  }
0x28: {  	s0 =	sadd.s32 $0x3900, s4  }
0x29: {  	s18 =	sadd.s32 $0x4100, s4;
	[dreg:$0x4] =	wrdreg s0  }
0x2a: {  	s19 =	sadd.s32 $0x4900, s4;
	[dreg:$0x5] =	wrdreg s18  }
0x2b: {  	s20 =	sadd.s32 $0x5100, s4;
	[dreg:$0x6] =	wrdreg s19  }
0x2c: {  	s22 =	sadd.s32 $0x5900, s4;
	[dreg:$0x7] =	wrdreg s20  }
0x2d: {  	s24 =	sadd.s32 $0x6100, s4;
	[dreg:$0x8] =	wrdreg s22  }
0x2e: {  	s1 =	sadd.s32 $0x6900, s4;
	[dreg:$0x9] =	wrdreg s24  }
0x2f: {  	s2 =	sadd.s32 $0x7100, s4;
	[dreg:$0xa] =	wrdreg s1  }
0x30: {  	s3 =	sadd.s32 $0x7900, s4;
	[dreg:$0xb] =	wrdreg s2  }
0x31: {  	s6 =	sadd.s32 $0x8100, s4;
	[dreg:$0xc] =	wrdreg s3  }
0x32: {  	s7 =	sadd.s32 $0x8900, s4;
	[dreg:$0xd] =	wrdreg s6  }
0x33: {  	s8 =	sadd.s32 $0x9100, s4;
	s9 =	sadd.s32 $0x9900, s4;
	[dreg:$0xe] =	wrdreg s7  }
0x34: {  	s10 =	sadd.s32 $0xA100, s4;
	s11 =	sadd.s32 $0xA900, s4;
	[dreg:$0xf] =	wrdreg s8  }
0x35: {  	[dreg:$0x10] =	wrdreg s9;
	s9 =	sand.u32 $0x60, s25;
	s20 =	sand.u32 $0x400, s25  }
0x36: {  	[dreg:$0x11] =	wrdreg s10;
	s1 =	sor.u32 s4, s20;
	s12 =	sor.u32 $0x10, s9  }
0x37: {  	[dreg:$0x12] =	wrdreg s11;
	s13 =	sor.u32 s12, s1  }
0x38: {  	v0 =	vld [tilespmem:s13+$0x2100]  }
0x39: {  	s1 =	sor.u32 s9, s1  }
0x3a: {  	v1 =	vld [tilespmem:s1+$0x2100];
	_ =	sdelay $0x2  }
0x3b: {  	v4 =	vmul.u32 $0x21, v0;
	_ =	sdelay $0x1  }
0x3c: {  	v3 =	vmul.u32 $0x21, v1;
	_ =	sdelay $0x3  }
0x3d: {  	v0 =	vld.idx.msk [tilespmem:v4+s5+$0x0], $0xffff  }
0x3e: {  	v1 =	vadd.s32 $0x1, v4  }
0x3f: {  	v2 =	vld.idx.msk [tilespmem:v3+s5+$0x0], $0xffff  }
0x40: {  	v5 =	vadd.s32 $0x1, v3;
	_ =	sdelay $0x1  }
0x41: {  	[tilespmem:s13+$0x3100] =	vst v0  }
0x42: {  	v0 =	vld.idx.msk [tilespmem:v1+s5+$0x0], $0xffff  }
0x43: {  	s0 =	rddreg [dreg:$0x4];
	v1 =	vadd.s32 $0x2, v4;
	[tilespmem:s1+$0x3100] =	vst v2  }
0x44: {  	v2 =	vld.idx.msk [tilespmem:v5+s5+$0x0], $0xffff  }
0x45: {  	s0 =	sadd.s32 s20, s0;
	v5 =	vadd.s32 $0x2, v3  }
0x46: {  	s14 =	sadd.s32 s12, s0  }
0x47: {  	[tilespmem:s14+$0x0] =	vst v0  }
0x48: {  	s0 =	sadd.s32 s9, s0;
	v0 =	vld.idx.msk [tilespmem:v1+s5+$0x0], $0xffff  }
0x49: {  	s2 =	simm.s32 $0x100;
	s3 =	simm.s32 $0x20;
	s1 =	rddreg [dreg:$0x5];
	v1 =	vadd.s32 $0x3, v4;
	[tilespmem:s0+$0x0] =	vst v2  }
0x4a: {  	s28 =	sand.u32 $0x60, s3;
	s29 =	sand.u32 $0x400, s2;
	v2 =	vld.idx.msk [tilespmem:v5+s5+$0x0], $0xffff  }
0x4b: {  	s15 =	sor.u32 s4, s29;
	s30 =	sor.u32 $0x10, s28;
	s1 =	sadd.s32 s20, s1;
	v5 =	vadd.s32 $0x3, v3  }
0x4c: {  	s16 =	sor.u32 s30, s15;
	s17 =	sadd.s32 s12, s1  }
0x4d: {  	v6 =	vld [tilespmem:s16+$0x2100];
	[tilespmem:s17+$0x0] =	vst v0  }
0x4e: {  	s0 =	sor.u32 s28, s15;
	s1 =	sadd.s32 s9, s1;
	v0 =	vld.idx.msk [tilespmem:v1+s5+$0x0], $0xffff  }
0x4f: {  	v7 =	vld [tilespmem:s0+$0x2100];
	s3 =	rddreg [dreg:$0x6];
	v1 =	vadd.s32 $0x4, v4;
	[tilespmem:s1+$0x0] =	vst v2  }
0x50: {  	v2 =	vld.idx.msk [tilespmem:v5+s5+$0x0], $0xffff  }
0x51: {  	s18 =	sadd.s32 s20, s3;
	v5 =	vadd.s32 $0x4, v3  }
0x52: {  	s3 =	sadd.s32 s12, s18  }
0x53: {  	[tilespmem:s3+$0x0] =	vst v0;
	v0 =	vmul.u32 $0x21, v6  }
0x54: {  	s1 =	sadd.s32 s9, s18;
	v1 =	vld.idx.msk [tilespmem:v1+s5+$0x0], $0xffff  }
0x55: {  	v8 =	vmul.u32 $0x21, v7;
	v6 =	vadd.s32 $0x5, v4;
	s3 =	rddreg [dreg:$0x7];
	[tilespmem:s1+$0x0] =	vst v2  }
0x56: {  	v2 =	vld.idx.msk [tilespmem:v5+s5+$0x0], $0xffff  }
0x57: {  	s19 =	sadd.s32 s20, s3;
	v5 =	vadd.s32 $0x5, v3  }
0x58: {  	s3 =	sadd.s32 s12, s19  }
0x59: {  	v7 =	vld.idx.msk [tilespmem:v0+s5+$0x0], $0xffff;
	[tilespmem:s3+$0x0] =	vst v1  }
0x5a: {  	s1 =	sadd.s32 s9, s19;
	v1 =	vld.idx.msk [tilespmem:v6+s5+$0x0], $0xffff;
	v6 =	vadd.s32 $0x1, v0  }
0x5b: {  	v9 =	vadd.s32 $0x6, v4;
	v10 =	vld.idx.msk [tilespmem:v8+s5+$0x0], $0xffff;
	s3 =	rddreg [dreg:$0x8];
	[tilespmem:s1+$0x0] =	vst v2  }
0x5c: {  	v2 =	vadd.s32 $0x1, v8;
	v5 =	vld.idx.msk [tilespmem:v5+s5+$0x0], $0xffff  }
0x5d: {  	v11 =	vadd.s32 $0x6, v3;
	s22 =	sadd.s32 s20, s3  }
0x5e: {  	s24 =	sadd.s32 s12, s22;
	[tilespmem:s16+$0x3100] =	vst v7  }
0x5f: {  	v6 =	vld.idx.msk [tilespmem:v6+s5+$0x0], $0xffff;
	[tilespmem:s24+$0x0] =	vst v1  }
0x60: {  	s1 =	sadd.s32 s9, s22;
	v7 =	vadd.s32 $0x2, v0;
	s3 =	rddreg [dreg:$0x4];
	[tilespmem:s0+$0x3100] =	vst v10;
	v1 =	vld.idx.msk [tilespmem:v9+s5+$0x0], $0xffff  }
0x61: {  	s6 =	rddreg [dreg:$0x9];
	v9 =	vadd.s32 $0x7, v4;
	v2 =	vld.idx.msk [tilespmem:v2+s5+$0x0], $0xffff;
	[tilespmem:s1+$0x0] =	vst v5  }
0x62: {  	s7 =	sadd.s32 s29, s3;
	v5 =	vadd.s32 $0x2, v8;
	v10 =	vld.idx.msk [tilespmem:v11+s5+$0x0], $0xffff  }
0x63: {  	s8 =	sadd.s32 s30, s7;
	s10 =	sadd.s32 s20, s6;
	v11 =	vadd.s32 $0x7, v3  }
0x64: {  	s14 =	simm.s32 $0x200;
	s11 =	sadd.s32 s12, s10;
	[tilespmem:s8+$0x0] =	vst v6  }
0x65: {  	s1 =	sand.u32 $0x400, s14;
	s0 =	sadd.s32 s28, s7;
	s6 =	simm.s32 $0x40;
	v6 =	vld.idx.msk [tilespmem:v7+s5+$0x0], $0xffff;
	[tilespmem:s11+$0x0] =	vst v1  }
0x66: {  	s2 =	sadd.s32 s9, s10;
	s31 =	sand.u32 $0x60, s6;
	s13 =	rddreg [dreg:$0x5];
	v7 =	vadd.s32 $0x3, v0;
	[tilespmem:s0+$0x0] =	vst v2;
	v1 =	vld.idx.msk [tilespmem:v9+s5+$0x0], $0xffff  }
0x67: {  	s15 =	sor.u32 s4, s1;
	v2 =	vadd.s32 $0x8, v4;
	s0 =	sor.u32 $0x10, s31;
	s7 =	rddreg [dreg:$0xa];
	v5 =	vld.idx.msk [tilespmem:v5+s5+$0x0], $0xffff;
	[tilespmem:s2+$0x0] =	vst v10  }
0x68: {  	s8 =	sadd.s32 s29, s13;
	v9 =	vadd.s32 $0x3, v8;
	s3 =	sor.u32 s0, s15;
	v10 =	vld.idx.msk [tilespmem:v11+s5+$0x0], $0xffff  }
0x69: {  	s2 =	sor.u32 s31, s15;
	s16 =	sadd.s32 s30, s8;
	s7 =	sadd.s32 s20, s7;
	v12 =	vld [tilespmem:s3+$0x2100]  }
0x6a: {  	v11 =	vadd.s32 $0x8, v3;
	v13 =	vld [tilespmem:s2+$0x2100];
	s17 =	sadd.s32 s12, s7;
	[tilespmem:s16+$0x0] =	vst v6  }
0x6b: {  	s18 =	sadd.s32 s28, s8;
	v6 =	vld.idx.msk [tilespmem:v7+s5+$0x0], $0xffff;
	[tilespmem:s17+$0x0] =	vst v1  }
0x6c: {  	s10 =	rddreg [dreg:$0x6];
	v7 =	vadd.s32 $0x4, v0;
	[tilespmem:s18+$0x0] =	vst v5;
	v2 =	vld.idx.msk [tilespmem:v2+s5+$0x0], $0xffff  }
0x6d: {  	s7 =	sadd.s32 s9, s7;
	v5 =	vadd.s32 $0x9, v4;
	v14 =	vld.idx.msk [tilespmem:v9+s5+$0x0], $0xffff  }
0x6e: {  	s19 =	rddreg [dreg:$0xb];
	s22 =	sadd.s32 s29, s10;
	[tilespmem:s7+$0x0] =	vst v10;
	v10 =	vadd.s32 $0x4, v8;
	v1 =	vmul.u32 $0x21, v12  }
0x6f: {  	s24 =	sadd.s32 s30, s22;
	v11 =	vld.idx.msk [tilespmem:v11+s5+$0x0], $0xffff;
	s8 =	sadd.s32 s20, s19  }
0x70: {  	v15 =	vadd.s32 $0x9, v3;
	v9 =	vmul.u32 $0x21, v13;
	s10 =	sadd.s32 s12, s8;
	[tilespmem:s24+$0x0] =	vst v6  }
0x71: {  	s6 =	sadd.s32 s28, s22;
	v6 =	vld.idx.msk [tilespmem:v7+s5+$0x0], $0xffff;
	[tilespmem:s10+$0x0] =	vst v2  }
0x72: {  	s11 =	rddreg [dreg:$0x7];
	[tilespmem:s6+$0x0] =	vst v14;
	v2 =	vld.idx.msk [tilespmem:v5+s5+$0x0], $0xffff  }
0x73: {  	s8 =	sadd.s32 s9, s8;
	v5 =	vadd.s32 $0x5, v0;
	v10 =	vld.idx.msk [tilespmem:v10+s5+$0x0], $0xffff  }
0x74: {  	v7 =	vadd.s32 $0xA, v4;
	s13 =	rddreg [dreg:$0xc];
	s14 =	sadd.s32 s29, s11;
	[tilespmem:s8+$0x0] =	vst v11;
	v14 =	vld.idx.msk [tilespmem:v1+s5+$0x0], $0xffff  }
0x75: {  	v11 =	vadd.s32 $0x5, v8;
	s7 =	sadd.s32 s30, s14;
	v12 =	vld.idx.msk [tilespmem:v15+s5+$0x0], $0xffff;
	s15 =	sadd.s32 s20, s13  }
0x76: {  	v13 =	vadd.s32 $0xA, v3;
	v15 =	vld.idx.msk [tilespmem:v9+s5+$0x0], $0xffff;
	s16 =	sadd.s32 s12, s15;
	[tilespmem:s7+$0x0] =	vst v6  }
0x77: {  	v16 =	vadd.s32 $0x1, v9;
	s6 =	sadd.s32 s28, s14;
	[tilespmem:s16+$0x0] =	vst v2  }
0x78: {  	v5 =	vld.idx.msk [tilespmem:v5+s5+$0x0], $0xffff;
	v2 =	vadd.s32 $0x1, v1;
	s17 =	rddreg [dreg:$0x8];
	[tilespmem:s6+$0x0] =	vst v10  }
0x79: {  	s8 =	sadd.s32 s9, s15;
	[tilespmem:s3+$0x3100] =	vst v14;
	v6 =	vld.idx.msk [tilespmem:v7+s5+$0x0], $0xffff;
	v7 =	vadd.s32 $0x6, v0  }
0x7a: {  	v10 =	vadd.s32 $0xB, v4;
	s18 =	rddreg [dreg:$0xd];
	v11 =	vld.idx.msk [tilespmem:v11+s5+$0x0], $0xffff;
	[tilespmem:s8+$0x0] =	vst v12  }
0x7b: {  	s19 =	sadd.s32 s29, s17;
	s10 =	rddreg [dreg:$0x4];
	[tilespmem:s2+$0x3100] =	vst v15;
	v13 =	vld.idx.msk [tilespmem:v13+s5+$0x0], $0xffff  }
0x7c: {  	v12 =	vadd.s32 $0x6, v8;
	s22 =	sadd.s32 s30, s19;
	s24 =	sadd.s32 s20, s18;
	v15 =	vld.idx.msk [tilespmem:v16+s5+$0x0], $0xffff  }
0x7d: {  	v14 =	vadd.s32 $0xB, v3;
	s8 =	sadd.s32 s12, s24;
	v2 =	vld.idx.msk [tilespmem:v2+s5+$0x0], $0xffff;
	[tilespmem:s22+$0x0] =	vst v5  }
0x7e: {  	v5 =	vld.idx.msk [tilespmem:v7+s5+$0x0], $0xffff;
	[tilespmem:s8+$0x0] =	vst v6;
	v6 =	vadd.s32 $0x2, v1  }
0x7f: {  	s6 =	sadd.s32 s28, s19;
	s18 =	simm.s32 $0x300;
	v7 =	vld.idx.msk [tilespmem:v10+s5+$0x0], $0xffff;
	v10 =	vadd.s32 $0x7, v0  }
0x80: {  	v16 =	vadd.s32 $0x2, v9;
	s7 =	sadd.s32 s9, s24;
	s11 =	rddreg [dreg:$0x9];
	s8 =	sadd.s32 s1, s10;
	[tilespmem:s6+$0x0] =	vst v11  }
0x81: {  	v11 =	vadd.s32 $0xC, v4;
	s13 =	rddreg [dreg:$0xe];
	s14 =	sadd.s32 s0, s8;
	v12 =	vld.idx.msk [tilespmem:v12+s5+$0x0], $0xffff;
	s3 =	sadd.s32 s29, s11;
	[tilespmem:s7+$0x0] =	vst v13  }
0x82: {  	s19 =	simm.s32 $0x60;
	s10 =	sand.u32 $0x400, s18;
	v13 =	vadd.s32 $0x7, v8;
	s16 =	sadd.s32 s30, s3;
	[tilespmem:s14+$0x0] =	vst v2;
	v2 =	vld.idx.msk [tilespmem:v14+s5+$0x0], $0xffff  }
0x83: {  	s15 =	sadd.s32 s31, s8;
	s8 =	sand.u32 $0x60, s19;
	s2 =	sadd.s32 s20, s13;
	v6 =	vld.idx.msk [tilespmem:v6+s5+$0x0], $0xffff;
	[tilespmem:s16+$0x0] =	vst v5  }
0x84: {  	s3 =	sadd.s32 s28, s3;
	s17 =	sadd.s32 s12, s2;
	s11 =	rddreg [dreg:$0x5];
	[tilespmem:s15+$0x0] =	vst v15;
	v5 =	vld.idx.msk [tilespmem:v10+s5+$0x0], $0xffff  }
0x85: {  	s7 =	sor.u32 $0x10, s8;
	s2 =	sadd.s32 s9, s2;
	s14 =	sor.u32 s4, s10;
	[tilespmem:s17+$0x0] =	vst v7;
	v7 =	vadd.s32 $0x3, v1;
	v14 =	vld.idx.msk [tilespmem:v16+s5+$0x0], $0xffff  }
0x86: {  	s13 =	rddreg [dreg:$0xa];
	s11 =	sadd.s32 s1, s11;
	[tilespmem:s3+$0x0] =	vst v12;
	s3 =	sor.u32 s7, s14;
	v10 =	vld.idx.msk [tilespmem:v11+s5+$0x0], $0xffff;
	v11 =	vadd.s32 $0x8, v0  }
0x87: {  	v15 =	vadd.s32 $0x3, v9;
	s22 =	rddreg [dreg:$0xf];
	s15 =	sadd.s32 s0, s11;
	v13 =	vld.idx.msk [tilespmem:v13+s5+$0x0], $0xffff;
	s16 =	sadd.s32 s29, s13;
	[tilespmem:s2+$0x0] =	vst v2  }
0x88: {  	v12 =	vadd.s32 $0xD, v4;
	v16 =	vld [tilespmem:s3+$0x2100];
	s24 =	sadd.s32 s30, s16;
	s2 =	sor.u32 s8, s14;
	[tilespmem:s15+$0x0] =	vst v6  }
0x89: {  	s18 =	sadd.s32 s31, s11;
	s13 =	sadd.s32 s20, s22;
	v6 =	vadd.s32 $0x8, v8;
	v17 =	vld [tilespmem:s2+$0x2100];
	[tilespmem:s24+$0x0] =	vst v5  }
0x8a: {  	s6 =	sadd.s32 s12, s13;
	v7 =	vld.idx.msk [tilespmem:v7+s5+$0x0], $0xffff;
	v5 =	vadd.s32 $0xC, v3;
	s17 =	rddreg [dreg:$0x6];
	[tilespmem:s18+$0x0] =	vst v14  }
0x8b: {  	v11 =	vld.idx.msk [tilespmem:v11+s5+$0x0], $0xffff;
	[tilespmem:s6+$0x0] =	vst v10;
	v10 =	vadd.s32 $0x4, v1  }
0x8c: {  	s22 =	sadd.s32 s28, s16;
	v14 =	vadd.s32 $0x9, v0;
	v15 =	vld.idx.msk [tilespmem:v15+s5+$0x0], $0xffff  }
0x8d: {  	v18 =	vadd.s32 $0x4, v9;
	s19 =	rddreg [dreg:$0xb];
	s15 =	sadd.s32 s1, s17;
	[tilespmem:s22+$0x0] =	vst v13;
	v2 =	vmul.u32 $0x21, v16;
	v12 =	vld.idx.msk [tilespmem:v12+s5+$0x0], $0xffff  }
0x8e: {  	s16 =	sadd.s32 s0, s15;
	s17 =	sadd.s32 s29, s19;
	v6 =	vld.idx.msk [tilespmem:v6+s5+$0x0], $0xffff  }
0x8f: {  	v13 =	vadd.s32 $0xE, v4;
	s18 =	sadd.s32 s30, s17;
	[tilespmem:s16+$0x0] =	vst v7;
	v5 =	vld.idx.msk [tilespmem:v5+s5+$0x0], $0xffff  }
0x90: {  	v19 =	vadd.s32 $0x9, v8;
	s24 =	rddreg [dreg:$0x10];
	s15 =	sadd.s32 s31, s15;
	v33 =	vmul.u32 $0x21, v17;
	v7 =	vld.idx.msk [tilespmem:v10+s5+$0x0], $0xffff;
	[tilespmem:s18+$0x0] =	vst v11  }
0x91: {  	s11 =	sadd.s32 s20, s24;
	s19 =	rddreg [dreg:$0x7];
	[tilespmem:s15+$0x0] =	vst v15;
	v10 =	vld.idx.msk [tilespmem:v14+s5+$0x0], $0xffff  }
0x92: {  	v21 =	vadd.s32 $0xD, v3;
	s6 =	sadd.s32 s12, s11;
	v14 =	vld.idx.msk [tilespmem:v18+s5+$0x0], $0xffff  }
0x93: {  	s16 =	sadd.s32 s28, s17;
	v11 =	vadd.s32 $0x5, v1;
	[tilespmem:s6+$0x0] =	vst v12;
	v16 =	vld.idx.msk [tilespmem:v2+s5+$0x0], $0xffff  }
0x94: {  	s13 =	sadd.s32 s9, s13;
	s22 =	rddreg [dreg:$0xc];
	s14 =	sadd.s32 s1, s19;
	v12 =	vld.idx.msk [tilespmem:v13+s5+$0x0], $0xffff;
	v13 =	vadd.s32 $0xA, v0;
	[tilespmem:s16+$0x0] =	vst v6  }
0x95: {  	v15 =	vadd.s32 $0x5, v9;
	s24 =	rddreg [dreg:$0x11];
	s17 =	sadd.s32 s0, s14;
	s6 =	sadd.s32 s29, s22;
	v6 =	vld.idx.msk [tilespmem:v19+s5+$0x0], $0xffff;
	[tilespmem:s13+$0x0] =	vst v5  }
0x96: {  	v4 =	vadd.s32 $0xF, v4;
	s18 =	sadd.s32 s30, s6;
	v23 =	vld.idx.msk [tilespmem:v33+s5+$0x0], $0xffff;
	[tilespmem:s17+$0x0] =	vst v7  }
0x97: {  	v17 =	vadd.s32 $0xA, v8;
	s14 =	sadd.s32 s31, s14;
	s15 =	sadd.s32 s20, s24;
	v40 =	vld.idx.msk [tilespmem:v21+s5+$0x0], $0xffff;
	[tilespmem:s18+$0x0] =	vst v10  }
0x98: {  	s19 =	sadd.s32 s12, s15;
	v18 =	vld.idx.msk [tilespmem:v11+s5+$0x0], $0xffff;
	v10 =	vadd.s32 $0x1, v2;
	s17 =	rddreg [dreg:$0x8];
	[tilespmem:s14+$0x0] =	vst v14  }
0x99: {  	v24 =	vadd.s32 $0xB, v8;
	v13 =	vld.idx.msk [tilespmem:v13+s5+$0x0], $0xffff;
	[tilespmem:s19+$0x0] =	vst v12;
	v12 =	vadd.s32 $0x6, v1  }
0x9a: {  	v41 =	vadd.s32 $0xC, v0;
	v28 =	vadd.s32 $0x6, v9;
	s6 =	sadd.s32 s28, s6;
	v14 =	vadd.s32 $0xB, v0;
	[tilespmem:s3+$0x3100] =	vst v16;
	s22 =	rddreg [dreg:$0xd];
	v25 =	vld.idx.msk [tilespmem:v15+s5+$0x0], $0xffff;
	s16 =	sadd.s32 s1, s17  }
0x9b: {  	v22 =	vadd.s32 $0x7, v9;
	v20 =	vadd.s32 $0x8, v9;
	v26 =	vadd.s32 $0x1, v33;
	v19 =	vld.idx.msk [tilespmem:v4+s5+$0x0], $0xffff;
	s24 =	rddreg [dreg:$0x12];
	s17 =	sadd.s32 s0, s16;
	[tilespmem:s6+$0x0] =	vst v6  }
0x9c: {  	v39 =	vadd.s32 $0x7, v1;
	v35 =	vadd.s32 $0x2, v2;
	v31 =	vadd.s32 $0x2, v33;
	s18 =	sadd.s32 s29, s22;
	s13 =	sadd.s32 s20, s24;
	s20 =	rddreg [dreg:$0x4];
	[tilespmem:s2+$0x3100] =	vst v23;
	v17 =	vld.idx.msk [tilespmem:v17+s5+$0x0], $0xffff  }
0x9d: {  	v29 =	vadd.s32 $0x3, v33;
	v27 =	vadd.s32 $0x4, v33;
	v30 =	vadd.s32 $0x7, v33;
	s19 =	sadd.s32 s30, s18;
	v32 =	vld.idx.msk [tilespmem:v10+s5+$0x0], $0xffff;
	[tilespmem:s17+$0x0] =	vst v18  }
0x9e: {  	v5 =	vadd.s32 $0xE, v3;
	v3 =	vadd.s32 $0xF, v3;
	v7 =	vadd.s32 $0xD, v8;
	s16 =	sadd.s32 s31, s16;
	v12 =	vld.idx.msk [tilespmem:v12+s5+$0x0], $0xffff;
	[tilespmem:s19+$0x0] =	vst v13  }
0x9f: {  	s11 =	sadd.s32 s9, s11;
	v21 =	vadd.s32 $0xC, v33;
	v11 =	vadd.s32 $0xC, v8;
	v16 =	vadd.s32 $0xA, v9;
	s22 =	sadd.s32 s12, s13;
	s24 =	rddreg [dreg:$0x9];
	[tilespmem:s16+$0x0] =	vst v25;
	v38 =	vld.idx.msk [tilespmem:v14+s5+$0x0], $0xffff  }
0xa0: {  	v15 =	vadd.s32 $0xB, v9;
	v4 =	vadd.s32 $0xF, v8;
	v6 =	vadd.s32 $0xE, v8;
	s2 =	simm.s32 $0x6;
	s6 =	sadd.s32 s28, s18;
	v36 =	vld.idx.msk [tilespmem:v26+s5+$0x0], $0xffff;
	s14 =	sadd.s32 s10, s20;
	[tilespmem:s22+$0x0] =	vst v19  }
0xa1: {  	v8 =	vadd.s32 $0xE, v9;
	v23 =	vadd.s32 $0x9, v33;
	v26 =	vadd.s32 $0x5, v33;
	s18 =	sadd.s32 s7, s14;
	s17 =	rddreg [dreg:$0xe];
	v34 =	vld.idx.msk [tilespmem:v28+s5+$0x0], $0xffff;
	s12 =	sadd.s32 s1, s24;
	[tilespmem:s6+$0x0] =	vst v17  }
0xa2: {  	s20 =	sadd.s32 s9, s15;
	v18 =	vadd.s32 $0x9, v9;
	v10 =	vadd.s32 $0xD, v9;
	v13 =	vadd.s32 $0xC, v9;
	s19 =	sadd.s32 s0, s12;
	s22 =	sadd.s32 s29, s17;
	[tilespmem:s18+$0x0] =	vst v32;
	v32 =	vld.idx.msk [tilespmem:v24+s5+$0x0], $0xffff  }
0xa3: {  	s9 =	sadd.s32 s9, s13;
	s15 =	simm.s32 $0x80;
	v9 =	vadd.s32 $0xF, v9;
	v25 =	vadd.s32 $0x6, v33;
	v28 =	vadd.s32 $0x8, v33;
	s24 =	sadd.s32 s30, s22;
	v37 =	vld.idx.msk [tilespmem:v35+s5+$0x0], $0xffff;
	[tilespmem:s19+$0x0] =	vst v12  }
0xa4: {  	s14 =	sadd.s32 s8, s14;
	v19 =	vadd.s32 $0xA, v33;
	v14 =	vadd.s32 $0xD, v33;
	s3 =	sadd.s32 s31, s12;
	v17 =	vadd.s32 $0xB, v33;
	s6 =	rddreg [dreg:$0x5];
	v35 =	vld.idx.msk [tilespmem:v39+s5+$0x0], $0xffff;
	[tilespmem:s24+$0x0] =	vst v38  }
0xa5: {  	[tilespmem:s11+$0x0] =	vst v40;
	s12 =	simm.s32 $0x400;
	s18 =	sadd.s32 s28, s22;
	v24 =	vadd.s32 $0xE, v33;
	v12 =	vadd.s32 $0xF, v33;
	v38 =	vadd.s32 $0x3, v2;
	s13 =	rddreg [dreg:$0xa];
	v33 =	vld.idx.msk [tilespmem:v41+s5+$0x0], $0xffff  }
.LBB2_4:
0xa6: {  	[tilespmem:s14+$0x0] =	vst v36  }
0xa7: {  	s17 =	sand.u32 $0x60, s15;
	s11 =	sand.u32 $0x400, s12;
	v45 =	vadd.s32 $0x8, v1;
	s6 =	sadd.s32 s10, s6;
	v39 =	vld.idx.msk [tilespmem:v5+s5+$0x0], $0xffff  }
0xa8: {  	s13 =	sadd.s32 s1, s13;
	s19 =	sor.u32 s4, s11;
	s16 =	sor.u32 $0x10, s17;
	v5 =	vmovc v6;
	v6 =	vmov v8;
	v8 =	vmov v24;
	v24 =	vld.idx.msk [tilespmem:v31+s5+$0x0], $0xffff;
	[tilespmem:s3+$0x0] =	vst v34;
	v31 =	vadd.s32 $0xD, v0  }
0xa9: {  	s22 =	sadd.s32 s7, s6;
	s14 =	rddreg [dreg:$0xf];
	s3 =	sor.u32 s16, s19;
	v34 =	vld.idx.msk [tilespmem:v22+s5+$0x0], $0xffff;
	[tilespmem:s18+$0x0] =	vst v32  }
0xaa: {  	s24 =	sadd.s32 s0, s13;
	s14 =	sadd.s32 s29, s14;
	v22 =	vmov v30;
	v30 =	vld [tilespmem:s3+$0x2100];
	[tilespmem:s22+$0x0] =	vst v37  }
0xab: {  	s18 =	sor.u32 s17, s19;
	s19 =	sadd.s32 s30, s14;
	v46 =	vld.idx.msk [tilespmem:v38+s5+$0x0], $0xffff;
	[tilespmem:s24+$0x0] =	vst v35  }
0xac: {  	v35 =	vld.idx.msk [tilespmem:v45+s5+$0x0], $0xffff;
	[tilespmem:s19+$0x0] =	vst v33  }
0xad: {  	v47 =	vadd.s32 $0x4, v2;
	s6 =	sadd.s32 s8, s6;
	v31 =	vld.idx.msk [tilespmem:v31+s5+$0x0], $0xffff;
	[tilespmem:s20+$0x0] =	vst v39  }
0xae: {  	s22 =	rddreg [dreg:$0x6];
	s24 =	sadd.s32 s31, s13;
	v48 =	vld [tilespmem:s18+$0x2100];
	[tilespmem:s6+$0x0] =	vst v24;
	v24 =	vadd.s32 $0x9, v1  }
0xaf: {  	v49 =	vadd.s32 $0xE, v0;
	s13 =	sadd.s32 s28, s14;
	s22 =	sadd.s32 s10, s22;
	s19 =	rddreg [dreg:$0xb];
	v29 =	vld.idx.msk [tilespmem:v29+s5+$0x0], $0xffff;
	[tilespmem:s24+$0x0] =	vst v34  }
0xb0: {  	s14 =	sadd.s32 s7, s22;
	s19 =	sadd.s32 s1, s19;
	s20 =	rddreg [dreg:$0x10];
	v50 =	vld.idx.msk [tilespmem:v20+s5+$0x0], $0xffff  }
0xb1: {  	s6 =	sadd.s32 s29, s20;
	[tilespmem:s14+$0x0] =	vst v46;
	s14 =	sadd.s32 s31, s19;
	s19 =	sadd.s32 s0, s19;
	v20 =	vmov v28;
	v28 =	vld.idx.msk [tilespmem:v11+s5+$0x0], $0xffff  }
0xb2: {  	v11 =	vmov v13;
	v13 =	vmov v21;
	v21 =	vmul.u32 $0x21, v30;
	v32 =	vld.idx.msk [tilespmem:v47+s5+$0x0], $0xffff;
	[tilespmem:s19+$0x0] =	vst v35;
	s19 =	sadd.s32 s28, s6;
	s6 =	sadd.s32 s30, s6  }
0xb3: {  	s24 =	sadd.s32 s8, s22;
	v24 =	vld.idx.msk [tilespmem:v24+s5+$0x0], $0xffff;
	[tilespmem:s6+$0x0] =	vst v31  }
0xb4: {  	v52 =	vadd.s32 $0x5, v2;
	s22 =	rddreg [dreg:$0x7];
	v34 =	vld.idx.msk [tilespmem:v49+s5+$0x0], $0xffff;
	[tilespmem:s24+$0x0] =	vst v29  }
0xb5: {  	v53 =	vadd.s32 $0xA, v1;
	s6 =	rddreg [dreg:$0xc];
	v39 =	vld.idx.msk [tilespmem:v3+s5+$0x0], $0xffff  }
0xb6: {  	v54 =	vadd.s32 $0xF, v0;
	s22 =	sadd.s32 s10, s22;
	v51 =	vmul.u32 $0x21, v48;
	s24 =	rddreg [dreg:$0x11];
	v40 =	vld.idx.msk [tilespmem:v27+s5+$0x0], $0xffff;
	[tilespmem:s14+$0x0] =	vst v50  }
0xb7: {  	s6 =	sadd.s32 s1, s6;
	s14 =	sadd.s32 s8, s22;
	s22 =	sadd.s32 s7, s22;
	v43 =	vld.idx.msk [tilespmem:v18+s5+$0x0], $0xffff;
	[tilespmem:s13+$0x0] =	vst v28  }
0xb8: {  	v0 =	vmov v1;
	v1 =	vmov v2;
	v2 =	vmov v21;
	s24 =	sadd.s32 s29, s24;
	v45 =	vld.idx.msk [tilespmem:v21+s5+$0x0], $0xffff;
	[tilespmem:s22+$0x0] =	vst v32;
	s13 =	sadd.s32 s31, s6;
	s6 =	sadd.s32 s0, s6  }
0xb9: {  	v47 =	vadd.s32 $0x1, v2;
	s22 =	sadd.s32 s30, s24;
	v35 =	vld.idx.msk [tilespmem:v52+s5+$0x0], $0xffff;
	[tilespmem:s6+$0x0] =	vst v24  }
0xba: {  	v38 =	vld.idx.msk [tilespmem:v53+s5+$0x0], $0xffff;
	[tilespmem:s22+$0x0] =	vst v34  }
0xbb: {  	v56 =	vadd.s32 $0x6, v1;
	s20 =	sadd.s32 s28, s24;
	s24 =	rddreg [dreg:$0x8];
	v37 =	vld.idx.msk [tilespmem:v54+s5+$0x0], $0xffff;
	[tilespmem:s9+$0x0] =	vst v39  }
0xbc: {  	s2 =	sadd.s32 $0x2, s2;
	s12 =	sadd.s32 $0x100, s12;
	v57 =	vadd.s32 $0xB, v0;
	s24 =	sadd.s32 s10, s24;
	v33 =	vld.idx.msk [tilespmem:v51+s5+$0x0], $0xffff;
	[tilespmem:s14+$0x0] =	vst v40  }
0xbd: {  	p1 =	slt.u32 s2, $0xC;
	s6 =	rddreg [dreg:$0xd];
	s22 =	sadd.s32 s7, s24;
	[tilespmem:s3+$0x3100] =	vst v45;
	v40 =	vld.idx.msk [tilespmem:v26+s5+$0x0], $0xffff  }
0xbe: {  	v36 =	vadd.s32 $0x1, v51;
	s6 =	sadd.s32 s1, s6;
	s9 =	rddreg [dreg:$0x12];
	s3 =	sadd.s32 s8, s24;
	[tilespmem:s13+$0x0] =	vst v43;
	v59 =	vld.idx.msk [tilespmem:v47+s5+$0x0], $0xffff  }
0xbf: {  	s24 =	sadd.s32 s29, s9;
	[tilespmem:s22+$0x0] =	vst v35;
	s13 =	sadd.s32 s31, s6;
	s6 =	sadd.s32 s0, s6;
	v58 =	vld.idx.msk [tilespmem:v16+s5+$0x0], $0xffff  }
0xc0: {  	v60 =	vadd.s32 $0x2, v2;
	s29 =	smov.u32 s1;
	s1 =	smov.u32 s10;
	s22 =	rddreg [dreg:$0x4];
	v35 =	vld.idx.msk [tilespmem:v56+s5+$0x0], $0xffff;
	[tilespmem:s6+$0x0] =	vst v38  }
0xc1: {  	v63 =	vadd.s32 $0xC, v0;
	s9 =	sadd.s32 s28, s24;
	s14 =	sadd.s32 s30, s24;
	s24 =	rddreg [dreg:$0x9];
	v39 =	vld.idx.msk [tilespmem:v57+s5+$0x0], $0xffff;
	[tilespmem:s18+$0x3100] =	vst v33  }
0xc2: {  	v61 =	vadd.s32 $0x7, v1;
	v31 =	vadd.s32 $0x2, v51;
	v29 =	vadd.s32 $0x3, v51;
	s28 =	smov.u32 s31;
	s31 =	smov.u32 s8;
	s22 =	sadd.s32 s11, s22;
	[tilespmem:s14+$0x0] =	vst v37;
	v62 =	vld.idx.msk [tilespmem:v7+s5+$0x0], $0xffff  }
0xc3: {  	v27 =	vadd.s32 $0x4, v51;
	v41 =	vadd.s32 $0x5, v51;
	v42 =	vadd.s32 $0x6, v51;
	s8 =	smov.u32 s17;
	s6 =	rddreg [dreg:$0xe];
	s18 =	sadd.s32 s16, s22;
	v36 =	vld.idx.msk [tilespmem:v36+s5+$0x0], $0xffff;
	[tilespmem:s3+$0x0] =	vst v40  }
.Ltmp0:
0xc4: {  	v3 =	vmovc v4;
	v30 =	vadd.s32 $0x7, v51;
	v44 =	vadd.s32 $0xA, v51;
	v46 =	vadd.s32 $0xB, v51;
	s14 =	sadd.s32 s8, s22;
	s22 =	sadd.s32 s1, s24;
	[tilespmem:s18+$0x0] =	vst v59;
	v34 =	vld.idx.msk [tilespmem:v25+s5+$0x0], $0xffff;
	(pc) =	sbr.rel @p1 .LBB2_4-.Ltmp0, $4  }
0xc5: {  	v4 =	vmovc v9;
	v9 =	vmovc v12;
	v55 =	vadd.s32 $0xD, v51;
	v12 =	vadd.s32 $0xF, v51;
	v28 =	vadd.s32 $0x8, v51;
	s10 =	smov.u32 s11;
	s6 =	sadd.s32 s29, s6;
	s11 =	sadd.s32 s7, s22;
	[tilespmem:s13+$0x0] =	vst v58;
	v37 =	vld.idx.msk [tilespmem:v60+s5+$0x0], $0xffff  }
0xc6: {  	s15 =	sadd.s32 $0x20, s15;
	v18 =	vmovc v23;
	v23 =	vadd.s32 $0x9, v51;
	v21 =	vadd.s32 $0xC, v51;
	v24 =	vadd.s32 $0xE, v51;
	s30 =	smov.u32 s0;
	s24 =	sadd.s32 s0, s6;
	[tilespmem:s11+$0x0] =	vst v35;
	v32 =	vld.idx.msk [tilespmem:v15+s5+$0x0], $0xffff  }
0xc7: {  	v26 =	vmovc v41;
	v16 =	vmovc v19;
	v19 =	vmov v44;
	v38 =	vadd.s32 $0x3, v2;
	s0 =	smov.u32 s7;
	v7 =	vmov v10;
	s18 =	sadd.s32 s28, s6;
	s6 =	rddreg [dreg:$0x5];
	v35 =	vld.idx.msk [tilespmem:v61+s5+$0x0], $0xffff;
	[tilespmem:s24+$0x0] =	vst v39  }
0xc8: {  	v10 =	vmovc v14;
	v14 =	vmovc v55;
	s3 =	sadd.s32 s31, s22;
	s7 =	smov.u32 s16;
	v25 =	vmov v42;
	s13 =	rddreg [dreg:$0xa];
	v15 =	vmov v17;
	v17 =	vmov v46;
	v33 =	vld.idx.msk [tilespmem:v63+s5+$0x0], $0xffff;
	[tilespmem:s19+$0x0] =	vst v62  }
0xc9: {  	_ = 	snop  }
0xca: {  	s2 =	sadd.s32 s10, s6  }
0xcb: {  	s4 =	sadd.s32 s7, s2  }
0xcc: {  	[tilespmem:s4+$0x0] =	vst v37  }
0xcd: {  	[tilespmem:s14+$0x0] =	vst v36;
	v51 =	vld.idx.msk [tilespmem:v38+s5+$0x0], $0xffff  }
0xce: {  	v52 =	vadd.s32 $0x4, v2;
	v31 =	vld.idx.msk [tilespmem:v31+s5+$0x0], $0xffff  }
0xcf: {  	s4 =	rddreg [dreg:$0x6]  }
0xd0: {  	s4 =	sadd.s32 s10, s4  }
0xd1: {  	s12 =	sadd.s32 s7, s4  }
0xd2: {  	s2 =	sadd.s32 s8, s2;
	[tilespmem:s12+$0x0] =	vst v51  }
0xd3: {  	[tilespmem:s2+$0x0] =	vst v31;
	v53 =	vld.idx.msk [tilespmem:v52+s5+$0x0], $0xffff  }
0xd4: {  	v54 =	vadd.s32 $0x5, v2;
	v29 =	vld.idx.msk [tilespmem:v29+s5+$0x0], $0xffff  }
0xd5: {  	s2 =	rddreg [dreg:$0x7]  }
0xd6: {  	s2 =	sadd.s32 s10, s2  }
0xd7: {  	s14 =	sadd.s32 s7, s2  }
0xd8: {  	s4 =	sadd.s32 s8, s4;
	[tilespmem:s14+$0x0] =	vst v53  }
0xd9: {  	[tilespmem:s4+$0x0] =	vst v29;
	v55 =	vld.idx.msk [tilespmem:v54+s5+$0x0], $0xffff  }
0xda: {  	v56 =	vadd.s32 $0x6, v2;
	v27 =	vld.idx.msk [tilespmem:v27+s5+$0x0], $0xffff  }
0xdb: {  	s4 =	rddreg [dreg:$0x8]  }
0xdc: {  	s4 =	sadd.s32 s10, s4  }
0xdd: {  	s15 =	sadd.s32 s7, s4  }
0xde: {  	s2 =	sadd.s32 s8, s2;
	[tilespmem:s15+$0x0] =	vst v55  }
0xdf: {  	[tilespmem:s2+$0x0] =	vst v27;
	v57 =	vld.idx.msk [tilespmem:v56+s5+$0x0], $0xffff  }
0xe0: {  	v58 =	vadd.s32 $0x7, v2;
	v26 =	vld.idx.msk [tilespmem:v26+s5+$0x0], $0xffff  }
0xe1: {  	s2 =	rddreg [dreg:$0x9]  }
0xe2: {  	s2 =	sadd.s32 s10, s2  }
0xe3: {  	s16 =	sadd.s32 s7, s2  }
0xe4: {  	v59 =	vadd.s32 $0x8, v1;
	s4 =	sadd.s32 s8, s4;
	[tilespmem:s16+$0x0] =	vst v57  }
0xe5: {  	[tilespmem:s4+$0x0] =	vst v26;
	v60 =	vld.idx.msk [tilespmem:v58+s5+$0x0], $0xffff  }
0xe6: {  	s17 =	sadd.s32 s1, s13;
	v61 =	vadd.s32 $0x8, v2;
	v25 =	vld.idx.msk [tilespmem:v25+s5+$0x0], $0xffff  }
0xe7: {  	s22 =	sadd.s32 s0, s17;
	s19 =	rddreg [dreg:$0xa]  }
0xe8: {  	[tilespmem:s22+$0x0] =	vst v35;
	s6 =	sadd.s32 s10, s19  }
0xe9: {  	[tilespmem:s3+$0x0] =	vst v34;
	v62 =	vld.idx.msk [tilespmem:v59+s5+$0x0], $0xffff;
	s24 =	sadd.s32 s7, s6  }
0xea: {  	v63 =	vadd.s32 $0x9, v1;
	v22 =	vld.idx.msk [tilespmem:v22+s5+$0x0], $0xffff;
	s2 =	sadd.s32 s8, s2;
	[tilespmem:s24+$0x0] =	vst v60  }
0xeb: {  	s3 =	rddreg [dreg:$0xb];
	[tilespmem:s2+$0x0] =	vst v25;
	v26 =	vld.idx.msk [tilespmem:v61+s5+$0x0], $0xffff  }
0xec: {  	v34 =	vadd.s32 $0x9, v2;
	s3 =	sadd.s32 s1, s3;
	v25 =	vld.idx.msk [tilespmem:v30+s5+$0x0], $0xffff  }
0xed: {  	s13 =	sadd.s32 s0, s3;
	s12 =	rddreg [dreg:$0xb]  }
0xee: {  	s11 =	sadd.s32 s31, s17;
	[tilespmem:s13+$0x0] =	vst v62;
	s4 =	sadd.s32 s10, s12  }
0xef: {  	[tilespmem:s11+$0x0] =	vst v22;
	v35 =	vld.idx.msk [tilespmem:v63+s5+$0x0], $0xffff;
	s14 =	sadd.s32 s7, s4  }
0xf0: {  	v36 =	vadd.s32 $0xA, v1;
	v20 =	vld.idx.msk [tilespmem:v20+s5+$0x0], $0xffff;
	s6 =	sadd.s32 s8, s6;
	[tilespmem:s14+$0x0] =	vst v26  }
0xf1: {  	s2 =	rddreg [dreg:$0xc];
	[tilespmem:s6+$0x0] =	vst v25;
	v22 =	vld.idx.msk [tilespmem:v34+s5+$0x0], $0xffff  }
0xf2: {  	v37 =	vadd.s32 $0xA, v2;
	s2 =	sadd.s32 s1, s2;
	v25 =	vld.idx.msk [tilespmem:v28+s5+$0x0], $0xffff  }
0xf3: {  	s15 =	sadd.s32 s0, s2;
	s6 =	rddreg [dreg:$0xc]  }
0xf4: {  	s3 =	sadd.s32 s31, s3;
	[tilespmem:s15+$0x0] =	vst v35;
	s6 =	sadd.s32 s10, s6  }
0xf5: {  	[tilespmem:s3+$0x0] =	vst v20;
	v38 =	vld.idx.msk [tilespmem:v36+s5+$0x0], $0xffff;
	s16 =	sadd.s32 s7, s6  }
0xf6: {  	v39 =	vadd.s32 $0xB, v1;
	v18 =	vld.idx.msk [tilespmem:v18+s5+$0x0], $0xffff;
	s4 =	sadd.s32 s8, s4;
	[tilespmem:s16+$0x0] =	vst v22  }
0xf7: {  	s3 =	rddreg [dreg:$0xd];
	[tilespmem:s4+$0x0] =	vst v25;
	v20 =	vld.idx.msk [tilespmem:v37+s5+$0x0], $0xffff  }
0xf8: {  	v40 =	vadd.s32 $0xB, v2;
	s3 =	sadd.s32 s1, s3;
	v23 =	vld.idx.msk [tilespmem:v23+s5+$0x0], $0xffff  }
0xf9: {  	s17 =	sadd.s32 s0, s3;
	s4 =	rddreg [dreg:$0xd]  }
0xfa: {  	s2 =	sadd.s32 s31, s2;
	[tilespmem:s17+$0x0] =	vst v38;
	s4 =	sadd.s32 s10, s4  }
0xfb: {  	v44 =	vadd.s32 $0xD, v0;
	[tilespmem:s2+$0x0] =	vst v18;
	v41 =	vld.idx.msk [tilespmem:v39+s5+$0x0], $0xffff;
	s19 =	sadd.s32 s7, s4  }
0xfc: {  	v42 =	vadd.s32 $0xC, v1;
	s11 =	rddreg [dreg:$0xf];
	v16 =	vld.idx.msk [tilespmem:v16+s5+$0x0], $0xffff;
	s6 =	sadd.s32 s8, s6;
	[tilespmem:s19+$0x0] =	vst v20  }
0xfd: {  	s11 =	sadd.s32 s29, s11;
	s2 =	rddreg [dreg:$0xe];
	[tilespmem:s6+$0x0] =	vst v23;
	v18 =	vld.idx.msk [tilespmem:v40+s5+$0x0], $0xffff  }
0xfe: {  	v43 =	vadd.s32 $0xC, v2;
	[tilespmem:s18+$0x0] =	vst v32;
	s12 =	sadd.s32 s30, s11;
	s2 =	sadd.s32 s1, s2;
	v19 =	vld.idx.msk [tilespmem:v19+s5+$0x0], $0xffff  }
0xff: {  	[tilespmem:s12+$0x0] =	vst v33;
	s22 =	sadd.s32 s0, s2;
	s6 =	rddreg [dreg:$0xe]  }
0x100: {  	s3 =	sadd.s32 s31, s3;
	v46 =	vld.idx.msk [tilespmem:v44+s5+$0x0], $0xffff;
	[tilespmem:s22+$0x0] =	vst v41;
	s6 =	sadd.s32 s10, s6  }
0x101: {  	[tilespmem:s3+$0x0] =	vst v16;
	v22 =	vld.idx.msk [tilespmem:v42+s5+$0x0], $0xffff;
	s24 =	sadd.s32 s7, s6  }
0x102: {  	v45 =	vadd.s32 $0xD, v1;
	s12 =	rddreg [dreg:$0x10];
	v15 =	vld.idx.msk [tilespmem:v15+s5+$0x0], $0xffff;
	s4 =	sadd.s32 s8, s4;
	[tilespmem:s24+$0x0] =	vst v18  }
0x103: {  	s12 =	sadd.s32 s29, s12;
	s3 =	rddreg [dreg:$0xf];
	[tilespmem:s4+$0x0] =	vst v19;
	v16 =	vld.idx.msk [tilespmem:v43+s5+$0x0], $0xffff  }
0x104: {  	v47 =	vadd.s32 $0xD, v2;
	s15 =	sadd.s32 s30, s12;
	s3 =	sadd.s32 s1, s3;
	v17 =	vld.idx.msk [tilespmem:v17+s5+$0x0], $0xffff  }
0x105: {  	v5 =	vld.idx.msk [tilespmem:v5+s5+$0x0], $0xffff;
	[tilespmem:s15+$0x0] =	vst v46;
	s13 =	sadd.s32 s0, s3;
	s4 =	rddreg [dreg:$0xf]  }
0x106: {  	v48 =	vadd.s32 $0xE, v0;
	v11 =	vld.idx.msk [tilespmem:v11+s5+$0x0], $0xffff;
	s2 =	sadd.s32 s31, s2;
	[tilespmem:s13+$0x0] =	vst v22;
	s4 =	sadd.s32 s10, s4  }
0x107: {  	[tilespmem:s2+$0x0] =	vst v15;
	v49 =	vld.idx.msk [tilespmem:v45+s5+$0x0], $0xffff;
	s14 =	sadd.s32 s7, s4  }
0x108: {  	v50 =	vadd.s32 $0xE, v1;
	v13 =	vld.idx.msk [tilespmem:v13+s5+$0x0], $0xffff;
	s6 =	sadd.s32 s8, s6;
	[tilespmem:s14+$0x0] =	vst v16  }
0x109: {  	s2 =	rddreg [dreg:$0x10];
	[tilespmem:s6+$0x0] =	vst v17;
	v15 =	vld.idx.msk [tilespmem:v47+s5+$0x0], $0xffff  }
0x10a: {  	[tilespmem:s20+$0x0] =	vst v5;
	v52 =	vadd.s32 $0xE, v2;
	s11 =	sadd.s32 s28, s11;
	s13 =	rddreg [dreg:$0x11];
	s2 =	sadd.s32 s1, s2;
	v53 =	vld.idx.msk [tilespmem:v21+s5+$0x0], $0xffff  }
0x10b: {  	v51 =	vld.idx.msk [tilespmem:v48+s5+$0x0], $0xffff;
	[tilespmem:s11+$0x0] =	vst v11;
	s16 =	sadd.s32 s0, s2;
	s6 =	rddreg [dreg:$0x10]  }
0x10c: {  	s3 =	sadd.s32 s31, s3;
	v7 =	vld.idx.msk [tilespmem:v7+s5+$0x0], $0xffff;
	[tilespmem:s16+$0x0] =	vst v49;
	s6 =	sadd.s32 s10, s6  }
0x10d: {  	v54 =	vld.idx.msk [tilespmem:v50+s5+$0x0], $0xffff;
	s17 =	rddreg [dreg:$0x11];
	[tilespmem:s3+$0x0] =	vst v13;
	s18 =	sadd.s32 s7, s6  }
0x10e: {  	s13 =	sadd.s32 s29, s13;
	v10 =	vld.idx.msk [tilespmem:v10+s5+$0x0], $0xffff;
	s4 =	sadd.s32 s8, s4;
	[tilespmem:s18+$0x0] =	vst v15  }
0x10f: {  	s19 =	sadd.s32 s30, s13;
	v55 =	vld.idx.msk [tilespmem:v52+s5+$0x0], $0xffff;
	s22 =	rddreg [dreg:$0x11];
	[tilespmem:s4+$0x0] =	vst v53  }
0x110: {  	s12 =	sadd.s32 s28, s12;
	[tilespmem:s19+$0x0] =	vst v51;
	s3 =	sadd.s32 s1, s17;
	v56 =	vld.idx.msk [tilespmem:v14+s5+$0x0], $0xffff  }
0x111: {  	s24 =	sadd.s32 s0, s3;
	s14 =	rddreg [dreg:$0x12];
	[tilespmem:s12+$0x0] =	vst v7  }
0x112: {  	v57 =	vadd.s32 $0xF, v0;
	s2 =	sadd.s32 s31, s2;
	[tilespmem:s24+$0x0] =	vst v54;
	s11 =	sadd.s32 s10, s22  }
0x113: {  	v58 =	vadd.s32 $0xF, v1;
	v6 =	vld.idx.msk [tilespmem:v6+s5+$0x0], $0xffff;
	s15 =	rddreg [dreg:$0x12];
	[tilespmem:s2+$0x0] =	vst v10;
	s16 =	sadd.s32 s7, s11  }
0x114: {  	v59 =	vld.idx.msk [tilespmem:v8+s5+$0x0], $0xffff;
	s17 =	sadd.s32 s8, s6;
	[tilespmem:s16+$0x0] =	vst v55  }
0x115: {  	v3 =	vld.idx.msk [tilespmem:v3+s5+$0x0], $0xffff;
	s18 =	rddreg [dreg:$0x12];
	[tilespmem:s17+$0x0] =	vst v56  }
0x116: {  	v60 =	vadd.s32 $0xF, v2;
	v61 =	vld.idx.msk [tilespmem:v24+s5+$0x0], $0xffff  }
0x117: {  	s19 =	sadd.s32 s28, s13;
	v0 =	vld.idx.msk [tilespmem:v57+s5+$0x0], $0xffff  }
0x118: {  	s20 =	sadd.s32 s31, s3;
	v1 =	vld.idx.msk [tilespmem:v58+s5+$0x0], $0xffff;
	[tilespmem:s19+$0x0] =	vst v6  }
0x119: {  	v4 =	vld.idx.msk [tilespmem:v4+s5+$0x0], $0xffff;
	[tilespmem:s20+$0x0] =	vst v59  }
0x11a: {  	s26 =	sadd.s32 $0x1, s26;
	[tilespmem:s9+$0x0] =	vst v3;
	s22 =	sadd.s32 s29, s14;
	v62 =	vld.idx.msk [tilespmem:v9+s5+$0x0], $0xffff;
	s24 =	sadd.s32 s8, s11  }
0x11b: {  	s4 =	sadd.s32 s30, s22;
	s2 =	sadd.s32 s28, s22;
	s28 =	sadd.s32 s1, s15;
	v2 =	vld.idx.msk [tilespmem:v60+s5+$0x0], $0xffff;
	[tilespmem:s24+$0x0] =	vst v61  }
0x11c: {  	p1 =	sne.s32 s26, $0x8;
	[tilespmem:s4+$0x0] =	vst v0;
	s29 =	sadd.s32 s0, s28;
	v63 =	vld.idx.msk [tilespmem:v12+s5+$0x0], $0xffff  }
.Ltmp1:
0x11d: {  	[tilespmem:s29+$0x0] =	vst v1;
	(pc) =	sbr.rel @p1 .LBB2_3-.Ltmp1, $4  }
0x11e: {  	s1 =	sadd.s32 s31, s28;
	[tilespmem:s2+$0x0] =	vst v4;
	s30 =	sadd.s32 s10, s18  }
0x11f: {  	[tilespmem:s1+$0x0] =	vst v62;
	s31 =	sadd.s32 s7, s30  }
0x120: {  	s0 =	sadd.s32 s8, s30;
	[tilespmem:s31+$0x0] =	vst v2  }
0x121: {  	[tilespmem:s0+$0x0] =	vst v63  }
0x122: {  	s0 =	smul.u32 $0x1C0000, s23  }
0x123: {  	s1 =	sshll.u32 s21, $0xB;
	s30 =	sld [smem:$0x7FB]  }
0x124: {  	s23 =	sadd.s32 s0, s1  }
0x125: {  	s31 =	simm.s32 $0x800;
	s0 =	sshrl.u32 s23, $0x3  }
0x126: {  	s2 =	simm.s32 $0xE000;
	s3 =	simm.s32 $0x3100;
	s0 =	sadd.s32 s30, s0  }
0x127: {  	[hbm4b:s0+s31] =	stream.strided.scatter [tilespmem:s3], [sflag:$0x3], $0x8000, s2, s31, $0x38;
	[tilespmem:$0x13100] =	vst v63  }
0x128: {  	s0 =	simm.s32 @!p0 $0x4  }
0x129: {  	_ =	swait.ge @!p0 [sflag:s0], $0x8000  }
0x12a: {  	[sflag:s0] =	ssyncset.done @!p0 $0x0  }
0x12b: {  	s24 =	simm.s32 $0x0;
	s25 =	simm.s32 $0x0;
	[sflag:s0] =	ssyncadd.s32 @!p0 $0xFFFF8000  }
.LBB2_7:
0x12c: {  	s0 =	sshll.u32 s25, $0x7  }
0x12d: {  	s1 =	sadd.s32 $0xB900, s0  }
0x12e: {  	s22 =	sadd.s32 $0xC100, s0;
	[dreg:$0x13] =	wrdreg s1  }
0x12f: {  	s26 =	sadd.s32 $0xC900, s0;
	[dreg:$0x14] =	wrdreg s22  }
0x130: {  	s2 =	sadd.s32 $0xD100, s0;
	[dreg:$0x15] =	wrdreg s26  }
0x131: {  	s3 =	sadd.s32 $0xD900, s0;
	[dreg:$0x16] =	wrdreg s2  }
0x132: {  	s4 =	sadd.s32 $0xE100, s0;
	[dreg:$0x17] =	wrdreg s3  }
0x133: {  	s6 =	sadd.s32 $0xE900, s0;
	[dreg:$0x18] =	wrdreg s4  }
0x134: {  	s7 =	sadd.s32 $0xF100, s0;
	[dreg:$0x19] =	wrdreg s6  }
0x135: {  	s8 =	sadd.s32 $0xF900, s0;
	[dreg:$0x1a] =	wrdreg s7  }
0x136: {  	s9 =	sadd.s32 $0x10100, s0;
	[dreg:$0x1b] =	wrdreg s8  }
0x137: {  	s10 =	sadd.s32 $0x10900, s0;
	[dreg:$0x1c] =	wrdreg s9  }
0x138: {  	s20 =	sand.u32 $0x400, s24;
	s11 =	sadd.s32 $0x11100, s0;
	[dreg:$0x1d] =	wrdreg s10  }
0x139: {  	s12 =	sadd.s32 $0x11900, s0;
	s13 =	sadd.s32 $0x12100, s0;
	[dreg:$0x1e] =	wrdreg s11  }
0x13a: {  	s14 =	sadd.s32 $0x12900, s0;
	[dreg:$0x1f] =	wrdreg s12;
	s10 =	sand.u32 $0x60, s24  }
0x13b: {  	[smem:$0x7F5] =	sst s13;
	s2 =	sor.u32 s0, s20;
	s12 =	sor.u32 $0x10, s10  }
0x13c: {  	[smem:$0x7F6] =	sst s14;
	s15 =	sor.u32 s12, s2  }
0x13d: {  	v0 =	vld [tilespmem:s15+$0x2100];
	_ =	sdelay $0x1  }
0x13e: {  	s2 =	sor.u32 s10, s2  }
0x13f: {  	v1 =	vld [tilespmem:s2+$0x2100];
	_ =	sdelay $0x1  }
0x140: {  	v4 =	vmul.u32 $0x21, v0;
	_ =	sdelay $0x1  }
0x141: {  	v0 =	vadd.s32 $0x10, v4  }
0x142: {  	v3 =	vmul.u32 $0x21, v1;
	_ =	sdelay $0x1  }
0x143: {  	v1 =	vadd.s32 $0x10, v3;
	_ =	sdelay $0x1  }
0x144: {  	v0 =	vld.idx.msk [tilespmem:v0+s5+$0x0], $0xffff  }
0x145: {  	v2 =	vadd.s32 $0x11, v4;
	_ =	sdelay $0x1  }
0x146: {  	v1 =	vld.idx.msk [tilespmem:v1+s5+$0x0], $0xffff  }
0x147: {  	v5 =	vadd.s32 $0x11, v3  }
0x148: {  	[tilespmem:s15+$0xB100] =	vst v0  }
0x149: {  	v0 =	vld.idx.msk [tilespmem:v2+s5+$0x0], $0xffff  }
0x14a: {  	v2 =	vadd.s32 $0x12, v4  }
0x14b: {  	s1 =	rddreg [dreg:$0x13];
	[tilespmem:s2+$0xB100] =	vst v1  }
0x14c: {  	v1 =	vld.idx.msk [tilespmem:v5+s5+$0x0], $0xffff;
	s1 =	sadd.s32 s20, s1  }
0x14d: {  	v5 =	vadd.s32 $0x12, v3;
	s16 =	sadd.s32 s12, s1  }
0x14e: {  	[tilespmem:s16+$0x0] =	vst v0  }
0x14f: {  	v0 =	vld.idx.msk [tilespmem:v2+s5+$0x0], $0xffff  }
0x150: {  	s3 =	simm.s32 $0x100;
	s4 =	simm.s32 $0x20;
	s1 =	sadd.s32 s10, s1;
	v2 =	vadd.s32 $0x13, v4  }
0x151: {  	s26 =	sand.u32 $0x400, s3;
	s28 =	sand.u32 $0x60, s4;
	s2 =	rddreg [dreg:$0x14];
	[tilespmem:s1+$0x0] =	vst v1  }
0x152: {  	s17 =	sor.u32 s0, s26;
	s29 =	sor.u32 $0x10, s28;
	v1 =	vld.idx.msk [tilespmem:v5+s5+$0x0], $0xffff;
	s2 =	sadd.s32 s20, s2  }
0x153: {  	s18 =	sor.u32 s29, s17;
	v5 =	vadd.s32 $0x13, v3;
	s19 =	sadd.s32 s12, s2  }
0x154: {  	v6 =	vld [tilespmem:s18+$0x2100];
	[tilespmem:s19+$0x0] =	vst v0  }
0x155: {  	v2 =	vld.idx.msk [tilespmem:v2+s5+$0x0], $0xffff  }
0x156: {  	v7 =	vadd.s32 $0x14, v4;
	s1 =	sor.u32 s28, s17;
	s2 =	sadd.s32 s10, s2  }
0x157: {  	v8 =	vld [tilespmem:s1+$0x2100];
	s4 =	rddreg [dreg:$0x15];
	[tilespmem:s2+$0x0] =	vst v1  }
0x158: {  	v1 =	vld.idx.msk [tilespmem:v5+s5+$0x0], $0xffff;
	s21 =	sadd.s32 s20, s4  }
0x159: {  	v0 =	vmul.u32 $0x21, v6;
	v5 =	vadd.s32 $0x14, v3;
	s4 =	sadd.s32 s12, s21  }
0x15a: {  	[tilespmem:s4+$0x0] =	vst v2  }
0x15b: {  	v6 =	vadd.s32 $0x10, v0;
	v2 =	vld.idx.msk [tilespmem:v7+s5+$0x0], $0xffff  }
0x15c: {  	v8 =	vmul.u32 $0x21, v8;
	s2 =	sadd.s32 s10, s21;
	v7 =	vadd.s32 $0x15, v4  }
0x15d: {  	s4 =	rddreg [dreg:$0x16];
	[tilespmem:s2+$0x0] =	vst v1  }
0x15e: {  	v1 =	vadd.s32 $0x10, v8;
	v5 =	vld.idx.msk [tilespmem:v5+s5+$0x0], $0xffff;
	s22 =	sadd.s32 s20, s4  }
0x15f: {  	v9 =	vadd.s32 $0x15, v3;
	s4 =	sadd.s32 s12, s22  }
0x160: {  	v6 =	vld.idx.msk [tilespmem:v6+s5+$0x0], $0xffff;
	[tilespmem:s4+$0x0] =	vst v2  }
0x161: {  	v2 =	vld.idx.msk [tilespmem:v7+s5+$0x0], $0xffff;
	v7 =	vadd.s32 $0x11, v0  }
0x162: {  	s2 =	sadd.s32 s10, s22  }
0x163: {  	v10 =	vadd.s32 $0x16, v4;
	v1 =	vld.idx.msk [tilespmem:v1+s5+$0x0], $0xffff;
	s4 =	rddreg [dreg:$0x17];
	[tilespmem:s2+$0x0] =	vst v5  }
0x164: {  	v5 =	vadd.s32 $0x11, v8;
	v9 =	vld.idx.msk [tilespmem:v9+s5+$0x0], $0xffff  }
0x165: {  	v11 =	vadd.s32 $0x16, v3;
	[tilespmem:s18+$0xB100] =	vst v6;
	s6 =	sadd.s32 s20, s4  }
0x166: {  	s7 =	sadd.s32 s12, s6;
	v6 =	vld.idx.msk [tilespmem:v7+s5+$0x0], $0xffff  }
0x167: {  	[tilespmem:s7+$0x0] =	vst v2;
	v7 =	vadd.s32 $0x12, v0  }
0x168: {  	s8 =	rddreg [dreg:$0x13];
	s2 =	sadd.s32 s10, s6;
	[tilespmem:s1+$0xB100] =	vst v1;
	v2 =	vld.idx.msk [tilespmem:v10+s5+$0x0], $0xffff  }
0x169: {  	s11 =	sadd.s32 s26, s8;
	v1 =	vadd.s32 $0x17, v4;
	v5 =	vld.idx.msk [tilespmem:v5+s5+$0x0], $0xffff;
	s9 =	rddreg [dreg:$0x18];
	[tilespmem:s2+$0x0] =	vst v9  }
0x16a: {  	s13 =	sadd.s32 s29, s11;
	v9 =	vadd.s32 $0x12, v8;
	v10 =	vld.idx.msk [tilespmem:v11+s5+$0x0], $0xffff  }
0x16b: {  	s18 =	simm.s32 $0x200;
	s14 =	sadd.s32 s20, s9;
	v11 =	vadd.s32 $0x17, v3;
	[tilespmem:s13+$0x0] =	vst v6  }
0x16c: {  	s30 =	sand.u32 $0x400, s18;
	s15 =	sadd.s32 s12, s14;
	v6 =	vld.idx.msk [tilespmem:v7+s5+$0x0], $0xffff  }
0x16d: {  	s6 =	sadd.s32 s28, s11;
	s7 =	simm.s32 $0x40;
	s16 =	rddreg [dreg:$0x19];
	[tilespmem:s15+$0x0] =	vst v2;
	v2 =	vadd.s32 $0x13, v0  }
0x16e: {  	s1 =	sand.u32 $0x60, s7;
	s3 =	sadd.s32 s10, s14;
	s17 =	rddreg [dreg:$0x14];
	[tilespmem:s6+$0x0] =	vst v5;
	v1 =	vld.idx.msk [tilespmem:v1+s5+$0x0], $0xffff  }
0x16f: {  	s19 =	sor.u32 s0, s30;
	s31 =	sor.u32 $0x10, s1;
	v5 =	vadd.s32 $0x18, v4;
	v7 =	vld.idx.msk [tilespmem:v9+s5+$0x0], $0xffff;
	s21 =	sadd.s32 s26, s17;
	[tilespmem:s3+$0x0] =	vst v10  }
0x170: {  	s3 =	sor.u32 s31, s19;
	s2 =	sadd.s32 s29, s21;
	v10 =	vld.idx.msk [tilespmem:v11+s5+$0x0], $0xffff  }
0x171: {  	s4 =	sadd.s32 s20, s16;
	v9 =	vadd.s32 $0x13, v8;
	v12 =	vld [tilespmem:s3+$0x2100];
	[tilespmem:s2+$0x0] =	vst v6  }
0x172: {  	s22 =	sadd.s32 s12, s4;
	v11 =	vadd.s32 $0x18, v3;
	s2 =	sor.u32 s1, s19;
	v2 =	vld.idx.msk [tilespmem:v2+s5+$0x0], $0xffff  }
0x173: {  	[tilespmem:s22+$0x0] =	vst v1;
	v13 =	vld [tilespmem:s2+$0x2100]  }
0x174: {  	s7 =	sadd.s32 s28, s21;
	v6 =	vadd.s32 $0x14, v0;
	v5 =	vld.idx.msk [tilespmem:v5+s5+$0x0], $0xffff  }
0x175: {  	s4 =	sadd.s32 s10, s4;
	s8 =	rddreg [dreg:$0x15];
	[tilespmem:s7+$0x0] =	vst v7;
	v7 =	vadd.s32 $0x19, v4  }
0x176: {  	s9 =	rddreg [dreg:$0x1a];
	v14 =	vld.idx.msk [tilespmem:v9+s5+$0x0], $0xffff;
	s11 =	sadd.s32 s26, s8;
	[tilespmem:s4+$0x0] =	vst v10  }
0x177: {  	v10 =	vadd.s32 $0x14, v8;
	v1 =	vmul.u32 $0x21, v12;
	s13 =	sadd.s32 s29, s11;
	v11 =	vld.idx.msk [tilespmem:v11+s5+$0x0], $0xffff;
	s7 =	sadd.s32 s20, s9  }
0x178: {  	v12 =	vadd.s32 $0x19, v3;
	s14 =	sadd.s32 s12, s7;
	[tilespmem:s13+$0x0] =	vst v2  }
0x179: {  	v9 =	vmul.u32 $0x21, v13;
	v2 =	vld.idx.msk [tilespmem:v6+s5+$0x0], $0xffff;
	[tilespmem:s14+$0x0] =	vst v5;
	v5 =	vadd.s32 $0x10, v1  }
0x17a: {  	s6 =	sadd.s32 s28, s11;
	v6 =	vld.idx.msk [tilespmem:v7+s5+$0x0], $0xffff;
	v7 =	vadd.s32 $0x15, v0  }
0x17b: {  	s7 =	sadd.s32 s10, s7;
	s15 =	rddreg [dreg:$0x16];
	[tilespmem:s6+$0x0] =	vst v14;
	v14 =	vadd.s32 $0x10, v9  }
0x17c: {  	v13 =	vadd.s32 $0x1A, v4;
	s16 =	rddreg [dreg:$0x1b];
	v10 =	vld.idx.msk [tilespmem:v10+s5+$0x0], $0xffff;
	s4 =	sadd.s32 s26, s15;
	[tilespmem:s7+$0x0] =	vst v11  }
0x17d: {  	s17 =	sadd.s32 s29, s4;
	v12 =	vld.idx.msk [tilespmem:v12+s5+$0x0], $0xffff  }
0x17e: {  	v11 =	vadd.s32 $0x15, v8;
	s18 =	sadd.s32 s20, s16;
	v5 =	vld.idx.msk [tilespmem:v5+s5+$0x0], $0xffff;
	[tilespmem:s17+$0x0] =	vst v2  }
0x17f: {  	v15 =	vadd.s32 $0x1A, v3;
	s19 =	sadd.s32 s12, s18;
	v2 =	vld.idx.msk [tilespmem:v7+s5+$0x0], $0xffff  }
0x180: {  	[tilespmem:s19+$0x0] =	vst v6;
	v6 =	vadd.s32 $0x11, v1;
	v14 =	vld.idx.msk [tilespmem:v14+s5+$0x0], $0xffff  }
0x181: {  	s4 =	sadd.s32 s28, s4;
	v7 =	vld.idx.msk [tilespmem:v13+s5+$0x0], $0xffff;
	v13 =	vadd.s32 $0x16, v0  }
0x182: {  	v16 =	vadd.s32 $0x11, v9;
	s7 =	sadd.s32 s10, s18;
	s21 =	rddreg [dreg:$0x17];
	[tilespmem:s4+$0x0] =	vst v10  }
0x183: {  	v10 =	vadd.s32 $0x1B, v4;
	s22 =	rddreg [dreg:$0x1c];
	v11 =	vld.idx.msk [tilespmem:v11+s5+$0x0], $0xffff;
	s9 =	sadd.s32 s26, s21;
	[tilespmem:s7+$0x0] =	vst v12  }
0x184: {  	s11 =	sadd.s32 s29, s9;
	[tilespmem:s3+$0xB100] =	vst v5;
	v5 =	vld.idx.msk [tilespmem:v15+s5+$0x0], $0xffff  }
0x185: {  	v12 =	vadd.s32 $0x16, v8;
	s13 =	sadd.s32 s20, s22;
	v6 =	vld.idx.msk [tilespmem:v6+s5+$0x0], $0xffff;
	[tilespmem:s11+$0x0] =	vst v2  }
0x186: {  	s14 =	sadd.s32 s12, s13;
	v15 =	vadd.s32 $0x1B, v3;
	s15 =	rddreg [dreg:$0x13];
	[tilespmem:s2+$0xB100] =	vst v14;
	v2 =	vld.idx.msk [tilespmem:v13+s5+$0x0], $0xffff  }
0x187: {  	s4 =	sadd.s32 s28, s9;
	[tilespmem:s14+$0x0] =	vst v7;
	v7 =	vadd.s32 $0x12, v1;
	v14 =	vld.idx.msk [tilespmem:v16+s5+$0x0], $0xffff  }
0x188: {  	s6 =	sadd.s32 s10, s13;
	s16 =	rddreg [dreg:$0x18];
	v13 =	vadd.s32 $0x17, v0;
	s7 =	sadd.s32 s30, s15;
	[tilespmem:s4+$0x0] =	vst v11;
	v10 =	vld.idx.msk [tilespmem:v10+s5+$0x0], $0xffff  }
0x189: {  	v16 =	vadd.s32 $0x12, v9;
	s17 =	rddreg [dreg:$0x1d];
	s18 =	sadd.s32 s31, s7;
	s3 =	sadd.s32 s26, s16;
	[tilespmem:s6+$0x0] =	vst v5  }
0x18a: {  	s9 =	simm.s32 $0x60;
	v11 =	vadd.s32 $0x1C, v4;
	v12 =	vld.idx.msk [tilespmem:v12+s5+$0x0], $0xffff;
	s19 =	sadd.s32 s29, s3;
	[tilespmem:s18+$0x0] =	vst v6  }
0x18b: {  	s22 =	rddreg [dreg:$0x19];
	s7 =	sadd.s32 s1, s7;
	s21 =	sadd.s32 s20, s17;
	v5 =	vadd.s32 $0x17, v8;
	v6 =	vld.idx.msk [tilespmem:v15+s5+$0x0], $0xffff;
	[tilespmem:s19+$0x0] =	vst v2  }
0x18c: {  	s15 =	simm.s32 $0x300;
	s14 =	sadd.s32 s12, s21;
	v7 =	vld.idx.msk [tilespmem:v7+s5+$0x0], $0xffff;
	s11 =	rddreg [dreg:$0x14];
	[tilespmem:s7+$0x0] =	vst v14  }
0x18d: {  	s8 =	sand.u32 $0x60, s9;
	s4 =	sand.u32 $0x400, s15;
	v2 =	vld.idx.msk [tilespmem:v13+s5+$0x0], $0xffff;
	[tilespmem:s14+$0x0] =	vst v10;
	v10 =	vadd.s32 $0x13, v1  }
0x18e: {  	s3 =	sadd.s32 s28, s3;
	s15 =	sadd.s32 s26, s22;
	s6 =	sadd.s32 s10, s21;
	v13 =	vadd.s32 $0x18, v0;
	v14 =	vld.idx.msk [tilespmem:v16+s5+$0x0], $0xffff  }
0x18f: {  	v15 =	vadd.s32 $0x13, v9;
	s7 =	sor.u32 $0x10, s8;
	s14 =	sor.u32 s0, s4;
	s11 =	sadd.s32 s30, s11;
	[tilespmem:s3+$0x0] =	vst v12;
	v11 =	vld.idx.msk [tilespmem:v11+s5+$0x0], $0xffff  }
0x190: {  	v12 =	vadd.s32 $0x1D, v4;
	s13 =	rddreg [dreg:$0x1e];
	s2 =	sor.u32 s7, s14;
	s16 =	sadd.s32 s31, s11;
	v5 =	vld.idx.msk [tilespmem:v5+s5+$0x0], $0xffff;
	[tilespmem:s6+$0x0] =	vst v6  }
0x191: {  	s17 =	sadd.s32 s29, s15;
	v16 =	vld [tilespmem:s2+$0x2100];
	[tilespmem:s16+$0x0] =	vst v7  }
0x192: {  	s19 =	sadd.s32 s1, s11;
	s13 =	sadd.s32 s20, s13;
	v7 =	vadd.s32 $0x18, v8;
	v10 =	vld.idx.msk [tilespmem:v10+s5+$0x0], $0xffff;
	[tilespmem:s17+$0x0] =	vst v2  }
0x193: {  	v17 =	vadd.s32 $0x1C, v3;
	s18 =	sadd.s32 s12, s13;
	s16 =	rddreg [dreg:$0x15];
	[tilespmem:s19+$0x0] =	vst v14;
	v13 =	vld.idx.msk [tilespmem:v13+s5+$0x0], $0xffff  }
0x194: {  	v6 =	vadd.s32 $0x14, v1;
	[tilespmem:s18+$0x0] =	vst v11;
	v15 =	vld.idx.msk [tilespmem:v15+s5+$0x0], $0xffff  }
0x195: {  	s22 =	sadd.s32 s28, s15;
	s3 =	sor.u32 s8, s14;
	v14 =	vadd.s32 $0x19, v0;
	v11 =	vld.idx.msk [tilespmem:v12+s5+$0x0], $0xffff  }
0x196: {  	v18 =	vadd.s32 $0x14, v9;
	s21 =	rddreg [dreg:$0x1a];
	s17 =	sadd.s32 s30, s16;
	v12 =	vld [tilespmem:s3+$0x2100];
	[tilespmem:s22+$0x0] =	vst v5  }
0x197: {  	v5 =	vadd.s32 $0x1E, v4;
	s18 =	sadd.s32 s31, s17;
	s19 =	sadd.s32 s26, s21;
	v2 =	vmul.u32 $0x21, v16;
	v7 =	vld.idx.msk [tilespmem:v7+s5+$0x0], $0xffff  }
0x198: {  	s15 =	rddreg [dreg:$0x1f];
	v16 =	vadd.s32 $0x19, v8;
	s21 =	sadd.s32 s29, s19;
	[tilespmem:s18+$0x0] =	vst v10;
	v10 =	vld.idx.msk [tilespmem:v17+s5+$0x0], $0xffff  }
0x199: {  	s11 =	sadd.s32 s20, s15;
	s15 =	sadd.s32 s1, s17;
	v6 =	vld.idx.msk [tilespmem:v6+s5+$0x0], $0xffff;
	[tilespmem:s21+$0x0] =	vst v13;
	v13 =	vadd.s32 $0x10, v2  }
0x19a: {  	v24 =	vadd.s32 $0x1D, v3;
	s6 =	sadd.s32 s12, s11;
	s22 =	rddreg [dreg:$0x16];
	[tilespmem:s15+$0x0] =	vst v15;
	v14 =	vld.idx.msk [tilespmem:v14+s5+$0x0], $0xffff  }
0x19b: {  	s16 =	sadd.s32 s28, s19;
	[tilespmem:s6+$0x0] =	vst v11;
	v11 =	vadd.s32 $0x15, v1;
	v17 =	vld.idx.msk [tilespmem:v18+s5+$0x0], $0xffff  }
0x19c: {  	v15 =	vadd.s32 $0x1A, v0;
	s17 =	rddreg [dreg:$0x1b];
	v5 =	vld.idx.msk [tilespmem:v5+s5+$0x0], $0xffff;
	[tilespmem:s16+$0x0] =	vst v7  }
0x19d: {  	s13 =	sadd.s32 s10, s13;
	v12 =	vmul.u32 $0x21, v12;
	s14 =	sadd.s32 s30, s22;
	v18 =	vadd.s32 $0x15, v9;
	s18 =	sld [smem:$0x7F5];
	v16 =	vld.idx.msk [tilespmem:v16+s5+$0x0], $0xffff  }
0x19e: {  	v4 =	vadd.s32 $0x1F, v4;
	s19 =	sadd.s32 s31, s14;
	s6 =	sadd.s32 s26, s17;
	[tilespmem:s13+$0x0] =	vst v10;
	v13 =	vld.idx.msk [tilespmem:v13+s5+$0x0], $0xffff  }
0x19f: {  	v7 =	vadd.s32 $0x10, v12;
	s21 =	sadd.s32 s29, s6;
	[tilespmem:s19+$0x0] =	vst v6;
	v29 =	vld.idx.msk [tilespmem:v24+s5+$0x0], $0xffff  }
0x1a0: {  	v19 =	vadd.s32 $0x1A, v8;
	s14 =	sadd.s32 s1, s14;
	s15 =	sadd.s32 s20, s18;
	v21 =	vld.idx.msk [tilespmem:v11+s5+$0x0], $0xffff;
	[tilespmem:s21+$0x0] =	vst v14  }
0x1a1: {  	v33 =	vadd.s32 $0x1B, v8;
	s22 =	sadd.s32 s12, s15;
	v14 =	vadd.s32 $0x11, v2;
	s17 =	rddreg [dreg:$0x17];
	[tilespmem:s14+$0x0] =	vst v17;
	v23 =	vld.idx.msk [tilespmem:v15+s5+$0x0], $0xffff  }
0x1a2: {  	v40 =	vadd.s32 $0x17, v1;
	v34 =	vadd.s32 $0x16, v9;
	s6 =	sadd.s32 s28, s6;
	v10 =	vadd.s32 $0x16, v1;
	[tilespmem:s22+$0x0] =	vst v5;
	s18 =	rddreg [dreg:$0x1c];
	v28 =	vld.idx.msk [tilespmem:v18+s5+$0x0], $0xffff  }
0x1a3: {  	v22 =	vadd.s32 $0x17, v9;
	v20 =	vadd.s32 $0x18, v9;
	v17 =	vadd.s32 $0x1B, v0;
	s21 =	sadd.s32 s30, s17;
	v25 =	vld.idx.msk [tilespmem:v4+s5+$0x0], $0xffff;
	s19 =	sld [smem:$0x7F6];
	[tilespmem:s6+$0x0] =	vst v16  }
0x1a4: {  	v38 =	vadd.s32 $0x12, v2;
	v31 =	vadd.s32 $0x11, v12;
	v32 =	vadd.s32 $0x12, v12;
	v26 =	vld.idx.msk [tilespmem:v7+s5+$0x0], $0xffff;
	s22 =	sadd.s32 s31, s21;
	s6 =	sadd.s32 s26, s18;
	[tilespmem:s2+$0xB100] =	vst v13  }
0x1a5: {  	v30 =	vadd.s32 $0x13, v12;
	v27 =	vadd.s32 $0x14, v12;
	v6 =	vadd.s32 $0x1E, v8;
	v19 =	vld.idx.msk [tilespmem:v19+s5+$0x0], $0xffff;
	s13 =	sadd.s32 s29, s6;
	[tilespmem:s22+$0x0] =	vst v21  }
0x1a6: {  	v24 =	vadd.s32 $0x1E, v12;
	v11 =	vadd.s32 $0x1C, v8;
	v5 =	vadd.s32 $0x1E, v3;
	s21 =	sadd.s32 s1, s21;
	v14 =	vld.idx.msk [tilespmem:v14+s5+$0x0], $0xffff;
	s17 =	sadd.s32 s20, s19;
	[tilespmem:s13+$0x0] =	vst v23  }
0x1a7: {  	v3 =	vadd.s32 $0x1F, v3;
	v18 =	vadd.s32 $0x19, v9;
	v15 =	vadd.s32 $0x1B, v9;
	s2 =	simm.s32 $0x6;
	v36 =	vld.idx.msk [tilespmem:v10+s5+$0x0], $0xffff;
	s12 =	sadd.s32 s12, s17;
	s19 =	rddreg [dreg:$0x18];
	[tilespmem:s21+$0x0] =	vst v28  }
0x1a8: {  	v7 =	vadd.s32 $0x1D, v8;
	v4 =	vadd.s32 $0x1F, v8;
	v8 =	vadd.s32 $0x1E, v9;
	s6 =	sadd.s32 s28, s6;
	s18 =	rddreg [dreg:$0x13];
	s20 =	sadd.s32 s10, s15;
	v39 =	vld.idx.msk [tilespmem:v17+s5+$0x0], $0xffff;
	[tilespmem:s12+$0x0] =	vst v25  }
0x1a9: {  	v16 =	vadd.s32 $0x1A, v9;
	v13 =	vadd.s32 $0x1C, v9;
	v21 =	vadd.s32 $0x1C, v12;
	s14 =	sadd.s32 s4, s18;
	s12 =	sadd.s32 s10, s11;
	[tilespmem:s3+$0xB100] =	vst v26;
	s22 =	rddreg [dreg:$0x1d];
	v35 =	vld.idx.msk [tilespmem:v34+s5+$0x0], $0xffff  }
0x1aa: {  	v10 =	vadd.s32 $0x1D, v9;
	v9 =	vadd.s32 $0x1F, v9;
	v28 =	vadd.s32 $0x18, v12;
	s10 =	sadd.s32 s10, s17;
	s16 =	sadd.s32 s7, s14;
	s17 =	sadd.s32 s30, s19;
	v37 =	vld.idx.msk [tilespmem:v31+s5+$0x0], $0xffff;
	[tilespmem:s6+$0x0] =	vst v19  }
0x1ab: {  	s15 =	simm.s32 $0x400;
	v23 =	vadd.s32 $0x19, v12;
	v26 =	vadd.s32 $0x15, v12;
	v25 =	vadd.s32 $0x16, v12;
	s18 =	sadd.s32 s31, s17;
	s21 =	sadd.s32 s26, s22;
	[tilespmem:s16+$0x0] =	vst v14;
	v33 =	vld.idx.msk [tilespmem:v33+s5+$0x0], $0xffff  }
0x1ac: {  	s19 =	rddreg [dreg:$0x19];
	v17 =	vadd.s32 $0x1B, v12;
	s13 =	sadd.s32 s8, s14;
	v34 =	vadd.s32 $0x1C, v0;
	v31 =	vadd.s32 $0x17, v12;
	s22 =	sadd.s32 s29, s21;
	v38 =	vld.idx.msk [tilespmem:v38+s5+$0x0], $0xffff;
	[tilespmem:s18+$0x0] =	vst v36  }
0x1ad: {  	s3 =	sadd.s32 s1, s17;
	v19 =	vadd.s32 $0x1A, v12;
	v14 =	vadd.s32 $0x1D, v12;
	v12 =	vadd.s32 $0x1F, v12;
	s18 =	sadd.s32 s28, s21;
	s6 =	rddreg [dreg:$0x14];
	v36 =	vld.idx.msk [tilespmem:v40+s5+$0x0], $0xffff;
	[tilespmem:s22+$0x0] =	vst v39  }
.LBB2_8:
0x1ae: {  	_ =	sdelay $0x1  }
0x1af: {  	[tilespmem:s12+$0x0] =	vst v29  }
0x1b0: {  	v39 =	vadd.s32 $0x13, v2;
	s9 =	sadd.s32 $0x20, s9;
	v34 =	vld.idx.msk [tilespmem:v34+s5+$0x0], $0xffff;
	[tilespmem:s13+$0x0] =	vst v37  }
0x1b1: {  	s11 =	sand.u32 $0x400, s15;
	s6 =	sadd.s32 s4, s6;
	s16 =	sand.u32 $0x60, s9;
	v29 =	vadd.s32 $0x18, v1;
	v37 =	vld.idx.msk [tilespmem:v5+s5+$0x0], $0xffff  }
0x1b2: {  	v47 =	vadd.s32 $0x1D, v0;
	s22 =	sadd.s32 s7, s6;
	s12 =	sor.u32 s0, s11;
	s14 =	sor.u32 $0x10, s16;
	v5 =	vmovc v6;
	v6 =	vmov v8;
	v8 =	vmov v24;
	v24 =	vld.idx.msk [tilespmem:v32+s5+$0x0], $0xffff;
	[tilespmem:s3+$0x0] =	vst v35  }
0x1b3: {  	s13 =	rddreg [dreg:$0x1e];
	s3 =	sadd.s32 s30, s19;
	s19 =	sor.u32 s14, s12;
	v35 =	vld.idx.msk [tilespmem:v22+s5+$0x0], $0xffff;
	[tilespmem:s18+$0x0] =	vst v33  }
0x1b4: {  	s17 =	smov.u32 s29;
	s13 =	sadd.s32 s26, s13;
	v22 =	vmov v31;
	v31 =	vld [tilespmem:s19+$0x2100];
	[tilespmem:s22+$0x0] =	vst v38;
	s21 =	sadd.s32 s31, s3  }
0x1b5: {  	s18 =	sor.u32 s16, s12;
	s12 =	sadd.s32 s17, s13;
	v48 =	vld.idx.msk [tilespmem:v39+s5+$0x0], $0xffff;
	[tilespmem:s21+$0x0] =	vst v36  }
0x1b6: {  	v29 =	vld.idx.msk [tilespmem:v29+s5+$0x0], $0xffff;
	[tilespmem:s12+$0x0] =	vst v34  }
0x1b7: {  	v49 =	vadd.s32 $0x14, v2;
	s29 =	smov.u32 s31;
	s6 =	sadd.s32 s8, s6;
	v32 =	vld.idx.msk [tilespmem:v47+s5+$0x0], $0xffff;
	[tilespmem:s20+$0x0] =	vst v37  }
0x1b8: {  	s22 =	rddreg [dreg:$0x15];
	s31 =	smov.u32 s7;
	s21 =	sadd.s32 s1, s3;
	v50 =	vld [tilespmem:s18+$0x2100];
	[tilespmem:s6+$0x0] =	vst v24;
	v24 =	vadd.s32 $0x19, v1  }
0x1b9: {  	v51 =	vadd.s32 $0x1E, v0;
	s3 =	sadd.s32 s28, s13;
	s12 =	rddreg [dreg:$0x1a];
	s20 =	sadd.s32 s4, s22;
	v30 =	vld.idx.msk [tilespmem:v30+s5+$0x0], $0xffff;
	[tilespmem:s21+$0x0] =	vst v35  }
0x1ba: {  	s12 =	sadd.s32 s30, s12;
	s6 =	rddreg [dreg:$0x1f];
	s13 =	sadd.s32 s31, s20;
	v37 =	vld.idx.msk [tilespmem:v20+s5+$0x0], $0xffff  }
0x1bb: {  	[tilespmem:s13+$0x0] =	vst v48;
	s13 =	sadd.s32 s1, s12;
	s12 =	sadd.s32 s29, s12;
	s6 =	sadd.s32 s26, s6;
	v20 =	vmov v28;
	v28 =	vmul.u32 $0x21, v31;
	v31 =	vld.idx.msk [tilespmem:v11+s5+$0x0], $0xffff  }
0x1bc: {  	v11 =	vmov v13;
	v13 =	vmov v21;
	v21 =	vld.idx.msk [tilespmem:v49+s5+$0x0], $0xffff;
	[tilespmem:s12+$0x0] =	vst v29;
	s12 =	sadd.s32 s28, s6;
	s6 =	sadd.s32 s17, s6  }
0x1bd: {  	s22 =	sadd.s32 s8, s20;
	v52 =	vadd.s32 $0x10, v28;
	v24 =	vld.idx.msk [tilespmem:v24+s5+$0x0], $0xffff;
	[tilespmem:s6+$0x0] =	vst v32  }
0x1be: {  	v53 =	vadd.s32 $0x15, v2;
	s20 =	rddreg [dreg:$0x16];
	v29 =	vmul.u32 $0x21, v50;
	v35 =	vld.idx.msk [tilespmem:v51+s5+$0x0], $0xffff;
	[tilespmem:s22+$0x0] =	vst v30  }
0x1bf: {  	v55 =	vadd.s32 $0x1A, v1;
	v56 =	vadd.s32 $0x1F, v0;
	v0 =	vmovc v1;
	v1 =	vmovc v2;
	v2 =	vmov v28;
	s22 =	sld [smem:$0x7F5];
	v40 =	vld.idx.msk [tilespmem:v3+s5+$0x0], $0xffff  }
0x1c0: {  	s7 =	smov.u32 s14;
	s21 =	rddreg [dreg:$0x1b];
	s20 =	sadd.s32 s4, s20;
	v48 =	vadd.s32 $0x11, v2;
	v36 =	vadd.s32 $0x10, v29;
	v54 =	vadd.s32 $0x11, v29;
	v41 =	vld.idx.msk [tilespmem:v27+s5+$0x0], $0xffff;
	[tilespmem:s13+$0x0] =	vst v37  }
0x1c1: {  	s6 =	sadd.s32 s30, s21;
	v32 =	vadd.s32 $0x12, v29;
	v30 =	vadd.s32 $0x13, v29;
	v27 =	vadd.s32 $0x14, v29;
	s13 =	sadd.s32 s8, s20;
	s20 =	sadd.s32 s31, s20;
	v44 =	vld.idx.msk [tilespmem:v18+s5+$0x0], $0xffff;
	[tilespmem:s3+$0x0] =	vst v31  }
0x1c2: {  	v42 =	vadd.s32 $0x15, v29;
	v43 =	vadd.s32 $0x16, v29;
	v28 =	vadd.s32 $0x18, v29;
	s3 =	sadd.s32 s1, s6;
	s6 =	sadd.s32 s29, s6;
	v33 =	vld.idx.msk [tilespmem:v52+s5+$0x0], $0xffff;
	[tilespmem:s20+$0x0] =	vst v21;
	s14 =	sadd.s32 s26, s22  }
0x1c3: {  	v3 =	vmovc v4;
	v4 =	vmovc v9;
	v45 =	vadd.s32 $0x1A, v29;
	v46 =	vadd.s32 $0x1B, v29;
	v47 =	vadd.s32 $0x1D, v29;
	v34 =	vld.idx.msk [tilespmem:v53+s5+$0x0], $0xffff;
	[tilespmem:s6+$0x0] =	vst v24;
	s21 =	sadd.s32 s17, s14  }
0x1c4: {  	v9 =	vmovc v12;
	v12 =	vadd.s32 $0x1F, v29;
	v18 =	vmovc v23;
	v31 =	vadd.s32 $0x17, v29;
	v23 =	vadd.s32 $0x19, v29;
	v39 =	vld.idx.msk [tilespmem:v55+s5+$0x0], $0xffff;
	[tilespmem:s21+$0x0] =	vst v35  }
0x1c5: {  	v21 =	vadd.s32 $0x1C, v29;
	s22 =	rddreg [dreg:$0x17];
	v24 =	vadd.s32 $0x1E, v29;
	v29 =	vadd.s32 $0x16, v1;
	v35 =	vld.idx.msk [tilespmem:v56+s5+$0x0], $0xffff;
	[tilespmem:s10+$0x0] =	vst v40  }
0x1c6: {  	s2 =	sadd.s32 $0x2, s2;
	s15 =	sadd.s32 $0x100, s15;
	v57 =	vadd.s32 $0x1B, v0;
	s6 =	rddreg [dreg:$0x1c];
	v36 =	vld.idx.msk [tilespmem:v36+s5+$0x0], $0xffff;
	[tilespmem:s13+$0x0] =	vst v41  }
0x1c7: {  	p0 =	slt.u32 s2, $0xC;
	s22 =	sadd.s32 s4, s22;
	s21 =	sld [smem:$0x7F6];
	v40 =	vld.idx.msk [tilespmem:v26+s5+$0x0], $0xffff;
	[tilespmem:s3+$0x0] =	vst v44  }
0x1c8: {  	s20 =	sadd.s32 s28, s14;
	s6 =	sadd.s32 s30, s6;
	s13 =	sadd.s32 s31, s22;
	[tilespmem:s19+$0xB100] =	vst v33;
	v58 =	vld.idx.msk [tilespmem:v16+s5+$0x0], $0xffff  }
0x1c9: {  	s14 =	sadd.s32 s1, s6;
	s6 =	sadd.s32 s29, s6;
	s19 =	rddreg [dreg:$0x13];
	v59 =	vld.idx.msk [tilespmem:v48+s5+$0x0], $0xffff;
	[tilespmem:s13+$0x0] =	vst v34  }
0x1ca: {  	s3 =	sadd.s32 s8, s22;
	s26 =	sadd.s32 s26, s21;
	s22 =	rddreg [dreg:$0x18];
	v60 =	vld.idx.msk [tilespmem:v29+s5+$0x0], $0xffff;
	[tilespmem:s6+$0x0] =	vst v39  }
0x1cb: {  	v61 =	vadd.s32 $0x12, v2;
	s10 =	sadd.s32 s28, s26;
	s21 =	sadd.s32 s17, s26;
	s26 =	smov.u32 s30;
	v62 =	vld.idx.msk [tilespmem:v57+s5+$0x0], $0xffff;
	[tilespmem:s18+$0xB100] =	vst v36  }
0x1cc: {  	v63 =	vadd.s32 $0x17, v1;
	s30 =	smov.u32 s4;
	s4 =	smov.u32 s11;
	s28 =	smov.u32 s1;
	[tilespmem:s21+$0x0] =	vst v35;
	v29 =	vld.idx.msk [tilespmem:v7+s5+$0x0], $0xffff  }
.Ltmp2:
0x1cd: {  	s1 =	smov.u32 s8;
	s11 =	sadd.s32 s4, s19;
	v37 =	vld.idx.msk [tilespmem:v54+s5+$0x0], $0xffff;
	[tilespmem:s3+$0x0] =	vst v40;
	(pc) =	sbr.rel @p0 .LBB2_8-.Ltmp2, $4  }
0x1ce: {  	s19 =	sadd.s32 s7, s11;
	s21 =	sadd.s32 s30, s22;
	s18 =	rddreg [dreg:$0x1d];
	v35 =	vld.idx.msk [tilespmem:v25+s5+$0x0], $0xffff;
	[tilespmem:s14+$0x0] =	vst v58  }
0x1cf: {  	s13 =	sadd.s32 s16, s11;
	s8 =	sadd.s32 s31, s21;
	s6 =	sadd.s32 s26, s18;
	[tilespmem:s19+$0x0] =	vst v59;
	v33 =	vld.idx.msk [tilespmem:v15+s5+$0x0], $0xffff  }
0x1d0: {  	v26 =	vmovc v42;
	v16 =	vmovc v19;
	v19 =	vmov v45;
	v34 =	vadd.s32 $0x1C, v0;
	v7 =	vmov v10;
	s3 =	sadd.s32 s1, s21;
	s19 =	rddreg [dreg:$0x19];
	s22 =	sadd.s32 s29, s6;
	v38 =	vld.idx.msk [tilespmem:v61+s5+$0x0], $0xffff;
	[tilespmem:s8+$0x0] =	vst v60  }
0x1d1: {  	v10 =	vmovc v14;
	v14 =	vmovc v47;
	v25 =	vmov v43;
	s18 =	sadd.s32 s28, s6;
	s6 =	rddreg [dreg:$0x14];
	v15 =	vmov v17;
	v17 =	vmov v46;
	s8 =	smov.u32 s16;
	v36 =	vld.idx.msk [tilespmem:v63+s5+$0x0], $0xffff;
	[tilespmem:s22+$0x0] =	vst v62  }
0x1d2: {  	v39 =	vadd.s32 $0x13, v2;
	_ =	sdelay $0x1  }
0x1d3: {  	s0 =	sadd.s32 s4, s6  }
0x1d4: {  	[tilespmem:s13+$0x0] =	vst v37;
	s2 =	sadd.s32 s7, s0  }
0x1d5: {  	v32 =	vld.idx.msk [tilespmem:v32+s5+$0x0], $0xffff;
	[tilespmem:s2+$0x0] =	vst v38  }
0x1d6: {  	v53 =	vld.idx.msk [tilespmem:v39+s5+$0x0], $0xffff  }
0x1d7: {  	v54 =	vadd.s32 $0x14, v2  }
0x1d8: {  	s2 =	rddreg [dreg:$0x15]  }
0x1d9: {  	s0 =	sadd.s32 s8, s0;
	s9 =	sadd.s32 s4, s2  }
0x1da: {  	[tilespmem:s0+$0x0] =	vst v32;
	s2 =	sadd.s32 s7, s9  }
0x1db: {  	v30 =	vld.idx.msk [tilespmem:v30+s5+$0x0], $0xffff;
	[tilespmem:s2+$0x0] =	vst v53  }
0x1dc: {  	v55 =	vld.idx.msk [tilespmem:v54+s5+$0x0], $0xffff  }
0x1dd: {  	v56 =	vadd.s32 $0x15, v2  }
0x1de: {  	s2 =	rddreg [dreg:$0x16]  }
0x1df: {  	s0 =	sadd.s32 s8, s9;
	s11 =	sadd.s32 s4, s2  }
0x1e0: {  	[tilespmem:s0+$0x0] =	vst v30;
	s2 =	sadd.s32 s7, s11  }
0x1e1: {  	v27 =	vld.idx.msk [tilespmem:v27+s5+$0x0], $0xffff;
	[tilespmem:s2+$0x0] =	vst v55  }
0x1e2: {  	v57 =	vld.idx.msk [tilespmem:v56+s5+$0x0], $0xffff  }
0x1e3: {  	v58 =	vadd.s32 $0x16, v2  }
0x1e4: {  	s2 =	rddreg [dreg:$0x17]  }
0x1e5: {  	s0 =	sadd.s32 s8, s11;
	s13 =	sadd.s32 s4, s2  }
0x1e6: {  	[tilespmem:s0+$0x0] =	vst v27;
	s2 =	sadd.s32 s7, s13  }
0x1e7: {  	v26 =	vld.idx.msk [tilespmem:v26+s5+$0x0], $0xffff;
	[tilespmem:s2+$0x0] =	vst v57  }
0x1e8: {  	v59 =	vld.idx.msk [tilespmem:v58+s5+$0x0], $0xffff  }
0x1e9: {  	v60 =	vadd.s32 $0x17, v2  }
0x1ea: {  	s2 =	rddreg [dreg:$0x18]  }
0x1eb: {  	s0 =	sadd.s32 s8, s13;
	s14 =	sadd.s32 s4, s2  }
0x1ec: {  	[tilespmem:s0+$0x0] =	vst v26;
	s2 =	sadd.s32 s7, s14  }
0x1ed: {  	v61 =	vadd.s32 $0x18, v1;
	s15 =	rddreg [dreg:$0x19];
	[tilespmem:s2+$0x0] =	vst v59  }
0x1ee: {  	v27 =	vld.idx.msk [tilespmem:v60+s5+$0x0], $0xffff  }
0x1ef: {  	s16 =	sadd.s32 s30, s19;
	v62 =	vadd.s32 $0x18, v2;
	v25 =	vld.idx.msk [tilespmem:v25+s5+$0x0], $0xffff  }
0x1f0: {  	s17 =	sadd.s32 s31, s16  }
0x1f1: {  	[tilespmem:s17+$0x0] =	vst v36;
	s6 =	sadd.s32 s4, s15  }
0x1f2: {  	[tilespmem:s3+$0x0] =	vst v35;
	v26 =	vld.idx.msk [tilespmem:v61+s5+$0x0], $0xffff;
	s19 =	sadd.s32 s7, s6  }
0x1f3: {  	v63 =	vadd.s32 $0x19, v1;
	v22 =	vld.idx.msk [tilespmem:v22+s5+$0x0], $0xffff;
	s0 =	sadd.s32 s8, s14;
	[tilespmem:s19+$0x0] =	vst v27  }
0x1f4: {  	s3 =	rddreg [dreg:$0x1a];
	[tilespmem:s0+$0x0] =	vst v25;
	v27 =	vld.idx.msk [tilespmem:v62+s5+$0x0], $0xffff  }
0x1f5: {  	v35 =	vadd.s32 $0x19, v2;
	s22 =	sadd.s32 s30, s3;
	v25 =	vld.idx.msk [tilespmem:v31+s5+$0x0], $0xffff  }
0x1f6: {  	s11 =	sadd.s32 s31, s22;
	s9 =	rddreg [dreg:$0x1a]  }
0x1f7: {  	s21 =	sadd.s32 s1, s16;
	[tilespmem:s11+$0x0] =	vst v26;
	s3 =	sadd.s32 s4, s9  }
0x1f8: {  	[tilespmem:s21+$0x0] =	vst v22;
	v26 =	vld.idx.msk [tilespmem:v63+s5+$0x0], $0xffff;
	s13 =	sadd.s32 s7, s3  }
0x1f9: {  	v36 =	vadd.s32 $0x1A, v1;
	v20 =	vld.idx.msk [tilespmem:v20+s5+$0x0], $0xffff;
	s6 =	sadd.s32 s8, s6;
	[tilespmem:s13+$0x0] =	vst v27  }
0x1fa: {  	s0 =	rddreg [dreg:$0x1b];
	[tilespmem:s6+$0x0] =	vst v25;
	v22 =	vld.idx.msk [tilespmem:v35+s5+$0x0], $0xffff  }
0x1fb: {  	v37 =	vadd.s32 $0x1A, v2;
	s0 =	sadd.s32 s30, s0;
	v25 =	vld.idx.msk [tilespmem:v28+s5+$0x0], $0xffff  }
0x1fc: {  	s14 =	sadd.s32 s31, s0;
	s6 =	rddreg [dreg:$0x1b]  }
0x1fd: {  	s2 =	sadd.s32 s1, s22;
	[tilespmem:s14+$0x0] =	vst v26;
	s6 =	sadd.s32 s4, s6  }
0x1fe: {  	[tilespmem:s2+$0x0] =	vst v20;
	v26 =	vld.idx.msk [tilespmem:v36+s5+$0x0], $0xffff;
	s15 =	sadd.s32 s7, s6  }
0x1ff: {  	v38 =	vadd.s32 $0x1B, v1;
	v18 =	vld.idx.msk [tilespmem:v18+s5+$0x0], $0xffff;
	s3 =	sadd.s32 s8, s3;
	[tilespmem:s15+$0x0] =	vst v22  }
0x200: {  	s2 =	rddreg [dreg:$0x1c];
	[tilespmem:s3+$0x0] =	vst v25;
	v20 =	vld.idx.msk [tilespmem:v37+s5+$0x0], $0xffff  }
0x201: {  	v39 =	vadd.s32 $0x1B, v2;
	s2 =	sadd.s32 s30, s2;
	v23 =	vld.idx.msk [tilespmem:v23+s5+$0x0], $0xffff  }
0x202: {  	s16 =	sadd.s32 s31, s2;
	s3 =	rddreg [dreg:$0x1c]  }
0x203: {  	v42 =	vld.idx.msk [tilespmem:v34+s5+$0x0], $0xffff;
	s0 =	sadd.s32 s1, s0;
	[tilespmem:s16+$0x0] =	vst v26;
	s3 =	sadd.s32 s4, s3  }
0x204: {  	v44 =	vadd.s32 $0x1D, v0;
	[tilespmem:s0+$0x0] =	vst v18;
	v40 =	vld.idx.msk [tilespmem:v38+s5+$0x0], $0xffff;
	s17 =	sadd.s32 s7, s3  }
0x205: {  	v41 =	vadd.s32 $0x1C, v1;
	s9 =	rddreg [dreg:$0x1e];
	v16 =	vld.idx.msk [tilespmem:v16+s5+$0x0], $0xffff;
	s6 =	sadd.s32 s8, s6;
	[tilespmem:s17+$0x0] =	vst v20  }
0x206: {  	s9 =	sadd.s32 s26, s9;
	s0 =	rddreg [dreg:$0x1d];
	[tilespmem:s6+$0x0] =	vst v23;
	v18 =	vld.idx.msk [tilespmem:v39+s5+$0x0], $0xffff  }
0x207: {  	v43 =	vadd.s32 $0x1C, v2;
	[tilespmem:s18+$0x0] =	vst v33;
	s11 =	sadd.s32 s29, s9;
	s0 =	sadd.s32 s30, s0;
	v19 =	vld.idx.msk [tilespmem:v19+s5+$0x0], $0xffff  }
0x208: {  	[tilespmem:s11+$0x0] =	vst v42;
	s19 =	sadd.s32 s31, s0;
	s6 =	rddreg [dreg:$0x1d]  }
0x209: {  	s2 =	sadd.s32 s1, s2;
	v46 =	vld.idx.msk [tilespmem:v44+s5+$0x0], $0xffff;
	[tilespmem:s19+$0x0] =	vst v40;
	s6 =	sadd.s32 s4, s6  }
0x20a: {  	v48 =	vadd.s32 $0x1E, v0;
	[tilespmem:s2+$0x0] =	vst v16;
	v22 =	vld.idx.msk [tilespmem:v41+s5+$0x0], $0xffff;
	s21 =	sadd.s32 s7, s6  }
0x20b: {  	v45 =	vadd.s32 $0x1D, v1;
	s11 =	rddreg [dreg:$0x1f];
	v15 =	vld.idx.msk [tilespmem:v15+s5+$0x0], $0xffff;
	s3 =	sadd.s32 s8, s3;
	[tilespmem:s21+$0x0] =	vst v18  }
0x20c: {  	s11 =	sadd.s32 s26, s11;
	s2 =	rddreg [dreg:$0x1e];
	[tilespmem:s3+$0x0] =	vst v19;
	v16 =	vld.idx.msk [tilespmem:v43+s5+$0x0], $0xffff  }
0x20d: {  	v47 =	vadd.s32 $0x1D, v2;
	[tilespmem:s12+$0x0] =	vst v29;
	s14 =	sadd.s32 s29, s11;
	s2 =	sadd.s32 s30, s2;
	v17 =	vld.idx.msk [tilespmem:v17+s5+$0x0], $0xffff  }
0x20e: {  	v11 =	vld.idx.msk [tilespmem:v11+s5+$0x0], $0xffff;
	[tilespmem:s14+$0x0] =	vst v46;
	s22 =	sadd.s32 s31, s2;
	s3 =	rddreg [dreg:$0x1e]  }
0x20f: {  	s0 =	sadd.s32 s1, s0;
	v51 =	vld.idx.msk [tilespmem:v48+s5+$0x0], $0xffff;
	s15 =	sld [smem:$0x7F5];
	[tilespmem:s22+$0x0] =	vst v22;
	s3 =	sadd.s32 s4, s3  }
0x210: {  	[tilespmem:s0+$0x0] =	vst v15;
	v49 =	vld.idx.msk [tilespmem:v45+s5+$0x0], $0xffff;
	s13 =	sadd.s32 s7, s3  }
0x211: {  	v50 =	vadd.s32 $0x1E, v1;
	v13 =	vld.idx.msk [tilespmem:v13+s5+$0x0], $0xffff;
	s6 =	sadd.s32 s8, s6;
	[tilespmem:s13+$0x0] =	vst v16  }
0x212: {  	s9 =	sadd.s32 s28, s9;
	s12 =	sadd.s32 s26, s15;
	s0 =	rddreg [dreg:$0x1f];
	[tilespmem:s6+$0x0] =	vst v17;
	v15 =	vld.idx.msk [tilespmem:v47+s5+$0x0], $0xffff  }
0x213: {  	v52 =	vadd.s32 $0x1E, v2;
	[tilespmem:s9+$0x0] =	vst v11;
	s19 =	sadd.s32 s29, s12;
	s0 =	sadd.s32 s30, s0;
	v53 =	vld.idx.msk [tilespmem:v21+s5+$0x0], $0xffff  }
0x214: {  	v7 =	vld.idx.msk [tilespmem:v7+s5+$0x0], $0xffff;
	[tilespmem:s19+$0x0] =	vst v51;
	s16 =	sadd.s32 s31, s0;
	s6 =	rddreg [dreg:$0x1f]  }
0x215: {  	v5 =	vld.idx.msk [tilespmem:v5+s5+$0x0], $0xffff;
	s2 =	sadd.s32 s1, s2;
	[tilespmem:s16+$0x0] =	vst v49;
	s6 =	sadd.s32 s4, s6  }
0x216: {  	v54 =	vld.idx.msk [tilespmem:v50+s5+$0x0], $0xffff;
	s17 =	sld [smem:$0x7F5];
	[tilespmem:s2+$0x0] =	vst v13;
	s18 =	sadd.s32 s7, s6  }
0x217: {  	v10 =	vld.idx.msk [tilespmem:v10+s5+$0x0], $0xffff;
	s3 =	sadd.s32 s8, s3;
	[tilespmem:s18+$0x0] =	vst v15  }
0x218: {  	s11 =	sadd.s32 s28, s11;
	v55 =	vld.idx.msk [tilespmem:v52+s5+$0x0], $0xffff;
	s22 =	sld [smem:$0x7F5];
	[tilespmem:s3+$0x0] =	vst v53  }
0x219: {  	s14 =	sld [smem:$0x7F6];
	[tilespmem:s11+$0x0] =	vst v7;
	s21 =	sadd.s32 s30, s17;
	v56 =	vld.idx.msk [tilespmem:v14+s5+$0x0], $0xffff  }
0x21a: {  	[tilespmem:s20+$0x0] =	vst v5;
	v6 =	vld.idx.msk [tilespmem:v6+s5+$0x0], $0xffff;
	s13 =	sadd.s32 s31, s21  }
0x21b: {  	s0 =	sadd.s32 s1, s0;
	[tilespmem:s13+$0x0] =	vst v54;
	s9 =	sadd.s32 s4, s22  }
0x21c: {  	v58 =	vadd.s32 $0x1F, v1;
	s15 =	sld [smem:$0x7F6];
	[tilespmem:s0+$0x0] =	vst v10;
	s16 =	sadd.s32 s7, s9  }
0x21d: {  	v57 =	vadd.s32 $0x1F, v0;
	v59 =	vld.idx.msk [tilespmem:v8+s5+$0x0], $0xffff;
	s17 =	sadd.s32 s8, s6;
	[tilespmem:s16+$0x0] =	vst v55  }
0x21e: {  	v3 =	vld.idx.msk [tilespmem:v3+s5+$0x0], $0xffff;
	s19 =	sadd.s32 s28, s12;
	s18 =	sld [smem:$0x7F6];
	[tilespmem:s17+$0x0] =	vst v56  }
0x21f: {  	v60 =	vadd.s32 $0x1F, v2;
	[tilespmem:s19+$0x0] =	vst v6;
	v61 =	vld.idx.msk [tilespmem:v24+s5+$0x0], $0xffff  }
0x220: {  	v4 =	vld.idx.msk [tilespmem:v4+s5+$0x0], $0xffff  }
0x221: {  	s20 =	sadd.s32 s1, s21;
	v1 =	vld.idx.msk [tilespmem:v58+s5+$0x0], $0xffff  }
0x222: {  	v0 =	vld.idx.msk [tilespmem:v57+s5+$0x0], $0xffff;
	[tilespmem:s20+$0x0] =	vst v59  }
0x223: {  	[tilespmem:s10+$0x0] =	vst v3;
	s21 =	sadd.s32 s26, s14;
	v62 =	vld.idx.msk [tilespmem:v9+s5+$0x0], $0xffff;
	s22 =	sadd.s32 s8, s9  }
0x224: {  	s25 =	sadd.s32 $0x1, s25;
	s0 =	sadd.s32 s28, s21;
	s26 =	sadd.s32 s30, s15;
	v2 =	vld.idx.msk [tilespmem:v60+s5+$0x0], $0xffff;
	[tilespmem:s22+$0x0] =	vst v61  }
0x225: {  	p0 =	sne.s32 s25, $0x8;
	[tilespmem:s0+$0x0] =	vst v4;
	s28 =	sadd.s32 s31, s26;
	v63 =	vld.idx.msk [tilespmem:v12+s5+$0x0], $0xffff  }
.Ltmp3:
0x226: {  	s3 =	sadd.s32 s29, s21;
	[tilespmem:s28+$0x0] =	vst v1;
	(pc) =	sbr.rel @p0 .LBB2_7-.Ltmp3, $4  }
0x227: {  	s29 =	sadd.s32 s1, s26;
	[tilespmem:s3+$0x0] =	vst v0;
	s30 =	sadd.s32 s4, s18  }
0x228: {  	[tilespmem:s29+$0x0] =	vst v62;
	s31 =	sadd.s32 s7, s30  }
0x229: {  	s0 =	sadd.s32 s8, s30;
	[tilespmem:s31+$0x0] =	vst v2  }
0x22a: {  	[tilespmem:s0+$0x0] =	vst v63  }
0x22b: {  	s0 =	sld [smem:$0x7F7]  }
0x22c: {  	s1 =	sld [smem:$0x7FA];
	_ =	sdelay $0x1  }
0x22d: {  	s0 =	sor.u32 $0x1, s0  }
0x22e: {  	s1 =	sadd.s32 s1, s0;
	p0 =	sgt.u32 s0, $0x28  }
0x22f: {  	s0 =	sadd.s32 @!p0 $0x1, s1  }
0x230: {  	s4 =	sld [smem:$0x7FB];
	s2 =	smul.u32 @!p0 $0x925, s0  }
0x231: {  	s3 =	sadd.s32 $0xE0000, s23;
	s6 =	simm.s32 $0x800;
	s7 =	simm.s32 $0xE000  }
0x232: {  	s8 =	simm.s32 $0xB100;
	s3 =	sshrl.u32 s3, $0x3;
	s2 =	sshrl.u32 @!p0 s2, $0x10  }
0x233: {  	s29 =	simm.s32 $0x2;
	s3 =	sadd.s32 s4, s3;
	s4 =	smul.u32 @!p0 $0x1FFFE4, s2  }
0x234: {  	[hbm4b:s3+s6] =	stream.strided.scatter [tilespmem:s8], [sflag:$0x4], $0x8000, s7, s6, $0x38;
	[tilespmem:$0x13100] =	vst v63  }
0x235: {  	_ =	swait.ge [sflag:s29], $0x800;
	s2 =	smul.u32 @!p0 $0xE000, s2;
	s0 =	sadd.s32 @!p0 s0, s4  }
0x236: {  	s31 =	simm.s32 $0x3;
	[sflag:s29] =	ssyncset.done $0x0;
	s0 =	sshll.u32 @!p0 s0, $0xB  }
0x237: {  	s28 =	smul.u32 $0x925, s1;
	[sflag:s29] =	ssyncadd.s32 $0xFFFFF800;
	s0 =	sadd.s32 @!p0 s2, s0  }
0x238: {  	s3 =	simm.s32 @!p0 $0x2100;
	s2 =	rddreg [dreg:$0x0];
	s0 =	sshrl.u32 @!p0 s0, $0x3  }
0x239: {  	s22 =	sshrl.u32 s28, $0x10;
	s0 =	sadd.s32 @!p0 s2, s0;
	s2 =	simm.s32 @!p0 $0x0  }
0x23a: {  	[tilespmem:s3], [sflag:$0x1] =	stream.linear.gather @!p0 [hbm4b:s0+s2], $0x800, $0x38;
	[tilespmem:$0x13100] =	vst v63  }
0x23b: {  	s30 =	smul.u32 $0x1FFFE4, s22;
	_ =	swait.ge [sflag:s31], $0x8000  }
0x23c: {  	s24 =	simm.s32 $0x0;
	[sflag:s31] =	ssyncset.done $0x0  }
0x23d: {  	s25 =	simm.s32 $0x0;
	s23 =	sadd.s32 s1, s30;
	[sflag:s31] =	ssyncadd.s32 $0xFFFF8000  }
.LBB2_11:
0x23e: {  	s4 =	sshll.u32 s25, $0x7  }
0x23f: {  	s0 =	sadd.s32 $0x3900, s4  }
0x240: {  	s21 =	sadd.s32 $0x4100, s4;
	[smem:$0x7F0] =	sst s0  }
0x241: {  	s26 =	sadd.s32 $0x4900, s4;
	[smem:$0x7F3] =	sst s21  }
0x242: {  	s31 =	sadd.s32 $0x5100, s4;
	[smem:$0x7E7] =	sst s26  }
0x243: {  	s1 =	sadd.s32 $0x5900, s4;
	[smem:$0x7EA] =	sst s31  }
0x244: {  	s2 =	sadd.s32 $0x6100, s4;
	[smem:$0x7ED] =	sst s1  }
0x245: {  	s3 =	sadd.s32 $0x6900, s4;
	[smem:$0x7F1] =	sst s2  }
0x246: {  	s6 =	sadd.s32 $0x7100, s4;
	[smem:$0x7F4] =	sst s3  }
0x247: {  	s7 =	sadd.s32 $0x7900, s4;
	[smem:$0x7E8] =	sst s6  }
0x248: {  	s8 =	sadd.s32 $0x8100, s4;
	[smem:$0x7EB] =	sst s7  }
0x249: {  	s9 =	sadd.s32 $0x8900, s4;
	[smem:$0x7EE] =	sst s8  }
0x24a: {  	s20 =	sand.u32 $0x400, s24;
	s10 =	sadd.s32 $0x9100, s4;
	[smem:$0x7F2] =	sst s9  }
0x24b: {  	s11 =	sadd.s32 $0x9900, s4;
	s12 =	sadd.s32 $0xA100, s4;
	[smem:$0x7E6] =	sst s10  }
0x24c: {  	s13 =	sadd.s32 $0xA900, s4;
	[smem:$0x7E9] =	sst s11;
	s9 =	sand.u32 $0x60, s24  }
0x24d: {  	[smem:$0x7EC] =	sst s12;
	s1 =	sor.u32 s4, s20;
	s12 =	sor.u32 $0x10, s9  }
0x24e: {  	[smem:$0x7EF] =	sst s13;
	s14 =	sor.u32 s12, s1  }
0x24f: {  	v0 =	vld [tilespmem:s14+$0x2900];
	_ =	sdelay $0x1  }
0x250: {  	s1 =	sor.u32 s9, s1  }
0x251: {  	v1 =	vld [tilespmem:s1+$0x2900];
	_ =	sdelay $0x1  }
0x252: {  	v4 =	vmul.u32 $0x21, v0;
	_ =	sdelay $0x2  }
0x253: {  	v3 =	vmul.u32 $0x21, v1;
	_ =	sdelay $0x2  }
0x254: {  	v0 =	vld.idx.msk [tilespmem:v4+s5+$0x0], $0xffff  }
0x255: {  	v1 =	vadd.s32 $0x1, v4;
	_ =	sdelay $0x1  }
0x256: {  	v2 =	vld.idx.msk [tilespmem:v3+s5+$0x0], $0xffff  }
0x257: {  	v5 =	vadd.s32 $0x1, v3  }
0x258: {  	[tilespmem:s14+$0x3100] =	vst v0  }
0x259: {  	v0 =	vld.idx.msk [tilespmem:v1+s5+$0x0], $0xffff;
	s0 =	sld [smem:$0x7F0]  }
0x25a: {  	v1 =	vadd.s32 $0x2, v4  }
0x25b: {  	[tilespmem:s1+$0x3100] =	vst v2  }
0x25c: {  	v2 =	vld.idx.msk [tilespmem:v5+s5+$0x0], $0xffff;
	s0 =	sadd.s32 s20, s0  }
0x25d: {  	v5 =	vadd.s32 $0x2, v3;
	s15 =	sadd.s32 s12, s0  }
0x25e: {  	[tilespmem:s15+$0x0] =	vst v0  }
0x25f: {  	v0 =	vld.idx.msk [tilespmem:v1+s5+$0x0], $0xffff;
	s1 =	sld [smem:$0x7F3]  }
0x260: {  	s2 =	simm.s32 $0x100;
	s3 =	simm.s32 $0x20;
	s0 =	sadd.s32 s9, s0;
	v1 =	vadd.s32 $0x3, v4  }
0x261: {  	s26 =	sand.u32 $0x60, s3;
	s28 =	sand.u32 $0x400, s2;
	[tilespmem:s0+$0x0] =	vst v2  }
0x262: {  	s16 =	sor.u32 s4, s28;
	s29 =	sor.u32 $0x10, s26;
	v2 =	vld.idx.msk [tilespmem:v5+s5+$0x0], $0xffff;
	s1 =	sadd.s32 s20, s1  }
0x263: {  	s17 =	sor.u32 s29, s16;
	v5 =	vadd.s32 $0x3, v3;
	s18 =	sadd.s32 s12, s1  }
0x264: {  	v6 =	vld [tilespmem:s17+$0x2900];
	[tilespmem:s18+$0x0] =	vst v0  }
0x265: {  	v0 =	vld.idx.msk [tilespmem:v1+s5+$0x0], $0xffff;
	s3 =	sld [smem:$0x7E7]  }
0x266: {  	s0 =	sor.u32 s26, s16;
	s1 =	sadd.s32 s9, s1;
	v1 =	vadd.s32 $0x4, v4  }
0x267: {  	v7 =	vld [tilespmem:s0+$0x2900];
	[tilespmem:s1+$0x0] =	vst v2  }
0x268: {  	v2 =	vld.idx.msk [tilespmem:v5+s5+$0x0], $0xffff;
	s19 =	sadd.s32 s20, s3  }
0x269: {  	v5 =	vadd.s32 $0x4, v3;
	s3 =	sadd.s32 s12, s19  }
0x26a: {  	[tilespmem:s3+$0x0] =	vst v0;
	v0 =	vmul.u32 $0x21, v6  }
0x26b: {  	v1 =	vld.idx.msk [tilespmem:v1+s5+$0x0], $0xffff;
	s3 =	sld [smem:$0x7EA]  }
0x26c: {  	s1 =	sadd.s32 s9, s19;
	v6 =	vadd.s32 $0x5, v4  }
0x26d: {  	v8 =	vmul.u32 $0x21, v7;
	[tilespmem:s1+$0x0] =	vst v2  }
0x26e: {  	v2 =	vld.idx.msk [tilespmem:v5+s5+$0x0], $0xffff;
	s21 =	sadd.s32 s20, s3  }
0x26f: {  	v5 =	vadd.s32 $0x5, v3;
	s3 =	sadd.s32 s12, s21  }
0x270: {  	v7 =	vld.idx.msk [tilespmem:v0+s5+$0x0], $0xffff;
	[tilespmem:s3+$0x0] =	vst v1  }
0x271: {  	v1 =	vld.idx.msk [tilespmem:v6+s5+$0x0], $0xffff;
	v6 =	vadd.s32 $0x1, v0  }
0x272: {  	s1 =	sadd.s32 s9, s21;
	s3 =	sld [smem:$0x7ED]  }
0x273: {  	v9 =	vadd.s32 $0x6, v4;
	v10 =	vld.idx.msk [tilespmem:v8+s5+$0x0], $0xffff;
	[tilespmem:s1+$0x0] =	vst v2  }
0x274: {  	v2 =	vadd.s32 $0x1, v8;
	v5 =	vld.idx.msk [tilespmem:v5+s5+$0x0], $0xffff  }
0x275: {  	s31 =	sadd.s32 s20, s3;
	[tilespmem:s17+$0x3100] =	vst v7  }
0x276: {  	v11 =	vadd.s32 $0x6, v3;
	s3 =	sadd.s32 s12, s31;
	v6 =	vld.idx.msk [tilespmem:v6+s5+$0x0], $0xffff;
	s6 =	sld [smem:$0x7F0]  }
0x277: {  	v7 =	vadd.s32 $0x2, v0;
	[tilespmem:s3+$0x0] =	vst v1  }
0x278: {  	s16 =	simm.s32 $0x40;
	s1 =	sadd.s32 s9, s31;
	[tilespmem:s0+$0x3100] =	vst v10;
	v1 =	vld.idx.msk [tilespmem:v9+s5+$0x0], $0xffff;
	s7 =	sld [smem:$0x7F1]  }
0x279: {  	s15 =	simm.s32 $0x200;
	v9 =	vadd.s32 $0x7, v4;
	v2 =	vld.idx.msk [tilespmem:v2+s5+$0x0], $0xffff;
	[tilespmem:s1+$0x0] =	vst v5;
	s1 =	sand.u32 $0x60, s16;
	s8 =	sadd.s32 s28, s6  }
0x27a: {  	s0 =	sand.u32 $0x400, s15;
	v5 =	vadd.s32 $0x2, v8;
	s30 =	sor.u32 $0x10, s1;
	s10 =	sadd.s32 s29, s8  }
0x27b: {  	v10 =	vld.idx.msk [tilespmem:v11+s5+$0x0], $0xffff;
	s11 =	sadd.s32 s20, s7;
	s14 =	sadd.s32 s26, s8;
	s8 =	sor.u32 s4, s0;
	[tilespmem:s10+$0x0] =	vst v6  }
0x27c: {  	v11 =	vadd.s32 $0x7, v3;
	s13 =	sadd.s32 s12, s11;
	s3 =	sor.u32 s30, s8;
	v6 =	vld.idx.msk [tilespmem:v7+s5+$0x0], $0xffff  }
0x27d: {  	[tilespmem:s13+$0x0] =	vst v1;
	s6 =	sld [smem:$0x7F3];
	v12 =	vld [tilespmem:s3+$0x2900]  }
0x27e: {  	v7 =	vadd.s32 $0x3, v0;
	[tilespmem:s14+$0x0] =	vst v2;
	v1 =	vld.idx.msk [tilespmem:v9+s5+$0x0], $0xffff;
	s7 =	sld [smem:$0x7F4]  }
0x27f: {  	s2 =	sadd.s32 s9, s11;
	v2 =	vadd.s32 $0x8, v4;
	v5 =	vld.idx.msk [tilespmem:v5+s5+$0x0], $0xffff  }
0x280: {  	[tilespmem:s2+$0x0] =	vst v10;
	v9 =	vadd.s32 $0x3, v8;
	s6 =	sadd.s32 s28, s6  }
0x281: {  	s2 =	sor.u32 s1, s8;
	v10 =	vld.idx.msk [tilespmem:v11+s5+$0x0], $0xffff;
	s17 =	sadd.s32 s29, s6;
	s7 =	sadd.s32 s20, s7  }
0x282: {  	v11 =	vadd.s32 $0x8, v3;
	v13 =	vld [tilespmem:s2+$0x2900];
	[tilespmem:s17+$0x0] =	vst v6;
	s18 =	sadd.s32 s12, s7  }
0x283: {  	s6 =	sadd.s32 s26, s6;
	v6 =	vld.idx.msk [tilespmem:v7+s5+$0x0], $0xffff;
	[tilespmem:s18+$0x0] =	vst v1;
	s10 =	sld [smem:$0x7E7]  }
0x284: {  	v7 =	vadd.s32 $0x4, v0;
	[tilespmem:s6+$0x0] =	vst v5;
	v1 =	vmul.u32 $0x21, v12;
	v2 =	vld.idx.msk [tilespmem:v2+s5+$0x0], $0xffff;
	s19 =	sld [smem:$0x7E8]  }
0x285: {  	s7 =	sadd.s32 s9, s7;
	v14 =	vld.idx.msk [tilespmem:v9+s5+$0x0], $0xffff  }
0x286: {  	v5 =	vadd.s32 $0x9, v4;
	[tilespmem:s7+$0x0] =	vst v10;
	s21 =	sadd.s32 s28, s10  }
0x287: {  	v10 =	vadd.s32 $0x4, v8;
	v11 =	vld.idx.msk [tilespmem:v11+s5+$0x0], $0xffff;
	s31 =	sadd.s32 s29, s21;
	s8 =	sadd.s32 s20, s19  }
0x288: {  	v15 =	vadd.s32 $0x9, v3;
	v9 =	vmul.u32 $0x21, v13;
	[tilespmem:s31+$0x0] =	vst v6;
	s10 =	sadd.s32 s12, s8  }
0x289: {  	s6 =	sadd.s32 s26, s21;
	v6 =	vld.idx.msk [tilespmem:v7+s5+$0x0], $0xffff;
	[tilespmem:s10+$0x0] =	vst v2;
	s11 =	sld [smem:$0x7EA]  }
0x28a: {  	[tilespmem:s6+$0x0] =	vst v14;
	v14 =	vld.idx.msk [tilespmem:v1+s5+$0x0], $0xffff  }
0x28b: {  	s8 =	sadd.s32 s9, s8;
	v2 =	vld.idx.msk [tilespmem:v5+s5+$0x0], $0xffff;
	v5 =	vadd.s32 $0x5, v0;
	s13 =	sld [smem:$0x7EB]  }
0x28c: {  	v7 =	vadd.s32 $0xA, v4;
	v10 =	vld.idx.msk [tilespmem:v10+s5+$0x0], $0xffff;
	[tilespmem:s8+$0x0] =	vst v11;
	s14 =	sadd.s32 s28, s11  }
0x28d: {  	v11 =	vadd.s32 $0x5, v8;
	v12 =	vld.idx.msk [tilespmem:v15+s5+$0x0], $0xffff;
	s7 =	sadd.s32 s29, s14  }
0x28e: {  	v13 =	vadd.s32 $0xA, v3;
	v15 =	vld.idx.msk [tilespmem:v9+s5+$0x0], $0xffff;
	s15 =	sadd.s32 s20, s13;
	[tilespmem:s7+$0x0] =	vst v6  }
0x28f: {  	v16 =	vadd.s32 $0x1, v9;
	s16 =	sadd.s32 s12, s15;
	[tilespmem:s3+$0x3100] =	vst v14  }
0x290: {  	s6 =	sadd.s32 s26, s14;
	v5 =	vld.idx.msk [tilespmem:v5+s5+$0x0], $0xffff;
	[tilespmem:s16+$0x0] =	vst v2;
	v2 =	vadd.s32 $0x1, v1;
	s17 =	sld [smem:$0x7ED]  }
0x291: {  	s8 =	sadd.s32 s9, s15;
	[tilespmem:s6+$0x0] =	vst v10;
	v6 =	vld.idx.msk [tilespmem:v7+s5+$0x0], $0xffff;
	v7 =	vadd.s32 $0x6, v0;
	s18 =	sld [smem:$0x7EE]  }
0x292: {  	v10 =	vadd.s32 $0xB, v4;
	v11 =	vld.idx.msk [tilespmem:v11+s5+$0x0], $0xffff;
	[tilespmem:s8+$0x0] =	vst v12  }
0x293: {  	s10 =	sld [smem:$0x7F0];
	[tilespmem:s2+$0x3100] =	vst v15;
	v13 =	vld.idx.msk [tilespmem:v13+s5+$0x0], $0xffff;
	s19 =	sadd.s32 s28, s17  }
0x294: {  	v12 =	vadd.s32 $0x6, v8;
	v15 =	vld.idx.msk [tilespmem:v16+s5+$0x0], $0xffff;
	s21 =	sadd.s32 s29, s19;
	s31 =	sadd.s32 s20, s18  }
0x295: {  	v14 =	vadd.s32 $0xB, v3;
	v2 =	vld.idx.msk [tilespmem:v2+s5+$0x0], $0xffff;
	[tilespmem:s21+$0x0] =	vst v5;
	s8 =	sadd.s32 s12, s31  }
0x296: {  	v5 =	vld.idx.msk [tilespmem:v7+s5+$0x0], $0xffff;
	[tilespmem:s8+$0x0] =	vst v6;
	v6 =	vadd.s32 $0x2, v1;
	s11 =	sld [smem:$0x7F1]  }
0x297: {  	s6 =	sadd.s32 s26, s19;
	v7 =	vld.idx.msk [tilespmem:v10+s5+$0x0], $0xffff;
	v10 =	vadd.s32 $0x7, v0  }
0x298: {  	v16 =	vadd.s32 $0x2, v9;
	s7 =	sadd.s32 s9, s31;
	s8 =	sadd.s32 s0, s10;
	[tilespmem:s6+$0x0] =	vst v11;
	s13 =	sld [smem:$0x7F2]  }
0x299: {  	s18 =	simm.s32 $0x300;
	v11 =	vadd.s32 $0xC, v4;
	s14 =	sadd.s32 s30, s8;
	v12 =	vld.idx.msk [tilespmem:v12+s5+$0x0], $0xffff;
	[tilespmem:s7+$0x0] =	vst v13;
	s3 =	sadd.s32 s28, s11  }
0x29a: {  	s19 =	simm.s32 $0x60;
	s10 =	sand.u32 $0x400, s18;
	v13 =	vadd.s32 $0x7, v8;
	[tilespmem:s14+$0x0] =	vst v2;
	s16 =	sadd.s32 s29, s3;
	v2 =	vld.idx.msk [tilespmem:v14+s5+$0x0], $0xffff  }
0x29b: {  	s15 =	sadd.s32 s1, s8;
	s2 =	sadd.s32 s20, s13;
	v6 =	vld.idx.msk [tilespmem:v6+s5+$0x0], $0xffff;
	[tilespmem:s16+$0x0] =	vst v5;
	s11 =	sld [smem:$0x7F3]  }
0x29c: {  	s8 =	sand.u32 $0x60, s19;
	s17 =	sadd.s32 s12, s2;
	[tilespmem:s15+$0x0] =	vst v15;
	v5 =	vld.idx.msk [tilespmem:v10+s5+$0x0], $0xffff;
	s13 =	sld [smem:$0x7F4]  }
0x29d: {  	s7 =	sor.u32 $0x10, s8;
	s3 =	sadd.s32 s26, s3;
	s14 =	sor.u32 s4, s10;
	[tilespmem:s17+$0x0] =	vst v7;
	v7 =	vadd.s32 $0x3, v1;
	v14 =	vld.idx.msk [tilespmem:v16+s5+$0x0], $0xffff  }
0x29e: {  	s2 =	sadd.s32 s9, s2;
	[tilespmem:s3+$0x0] =	vst v12;
	v10 =	vld.idx.msk [tilespmem:v11+s5+$0x0], $0xffff;
	v11 =	vadd.s32 $0x8, v0;
	s21 =	sld [smem:$0x7E6];
	s11 =	sadd.s32 s0, s11  }
0x29f: {  	v15 =	vadd.s32 $0x3, v9;
	s3 =	sor.u32 s7, s14;
	v13 =	vld.idx.msk [tilespmem:v13+s5+$0x0], $0xffff;
	s15 =	sadd.s32 s30, s11;
	s16 =	sadd.s32 s28, s13;
	[tilespmem:s2+$0x0] =	vst v2  }
0x2a0: {  	v12 =	vadd.s32 $0xD, v4;
	v16 =	vld [tilespmem:s3+$0x2900];
	s2 =	sor.u32 s8, s14;
	[tilespmem:s15+$0x0] =	vst v6;
	s31 =	sadd.s32 s29, s16  }
0x2a1: {  	s18 =	sadd.s32 s1, s11;
	s13 =	sadd.s32 s20, s21;
	v6 =	vadd.s32 $0x8, v8;
	v17 =	vld [tilespmem:s2+$0x2900];
	[tilespmem:s31+$0x0] =	vst v5  }
0x2a2: {  	v7 =	vld.idx.msk [tilespmem:v7+s5+$0x0], $0xffff;
	s6 =	sadd.s32 s12, s13;
	v5 =	vadd.s32 $0xC, v3;
	s17 =	sld [smem:$0x7E7];
	[tilespmem:s18+$0x0] =	vst v14  }
0x2a3: {  	v11 =	vld.idx.msk [tilespmem:v11+s5+$0x0], $0xffff;
	[tilespmem:s6+$0x0] =	vst v10;
	v10 =	vadd.s32 $0x4, v1;
	s19 =	sld [smem:$0x7E8]  }
0x2a4: {  	s21 =	sadd.s32 s26, s16;
	v14 =	vadd.s32 $0x9, v0;
	v15 =	vld.idx.msk [tilespmem:v15+s5+$0x0], $0xffff  }
0x2a5: {  	v18 =	vadd.s32 $0x4, v9;
	[tilespmem:s21+$0x0] =	vst v13;
	v2 =	vmul.u32 $0x21, v16;
	v12 =	vld.idx.msk [tilespmem:v12+s5+$0x0], $0xffff;
	s15 =	sadd.s32 s0, s17  }
0x2a6: {  	s31 =	sld [smem:$0x7E9];
	s16 =	sadd.s32 s30, s15;
	v6 =	vld.idx.msk [tilespmem:v6+s5+$0x0], $0xffff;
	s17 =	sadd.s32 s28, s19  }
0x2a7: {  	v13 =	vadd.s32 $0xE, v4;
	[tilespmem:s16+$0x0] =	vst v7;
	s18 =	sadd.s32 s29, s17;
	v5 =	vld.idx.msk [tilespmem:v5+s5+$0x0], $0xffff  }
0x2a8: {  	v19 =	vadd.s32 $0x9, v8;
	s15 =	sadd.s32 s1, s15;
	v33 =	vmul.u32 $0x21, v17;
	v7 =	vld.idx.msk [tilespmem:v10+s5+$0x0], $0xffff;
	[tilespmem:s18+$0x0] =	vst v11  }
0x2a9: {  	s11 =	sadd.s32 s20, s31;
	s19 =	sld [smem:$0x7EA];
	[tilespmem:s15+$0x0] =	vst v15;
	v10 =	vld.idx.msk [tilespmem:v14+s5+$0x0], $0xffff  }
0x2aa: {  	s6 =	sadd.s32 s12, s11;
	v11 =	vadd.s32 $0x5, v1;
	s21 =	sld [smem:$0x7EB];
	v14 =	vld.idx.msk [tilespmem:v18+s5+$0x0], $0xffff  }
0x2ab: {  	v21 =	vadd.s32 $0xD, v3;
	s16 =	sadd.s32 s26, s17;
	[tilespmem:s6+$0x0] =	vst v12;
	v16 =	vld.idx.msk [tilespmem:v2+s5+$0x0], $0xffff  }
0x2ac: {  	s13 =	sadd.s32 s9, s13;
	v12 =	vld.idx.msk [tilespmem:v13+s5+$0x0], $0xffff;
	v13 =	vadd.s32 $0xA, v0;
	s31 =	sld [smem:$0x7EC];
	s14 =	sadd.s32 s0, s19;
	[tilespmem:s16+$0x0] =	vst v6  }
0x2ad: {  	v15 =	vadd.s32 $0x5, v9;
	s17 =	sadd.s32 s30, s14;
	v6 =	vld.idx.msk [tilespmem:v19+s5+$0x0], $0xffff;
	s6 =	sadd.s32 s28, s21;
	[tilespmem:s13+$0x0] =	vst v5  }
0x2ae: {  	v4 =	vadd.s32 $0xF, v4;
	v23 =	vld.idx.msk [tilespmem:v33+s5+$0x0], $0xffff;
	[tilespmem:s17+$0x0] =	vst v7;
	s18 =	sadd.s32 s29, s6  }
0x2af: {  	v17 =	vadd.s32 $0xA, v8;
	s14 =	sadd.s32 s1, s14;
	s15 =	sadd.s32 s20, s31;
	v18 =	vld.idx.msk [tilespmem:v11+s5+$0x0], $0xffff;
	[tilespmem:s18+$0x0] =	vst v10;
	s17 =	sld [smem:$0x7ED]  }
0x2b0: {  	v40 =	vld.idx.msk [tilespmem:v21+s5+$0x0], $0xffff;
	s19 =	sadd.s32 s12, s15;
	v10 =	vadd.s32 $0x1, v2;
	[tilespmem:s14+$0x0] =	vst v14  }
0x2b1: {  	v24 =	vadd.s32 $0xB, v8;
	v13 =	vld.idx.msk [tilespmem:v13+s5+$0x0], $0xffff;
	[tilespmem:s19+$0x0] =	vst v12;
	v12 =	vadd.s32 $0x6, v1;
	s21 =	sld [smem:$0x7EE]  }
0x2b2: {  	v41 =	vadd.s32 $0xC, v0;
	v39 =	vadd.s32 $0x7, v1;
	s6 =	sadd.s32 s26, s6;
	v14 =	vadd.s32 $0xB, v0;
	[tilespmem:s3+$0x3100] =	vst v16;
	v25 =	vld.idx.msk [tilespmem:v15+s5+$0x0], $0xffff;
	s31 =	sld [smem:$0x7EF];
	s16 =	sadd.s32 s0, s17  }
0x2b3: {  	v28 =	vadd.s32 $0x6, v9;
	v22 =	vadd.s32 $0x7, v9;
	v26 =	vadd.s32 $0x1, v33;
	v19 =	vld.idx.msk [tilespmem:v4+s5+$0x0], $0xffff;
	[tilespmem:s6+$0x0] =	vst v6;
	s17 =	sadd.s32 s30, s16  }
0x2b4: {  	v20 =	vadd.s32 $0x8, v9;
	v35 =	vadd.s32 $0x2, v2;
	v31 =	vadd.s32 $0x2, v33;
	v17 =	vld.idx.msk [tilespmem:v17+s5+$0x0], $0xffff;
	s18 =	sadd.s32 s28, s21;
	[tilespmem:s17+$0x0] =	vst v18  }
0x2b5: {  	v29 =	vadd.s32 $0x3, v33;
	v27 =	vadd.s32 $0x4, v33;
	v30 =	vadd.s32 $0x7, v33;
	v32 =	vld.idx.msk [tilespmem:v10+s5+$0x0], $0xffff;
	s19 =	sadd.s32 s29, s18;
	s13 =	sadd.s32 s20, s31;
	s20 =	sld [smem:$0x7F0];
	[tilespmem:s2+$0x3100] =	vst v23  }
0x2b6: {  	v5 =	vadd.s32 $0xE, v3;
	v3 =	vadd.s32 $0xF, v3;
	v7 =	vadd.s32 $0xD, v8;
	s16 =	sadd.s32 s1, s16;
	v12 =	vld.idx.msk [tilespmem:v12+s5+$0x0], $0xffff;
	[tilespmem:s19+$0x0] =	vst v13;
	s31 =	sld [smem:$0x7F1]  }
0x2b7: {  	v21 =	vadd.s32 $0xC, v33;
	v11 =	vadd.s32 $0xC, v8;
	v16 =	vadd.s32 $0xA, v9;
	s21 =	sadd.s32 s12, s13;
	[tilespmem:s16+$0x0] =	vst v25;
	v38 =	vld.idx.msk [tilespmem:v14+s5+$0x0], $0xffff;
	s17 =	sld [smem:$0x7F2]  }
0x2b8: {  	s11 =	sadd.s32 s9, s11;
	v15 =	vadd.s32 $0xB, v9;
	v4 =	vadd.s32 $0xF, v8;
	v6 =	vadd.s32 $0xE, v8;
	s6 =	sadd.s32 s26, s18;
	v36 =	vld.idx.msk [tilespmem:v26+s5+$0x0], $0xffff;
	[tilespmem:s21+$0x0] =	vst v19;
	s14 =	sadd.s32 s10, s20  }
0x2b9: {  	v8 =	vadd.s32 $0xE, v9;
	v18 =	vadd.s32 $0x9, v9;
	v10 =	vadd.s32 $0xD, v9;
	s2 =	simm.s32 $0x6;
	v34 =	vld.idx.msk [tilespmem:v28+s5+$0x0], $0xffff;
	s18 =	sadd.s32 s7, s14;
	s12 =	sadd.s32 s0, s31;
	[tilespmem:s6+$0x0] =	vst v17  }
0x2ba: {  	v23 =	vadd.s32 $0x9, v33;
	v13 =	vadd.s32 $0xC, v9;
	v9 =	vadd.s32 $0xF, v9;
	s20 =	sadd.s32 s9, s15;
	[tilespmem:s18+$0x0] =	vst v32;
	s19 =	sadd.s32 s30, s12;
	v32 =	vld.idx.msk [tilespmem:v24+s5+$0x0], $0xffff;
	s21 =	sadd.s32 s28, s17  }
0x2bb: {  	v26 =	vadd.s32 $0x5, v33;
	v25 =	vadd.s32 $0x6, v33;
	v28 =	vadd.s32 $0x8, v33;
	s9 =	sadd.s32 s9, s13;
	s15 =	simm.s32 $0x80;
	v37 =	vld.idx.msk [tilespmem:v35+s5+$0x0], $0xffff;
	[tilespmem:s19+$0x0] =	vst v12;
	s31 =	sadd.s32 s29, s21  }
0x2bc: {  	v19 =	vadd.s32 $0xA, v33;
	v14 =	vadd.s32 $0xD, v33;
	s14 =	sadd.s32 s8, s14;
	v17 =	vadd.s32 $0xB, v33;
	s3 =	sadd.s32 s1, s12;
	s6 =	sld [smem:$0x7F3];
	v35 =	vld.idx.msk [tilespmem:v39+s5+$0x0], $0xffff;
	[tilespmem:s31+$0x0] =	vst v38  }
0x2bd: {  	[tilespmem:s11+$0x0] =	vst v40;
	v24 =	vadd.s32 $0xE, v33;
	s12 =	simm.s32 $0x400;
	s18 =	sadd.s32 s26, s21;
	v12 =	vadd.s32 $0xF, v33;
	v38 =	vadd.s32 $0x3, v2;
	s13 =	sld [smem:$0x7F4];
	v33 =	vld.idx.msk [tilespmem:v41+s5+$0x0], $0xffff  }
.LBB2_12:
0x2be: {  	s17 =	sand.u32 $0x60, s15;
	s11 =	sand.u32 $0x400, s12;
	[tilespmem:s14+$0x0] =	vst v36;
	v36 =	vadd.s32 $0x8, v1;
	s14 =	sld [smem:$0x7E6];
	v39 =	vld.idx.msk [tilespmem:v5+s5+$0x0], $0xffff;
	v5 =	vmovc v6;
	v6 =	vmov v8;
	v8 =	vmov v24  }
0x2bf: {  	s19 =	sor.u32 s4, s11;
	s16 =	sor.u32 $0x10, s17;
	v24 =	vld.idx.msk [tilespmem:v31+s5+$0x0], $0xffff;
	s6 =	sadd.s32 s10, s6;
	[tilespmem:s3+$0x0] =	vst v34;
	v31 =	vadd.s32 $0xD, v0  }
0x2c0: {  	s3 =	sor.u32 s16, s19;
	s21 =	sadd.s32 s7, s6;
	v34 =	vld.idx.msk [tilespmem:v22+s5+$0x0], $0xffff;
	s13 =	sadd.s32 s0, s13;
	[tilespmem:s18+$0x0] =	vst v32;
	v22 =	vmov v30  }
0x2c1: {  	s2 =	sadd.s32 $0x2, s2;
	v30 =	vld [tilespmem:s3+$0x2900];
	[tilespmem:s21+$0x0] =	vst v37;
	s21 =	sadd.s32 s30, s13;
	s14 =	sadd.s32 s28, s14  }
0x2c2: {  	p0 =	slt.u32 s2, $0xC;
	s18 =	sor.u32 s17, s19;
	v32 =	vld.idx.msk [tilespmem:v38+s5+$0x0], $0xffff;
	[tilespmem:s21+$0x0] =	vst v35;
	s19 =	sadd.s32 s29, s14  }
0x2c3: {  	s6 =	sadd.s32 s8, s6;
	s31 =	sadd.s32 s1, s13;
	s21 =	sld [smem:$0x7E7];
	v35 =	vld.idx.msk [tilespmem:v36+s5+$0x0], $0xffff;
	[tilespmem:s19+$0x0] =	vst v33  }
0x2c4: {  	s13 =	sadd.s32 s26, s14;
	v33 =	vadd.s32 $0x4, v2;
	s19 =	sld [smem:$0x7E8];
	v31 =	vld.idx.msk [tilespmem:v31+s5+$0x0], $0xffff;
	[tilespmem:s20+$0x0] =	vst v39  }
0x2c5: {  	v36 =	vld [tilespmem:s18+$0x2900];
	[tilespmem:s6+$0x0] =	vst v24;
	v24 =	vadd.s32 $0x9, v1;
	s6 =	sld [smem:$0x7E9]  }
0x2c6: {  	v29 =	vld.idx.msk [tilespmem:v29+s5+$0x0], $0xffff;
	s14 =	sadd.s32 s10, s21;
	[tilespmem:s31+$0x0] =	vst v34;
	v34 =	vadd.s32 $0xE, v0  }
0x2c7: {  	s20 =	sadd.s32 s8, s14;
	s14 =	sadd.s32 s7, s14;
	v37 =	vld.idx.msk [tilespmem:v20+s5+$0x0], $0xffff;
	s19 =	sadd.s32 s0, s19;
	v20 =	vmov v28  }
0x2c8: {  	[tilespmem:s14+$0x0] =	vst v32;
	s14 =	sadd.s32 s1, s19;
	s19 =	sadd.s32 s30, s19;
	v28 =	vld.idx.msk [tilespmem:v11+s5+$0x0], $0xffff;
	s6 =	sadd.s32 s28, s6;
	v11 =	vmov v13;
	v13 =	vmov v21  }
0x2c9: {  	v21 =	vmul.u32 $0x21, v30;
	v32 =	vld.idx.msk [tilespmem:v33+s5+$0x0], $0xffff;
	[tilespmem:s19+$0x0] =	vst v35;
	s19 =	sadd.s32 s26, s6;
	s6 =	sadd.s32 s29, s6  }
0x2ca: {  	v33 =	vmul.u32 $0x21, v36;
	s21 =	sld [smem:$0x7EA];
	v24 =	vld.idx.msk [tilespmem:v24+s5+$0x0], $0xffff;
	[tilespmem:s6+$0x0] =	vst v31  }
0x2cb: {  	v35 =	vadd.s32 $0x5, v2;
	s6 =	sld [smem:$0x7EB];
	v34 =	vld.idx.msk [tilespmem:v34+s5+$0x0], $0xffff  }
0x2cc: {  	v38 =	vadd.s32 $0xA, v1;
	v36 =	vadd.s32 $0x1, v33;
	v31 =	vadd.s32 $0x2, v33;
	[tilespmem:s20+$0x0] =	vst v29;
	s20 =	sld [smem:$0x7EC];
	v39 =	vld.idx.msk [tilespmem:v3+s5+$0x0], $0xffff;
	v3 =	vmovc v4;
	v4 =	vmovc v9  }
0x2cd: {  	v29 =	vadd.s32 $0x3, v33;
	v40 =	vld.idx.msk [tilespmem:v27+s5+$0x0], $0xffff;
	v27 =	vadd.s32 $0x4, v33;
	s21 =	sadd.s32 s10, s21;
	[tilespmem:s14+$0x0] =	vst v37;
	v37 =	vadd.s32 $0xF, v0;
	v0 =	vmovc v1;
	v1 =	vmovc v2  }
0x2ce: {  	v41 =	vadd.s32 $0x5, v33;
	v42 =	vadd.s32 $0x6, v33;
	v30 =	vadd.s32 $0x7, v33;
	v2 =	vmovc v21;
	s14 =	sadd.s32 s8, s21;
	s21 =	sadd.s32 s7, s21;
	v43 =	vld.idx.msk [tilespmem:v18+s5+$0x0], $0xffff;
	s6 =	sadd.s32 s0, s6;
	[tilespmem:s13+$0x0] =	vst v28;
	v18 =	vmovc v23  }
0x2cf: {  	v44 =	vadd.s32 $0xA, v33;
	v9 =	vmovc v12;
	v28 =	vadd.s32 $0x8, v33;
	v23 =	vadd.s32 $0x9, v33;
	v45 =	vld.idx.msk [tilespmem:v21+s5+$0x0], $0xffff;
	[tilespmem:s21+$0x0] =	vst v32;
	s13 =	sadd.s32 s1, s6;
	s6 =	sadd.s32 s30, s6;
	s21 =	sadd.s32 s28, s20  }
0x2d0: {  	v46 =	vadd.s32 $0xB, v33;
	v21 =	vadd.s32 $0xC, v33;
	v32 =	vadd.s32 $0xD, v33;
	v35 =	vld.idx.msk [tilespmem:v35+s5+$0x0], $0xffff;
	[tilespmem:s6+$0x0] =	vst v24;
	s20 =	sadd.s32 s26, s21;
	s6 =	sadd.s32 s29, s21  }
0x2d1: {  	v12 =	vadd.s32 $0xF, v33;
	v47 =	vadd.s32 $0x1, v2;
	v24 =	vadd.s32 $0xE, v33;
	s21 =	sld [smem:$0x7ED];
	v38 =	vld.idx.msk [tilespmem:v38+s5+$0x0], $0xffff;
	[tilespmem:s6+$0x0] =	vst v34  }
0x2d2: {  	v34 =	vadd.s32 $0x6, v1;
	s6 =	sld [smem:$0x7EE];
	v37 =	vld.idx.msk [tilespmem:v37+s5+$0x0], $0xffff;
	[tilespmem:s9+$0x0] =	vst v39  }
0x2d3: {  	v39 =	vadd.s32 $0xB, v0;
	v33 =	vld.idx.msk [tilespmem:v33+s5+$0x0], $0xffff;
	[tilespmem:s14+$0x0] =	vst v40;
	s9 =	sld [smem:$0x7EF]  }
0x2d4: {  	v40 =	vld.idx.msk [tilespmem:v26+s5+$0x0], $0xffff;
	s14 =	sadd.s32 s10, s21;
	[tilespmem:s13+$0x0] =	vst v43;
	v26 =	vmov v41  }
0x2d5: {  	[tilespmem:s3+$0x3100] =	vst v45;
	s3 =	sadd.s32 s8, s14;
	s13 =	sadd.s32 s7, s14;
	v41 =	vld.idx.msk [tilespmem:v16+s5+$0x0], $0xffff;
	s6 =	sadd.s32 s0, s6;
	v16 =	vmov v19;
	v19 =	vmov v44  }
0x2d6: {  	v43 =	vld.idx.msk [tilespmem:v47+s5+$0x0], $0xffff;
	[tilespmem:s13+$0x0] =	vst v35;
	s13 =	sadd.s32 s1, s6;
	s6 =	sadd.s32 s30, s6;
	s14 =	sadd.s32 s28, s9  }
0x2d7: {  	s21 =	sld [smem:$0x7F0]  }
0x2d8: {  	s28 =	smov.u32 s0;
	v35 =	vld.idx.msk [tilespmem:v34+s5+$0x0], $0xffff;
	[tilespmem:s6+$0x0] =	vst v38;
	s9 =	sadd.s32 s26, s14;
	s6 =	sadd.s32 s29, s14  }
0x2d9: {  	v38 =	vadd.s32 $0x2, v2;
	s26 =	smov.u32 s1;
	s1 =	smov.u32 s8;
	s29 =	sld [smem:$0x7F1];
	v39 =	vld.idx.msk [tilespmem:v39+s5+$0x0], $0xffff;
	[tilespmem:s6+$0x0] =	vst v37  }
0x2da: {  	s8 =	smov.u32 s17;
	[tilespmem:s18+$0x3100] =	vst v33;
	v33 =	vadd.s32 $0x7, v1;
	s6 =	sld [smem:$0x7F2];
	v44 =	vld.idx.msk [tilespmem:v7+s5+$0x0], $0xffff;
	v7 =	vmovc v10;
	v10 =	vmov v14;
	v14 =	vmov v32;
	s17 =	sadd.s32 s11, s21  }
0x2db: {  	s0 =	smov.u32 s10;
	s10 =	smov.u32 s11;
	v36 =	vld.idx.msk [tilespmem:v36+s5+$0x0], $0xffff;
	[tilespmem:s3+$0x0] =	vst v40;
	v40 =	vadd.s32 $0xC, v0;
	s14 =	sadd.s32 s8, s17  }
.Ltmp4:
0x2dc: {  	s3 =	sadd.s32 s16, s17;
	v34 =	vld.idx.msk [tilespmem:v25+s5+$0x0], $0xffff;
	s11 =	sadd.s32 s0, s29;
	[tilespmem:s13+$0x0] =	vst v41;
	(pc) =	sbr.rel @p0 .LBB2_12-.Ltmp4, $4  }
0x2dd: {  	v25 =	vmov v42;
	[tilespmem:s3+$0x0] =	vst v43;
	s3 =	sadd.s32 s1, s11;
	s11 =	sadd.s32 s7, s11;
	v32 =	vld.idx.msk [tilespmem:v15+s5+$0x0], $0xffff;
	s6 =	sadd.s32 s28, s6;
	v15 =	vmov v17;
	v17 =	vmov v46  }
0x2de: {  	s29 =	smov.u32 s30;
	v37 =	vld.idx.msk [tilespmem:v38+s5+$0x0], $0xffff;
	[tilespmem:s11+$0x0] =	vst v35;
	s18 =	sadd.s32 s26, s6;
	s11 =	sadd.s32 s30, s6  }
0x2df: {  	s30 =	smov.u32 s7;
	s7 =	smov.u32 s16;
	s6 =	sld [smem:$0x7F3];
	v35 =	vld.idx.msk [tilespmem:v33+s5+$0x0], $0xffff;
	[tilespmem:s11+$0x0] =	vst v39  }
0x2e0: {  	s12 =	sadd.s32 $0x100, s12;
	s15 =	sadd.s32 $0x20, s15;
	v38 =	vadd.s32 $0x3, v2;
	s13 =	sld [smem:$0x7F4];
	v33 =	vld.idx.msk [tilespmem:v40+s5+$0x0], $0xffff;
	[tilespmem:s19+$0x0] =	vst v44  }
0x2e1: {  	_ =	sdelay $0x1  }
0x2e2: {  	s2 =	sadd.s32 s10, s6  }
0x2e3: {  	[tilespmem:s14+$0x0] =	vst v36;
	s4 =	sadd.s32 s7, s2  }
0x2e4: {  	v31 =	vld.idx.msk [tilespmem:v31+s5+$0x0], $0xffff;
	[tilespmem:s4+$0x0] =	vst v37  }
0x2e5: {  	v51 =	vld.idx.msk [tilespmem:v38+s5+$0x0], $0xffff;
	s4 =	sld [smem:$0x7E7]  }
0x2e6: {  	v52 =	vadd.s32 $0x4, v2;
	_ =	sdelay $0x1  }
0x2e7: {  	s2 =	sadd.s32 s8, s2;
	s4 =	sadd.s32 s10, s4  }
0x2e8: {  	[tilespmem:s2+$0x0] =	vst v31;
	s12 =	sadd.s32 s7, s4  }
0x2e9: {  	v29 =	vld.idx.msk [tilespmem:v29+s5+$0x0], $0xffff;
	[tilespmem:s12+$0x0] =	vst v51  }
0x2ea: {  	v53 =	vld.idx.msk [tilespmem:v52+s5+$0x0], $0xffff;
	s2 =	sld [smem:$0x7EA]  }
0x2eb: {  	v54 =	vadd.s32 $0x5, v2;
	_ =	sdelay $0x1  }
0x2ec: {  	s4 =	sadd.s32 s8, s4;
	s2 =	sadd.s32 s10, s2  }
0x2ed: {  	[tilespmem:s4+$0x0] =	vst v29;
	s14 =	sadd.s32 s7, s2  }
0x2ee: {  	v27 =	vld.idx.msk [tilespmem:v27+s5+$0x0], $0xffff;
	[tilespmem:s14+$0x0] =	vst v53  }
0x2ef: {  	v55 =	vld.idx.msk [tilespmem:v54+s5+$0x0], $0xffff;
	s4 =	sld [smem:$0x7ED]  }
0x2f0: {  	v56 =	vadd.s32 $0x6, v2;
	_ =	sdelay $0x1  }
0x2f1: {  	s2 =	sadd.s32 s8, s2;
	s4 =	sadd.s32 s10, s4  }
0x2f2: {  	[tilespmem:s2+$0x0] =	vst v27;
	s15 =	sadd.s32 s7, s4  }
0x2f3: {  	v26 =	vld.idx.msk [tilespmem:v26+s5+$0x0], $0xffff;
	[tilespmem:s15+$0x0] =	vst v55  }
0x2f4: {  	v57 =	vld.idx.msk [tilespmem:v56+s5+$0x0], $0xffff;
	s2 =	sld [smem:$0x7F1]  }
0x2f5: {  	v58 =	vadd.s32 $0x7, v2;
	_ =	sdelay $0x1  }
0x2f6: {  	v59 =	vadd.s32 $0x8, v1;
	s4 =	sadd.s32 s8, s4;
	s2 =	sadd.s32 s10, s2  }
0x2f7: {  	[tilespmem:s4+$0x0] =	vst v26;
	s16 =	sadd.s32 s7, s2  }
0x2f8: {  	s17 =	sadd.s32 s0, s13;
	v25 =	vld.idx.msk [tilespmem:v25+s5+$0x0], $0xffff;
	[tilespmem:s16+$0x0] =	vst v57  }
0x2f9: {  	[tilespmem:s3+$0x0] =	vst v34;
	s21 =	sadd.s32 s30, s17;
	v60 =	vld.idx.msk [tilespmem:v58+s5+$0x0], $0xffff;
	s19 =	sld [smem:$0x7F4]  }
0x2fa: {  	v61 =	vadd.s32 $0x8, v2;
	v22 =	vld.idx.msk [tilespmem:v22+s5+$0x0], $0xffff;
	[tilespmem:s21+$0x0] =	vst v35  }
0x2fb: {  	v62 =	vld.idx.msk [tilespmem:v59+s5+$0x0], $0xffff;
	s3 =	sld [smem:$0x7E8]  }
0x2fc: {  	v63 =	vadd.s32 $0x9, v1;
	s2 =	sadd.s32 s8, s2;
	s6 =	sadd.s32 s10, s19  }
0x2fd: {  	[tilespmem:s2+$0x0] =	vst v25;
	s31 =	sadd.s32 s7, s6  }
0x2fe: {  	s3 =	sadd.s32 s0, s3;
	s4 =	sadd.s32 s1, s17;
	v25 =	vld.idx.msk [tilespmem:v30+s5+$0x0], $0xffff;
	[tilespmem:s31+$0x0] =	vst v60  }
0x2ff: {  	s12 =	sadd.s32 s30, s3;
	[tilespmem:s4+$0x0] =	vst v22;
	v26 =	vld.idx.msk [tilespmem:v61+s5+$0x0], $0xffff;
	s11 =	sld [smem:$0x7E8]  }
0x300: {  	v34 =	vadd.s32 $0x9, v2;
	[tilespmem:s12+$0x0] =	vst v62;
	v20 =	vld.idx.msk [tilespmem:v20+s5+$0x0], $0xffff  }
0x301: {  	v35 =	vld.idx.msk [tilespmem:v63+s5+$0x0], $0xffff;
	s2 =	sld [smem:$0x7EB]  }
0x302: {  	v36 =	vadd.s32 $0xA, v1;
	s6 =	sadd.s32 s8, s6;
	s4 =	sadd.s32 s10, s11  }
0x303: {  	[tilespmem:s6+$0x0] =	vst v25;
	s13 =	sadd.s32 s7, s4  }
0x304: {  	s3 =	sadd.s32 s1, s3;
	s2 =	sadd.s32 s0, s2;
	v25 =	vld.idx.msk [tilespmem:v28+s5+$0x0], $0xffff;
	[tilespmem:s13+$0x0] =	vst v26  }
0x305: {  	[tilespmem:s3+$0x0] =	vst v20;
	s14 =	sadd.s32 s30, s2;
	v22 =	vld.idx.msk [tilespmem:v34+s5+$0x0], $0xffff;
	s6 =	sld [smem:$0x7EB]  }
0x306: {  	v37 =	vadd.s32 $0xA, v2;
	v18 =	vld.idx.msk [tilespmem:v18+s5+$0x0], $0xffff;
	[tilespmem:s14+$0x0] =	vst v35  }
0x307: {  	v38 =	vld.idx.msk [tilespmem:v36+s5+$0x0], $0xffff;
	s3 =	sld [smem:$0x7EE]  }
0x308: {  	v39 =	vadd.s32 $0xB, v1;
	s4 =	sadd.s32 s8, s4;
	s6 =	sadd.s32 s10, s6  }
0x309: {  	[tilespmem:s4+$0x0] =	vst v25;
	s15 =	sadd.s32 s7, s6  }
0x30a: {  	s2 =	sadd.s32 s1, s2;
	s3 =	sadd.s32 s0, s3;
	v23 =	vld.idx.msk [tilespmem:v23+s5+$0x0], $0xffff;
	[tilespmem:s15+$0x0] =	vst v22  }
0x30b: {  	[tilespmem:s2+$0x0] =	vst v18;
	s16 =	sadd.s32 s30, s3;
	v20 =	vld.idx.msk [tilespmem:v37+s5+$0x0], $0xffff;
	s4 =	sld [smem:$0x7EE]  }
0x30c: {  	v40 =	vadd.s32 $0xB, v2;
	v16 =	vld.idx.msk [tilespmem:v16+s5+$0x0], $0xffff;
	[tilespmem:s16+$0x0] =	vst v38  }
0x30d: {  	v41 =	vld.idx.msk [tilespmem:v39+s5+$0x0], $0xffff;
	s2 =	sld [smem:$0x7F2]  }
0x30e: {  	v42 =	vadd.s32 $0xC, v1;
	s6 =	sadd.s32 s8, s6;
	s4 =	sadd.s32 s10, s4  }
0x30f: {  	[tilespmem:s6+$0x0] =	vst v23;
	s17 =	sadd.s32 s7, s4  }
0x310: {  	s3 =	sadd.s32 s1, s3;
	s2 =	sadd.s32 s0, s2;
	v19 =	vld.idx.msk [tilespmem:v19+s5+$0x0], $0xffff;
	[tilespmem:s17+$0x0] =	vst v20  }
0x311: {  	[tilespmem:s3+$0x0] =	vst v16;
	s19 =	sadd.s32 s30, s2;
	v18 =	vld.idx.msk [tilespmem:v40+s5+$0x0], $0xffff;
	s6 =	sld [smem:$0x7F2]  }
0x312: {  	v43 =	vadd.s32 $0xC, v2;
	v15 =	vld.idx.msk [tilespmem:v15+s5+$0x0], $0xffff;
	[tilespmem:s19+$0x0] =	vst v41  }
0x313: {  	v22 =	vld.idx.msk [tilespmem:v42+s5+$0x0], $0xffff;
	s3 =	sld [smem:$0x7E6]  }
0x314: {  	v45 =	vadd.s32 $0xD, v1;
	s4 =	sadd.s32 s8, s4;
	s6 =	sadd.s32 s10, s6  }
0x315: {  	s11 =	sld [smem:$0x7E6];
	[tilespmem:s4+$0x0] =	vst v19;
	s21 =	sadd.s32 s7, s6  }
0x316: {  	v44 =	vadd.s32 $0xD, v0;
	s2 =	sadd.s32 s1, s2;
	s3 =	sadd.s32 s0, s3;
	v17 =	vld.idx.msk [tilespmem:v17+s5+$0x0], $0xffff;
	[tilespmem:s21+$0x0] =	vst v18  }
0x317: {  	[tilespmem:s2+$0x0] =	vst v15;
	s31 =	sadd.s32 s30, s3;
	v16 =	vld.idx.msk [tilespmem:v43+s5+$0x0], $0xffff;
	s4 =	sld [smem:$0x7E6]  }
0x318: {  	v47 =	vadd.s32 $0xD, v2;
	v5 =	vld.idx.msk [tilespmem:v5+s5+$0x0], $0xffff;
	s11 =	sadd.s32 s28, s11;
	[tilespmem:s31+$0x0] =	vst v22  }
0x319: {  	[tilespmem:s18+$0x0] =	vst v32;
	s12 =	sadd.s32 s29, s11;
	v49 =	vld.idx.msk [tilespmem:v45+s5+$0x0], $0xffff;
	s2 =	sld [smem:$0x7E9]  }
0x31a: {  	v50 =	vadd.s32 $0xE, v1;
	[tilespmem:s12+$0x0] =	vst v33;
	v13 =	vld.idx.msk [tilespmem:v13+s5+$0x0], $0xffff;
	s6 =	sadd.s32 s8, s6;
	s4 =	sadd.s32 s10, s4  }
0x31b: {  	v46 =	vld.idx.msk [tilespmem:v44+s5+$0x0], $0xffff;
	s12 =	sld [smem:$0x7E9];
	[tilespmem:s6+$0x0] =	vst v17;
	s13 =	sadd.s32 s7, s4  }
0x31c: {  	v48 =	vadd.s32 $0xE, v0;
	v11 =	vld.idx.msk [tilespmem:v11+s5+$0x0], $0xffff;
	s2 =	sadd.s32 s0, s2;
	[tilespmem:s13+$0x0] =	vst v16  }
0x31d: {  	[tilespmem:s20+$0x0] =	vst v5;
	s15 =	sadd.s32 s30, s2;
	v15 =	vld.idx.msk [tilespmem:v47+s5+$0x0], $0xffff;
	s6 =	sld [smem:$0x7E9]  }
0x31e: {  	v52 =	vadd.s32 $0xE, v2;
	s12 =	sadd.s32 s28, s12;
	s3 =	sadd.s32 s1, s3;
	[tilespmem:s15+$0x0] =	vst v49;
	v53 =	vld.idx.msk [tilespmem:v21+s5+$0x0], $0xffff  }
0x31f: {  	s14 =	sadd.s32 s29, s12;
	v54 =	vld.idx.msk [tilespmem:v50+s5+$0x0], $0xffff;
	s16 =	sld [smem:$0x7EC];
	[tilespmem:s3+$0x0] =	vst v13  }
0x320: {  	s11 =	sadd.s32 s26, s11;
	[tilespmem:s14+$0x0] =	vst v46;
	v10 =	vld.idx.msk [tilespmem:v10+s5+$0x0], $0xffff;
	s6 =	sadd.s32 s10, s6  }
0x321: {  	v51 =	vld.idx.msk [tilespmem:v48+s5+$0x0], $0xffff;
	s13 =	sld [smem:$0x7EC];
	[tilespmem:s11+$0x0] =	vst v11;
	s17 =	sadd.s32 s7, s6  }
0x322: {  	s4 =	sadd.s32 s8, s4;
	s3 =	sadd.s32 s0, s16;
	v7 =	vld.idx.msk [tilespmem:v7+s5+$0x0], $0xffff;
	[tilespmem:s17+$0x0] =	vst v15  }
0x323: {  	s21 =	sadd.s32 s30, s3;
	v55 =	vld.idx.msk [tilespmem:v52+s5+$0x0], $0xffff;
	s19 =	sld [smem:$0x7EC];
	[tilespmem:s4+$0x0] =	vst v53  }
0x324: {  	s2 =	sadd.s32 s1, s2;
	[tilespmem:s21+$0x0] =	vst v54;
	s13 =	sadd.s32 s28, s13;
	v56 =	vld.idx.msk [tilespmem:v14+s5+$0x0], $0xffff  }
0x325: {  	s14 =	sld [smem:$0x7EF];
	[tilespmem:s2+$0x0] =	vst v10;
	s18 =	sadd.s32 s29, s13  }
0x326: {  	v57 =	vadd.s32 $0xF, v0;
	s12 =	sadd.s32 s26, s12;
	[tilespmem:s18+$0x0] =	vst v51;
	s11 =	sadd.s32 s10, s19  }
0x327: {  	v58 =	vadd.s32 $0xF, v1;
	v59 =	vld.idx.msk [tilespmem:v8+s5+$0x0], $0xffff;
	s31 =	sld [smem:$0x7EF];
	[tilespmem:s12+$0x0] =	vst v7;
	s15 =	sadd.s32 s7, s11  }
0x328: {  	s16 =	sadd.s32 s8, s6;
	v6 =	vld.idx.msk [tilespmem:v6+s5+$0x0], $0xffff;
	[tilespmem:s15+$0x0] =	vst v55  }
0x329: {  	v3 =	vld.idx.msk [tilespmem:v3+s5+$0x0], $0xffff;
	s17 =	sld [smem:$0x7EF];
	[tilespmem:s16+$0x0] =	vst v56  }
0x32a: {  	v60 =	vadd.s32 $0xF, v2;
	v61 =	vld.idx.msk [tilespmem:v24+s5+$0x0], $0xffff  }
0x32b: {  	v0 =	vld.idx.msk [tilespmem:v57+s5+$0x0], $0xffff;
	s19 =	sadd.s32 s1, s3  }
0x32c: {  	v1 =	vld.idx.msk [tilespmem:v58+s5+$0x0], $0xffff;
	s18 =	sadd.s32 s26, s13;
	[tilespmem:s19+$0x0] =	vst v59  }
0x32d: {  	[tilespmem:s18+$0x0] =	vst v6;
	v62 =	vld.idx.msk [tilespmem:v9+s5+$0x0], $0xffff  }
0x32e: {  	[tilespmem:s9+$0x0] =	vst v3;
	s20 =	sadd.s32 s28, s31;
	s21 =	sadd.s32 s8, s11;
	v4 =	vld.idx.msk [tilespmem:v4+s5+$0x0], $0xffff  }
0x32f: {  	s25 =	sadd.s32 $0x1, s25;
	s28 =	sadd.s32 s0, s14;
	s4 =	sadd.s32 s29, s20;
	v2 =	vld.idx.msk [tilespmem:v60+s5+$0x0], $0xffff;
	[tilespmem:s21+$0x0] =	vst v61  }
0x330: {  	p0 =	sne.s32 s25, $0x8;
	s29 =	sadd.s32 s30, s28;
	[tilespmem:s4+$0x0] =	vst v0;
	v63 =	vld.idx.msk [tilespmem:v12+s5+$0x0], $0xffff  }
.Ltmp5:
0x331: {  	s0 =	sadd.s32 s1, s28;
	[tilespmem:s29+$0x0] =	vst v1;
	(pc) =	sbr.rel @p0 .LBB2_11-.Ltmp5, $4  }
0x332: {  	s2 =	sadd.s32 s26, s20;
	s30 =	sadd.s32 s10, s17;
	[tilespmem:s0+$0x0] =	vst v62  }
0x333: {  	s31 =	sadd.s32 s7, s30;
	[tilespmem:s2+$0x0] =	vst v4  }
0x334: {  	s1 =	sadd.s32 s8, s30;
	[tilespmem:s31+$0x0] =	vst v2  }
0x335: {  	[tilespmem:s1+$0x0] =	vst v63  }
0x336: {  	s0 =	smul.u32 $0x1C0000, s22  }
0x337: {  	s1 =	sshll.u32 s23, $0xB;
	s29 =	sld [smem:$0x7FB]  }
0x338: {  	s22 =	sadd.s32 s0, s1  }
0x339: {  	s30 =	simm.s32 $0x800;
	s2 =	simm.s32 $0xE000;
	s0 =	sshrl.u32 s22, $0x3  }
0x33a: {  	s3 =	simm.s32 $0x3100;
	s31 =	simm.s32 $0x4;
	s0 =	sadd.s32 s29, s0  }
0x33b: {  	[hbm4b:s0+s30] =	stream.strided.scatter [tilespmem:s3], [sflag:$0x3], $0x8000, s2, s30, $0x38;
	[tilespmem:$0x13100] =	vst v63  }
0x33c: {  	_ =	swait.ge [sflag:s31], $0x8000  }
0x33d: {  	[sflag:s31] =	ssyncset.done $0x0  }
0x33e: {  	s23 =	simm.s32 $0x0;
	s24 =	simm.s32 $0x0;
	[sflag:s31] =	ssyncadd.s32 $0xFFFF8000  }
.LBB2_15:
0x33f: {  	s0 =	sshll.u32 s24, $0x7  }
0x340: {  	s1 =	sadd.s32 $0xB900, s0  }
0x341: {  	s2 =	sadd.s32 $0xC100, s0;
	[smem:$0x7E1] =	sst s1  }
0x342: {  	s3 =	sadd.s32 $0xC900, s0;
	[smem:$0x7E5] =	sst s2  }
0x343: {  	s4 =	sadd.s32 $0xD100, s0;
	[smem:$0x7D8] =	sst s3  }
0x344: {  	s6 =	sadd.s32 $0xD900, s0;
	[smem:$0x7DB] =	sst s4  }
0x345: {  	s7 =	sadd.s32 $0xE100, s0;
	[smem:$0x7DE] =	sst s6  }
0x346: {  	s8 =	sadd.s32 $0xE900, s0;
	[smem:$0x7E2] =	sst s7  }
0x347: {  	s9 =	sadd.s32 $0xF100, s0;
	[smem:$0x7E4] =	sst s8  }
0x348: {  	s10 =	sadd.s32 $0xF900, s0;
	[smem:$0x7D9] =	sst s9  }
0x349: {  	s11 =	sadd.s32 $0x10100, s0;
	[smem:$0x7DC] =	sst s10  }
0x34a: {  	s12 =	sadd.s32 $0x10900, s0;
	[smem:$0x7DF] =	sst s11  }
0x34b: {  	s20 =	sand.u32 $0x400, s23;
	s13 =	sadd.s32 $0x11100, s0;
	[smem:$0x7E3] =	sst s12  }
0x34c: {  	s14 =	sadd.s32 $0x11900, s0;
	s15 =	sadd.s32 $0x12100, s0;
	[smem:$0x7D7] =	sst s13  }
0x34d: {  	s16 =	sadd.s32 $0x12900, s0;
	[smem:$0x7DA] =	sst s14;
	s10 =	sand.u32 $0x60, s23  }
0x34e: {  	[smem:$0x7DD] =	sst s15;
	s2 =	sor.u32 s0, s20;
	s12 =	sor.u32 $0x10, s10  }
0x34f: {  	[smem:$0x7E0] =	sst s16;
	s17 =	sor.u32 s12, s2  }
0x350: {  	v0 =	vld [tilespmem:s17+$0x2900];
	_ =	sdelay $0x1  }
0x351: {  	s2 =	sor.u32 s10, s2  }
0x352: {  	v1 =	vld [tilespmem:s2+$0x2900];
	_ =	sdelay $0x1  }
0x353: {  	v4 =	vmul.u32 $0x21, v0;
	_ =	sdelay $0x1  }
0x354: {  	v0 =	vadd.s32 $0x10, v4  }
0x355: {  	v3 =	vmul.u32 $0x21, v1;
	_ =	sdelay $0x1  }
0x356: {  	v1 =	vadd.s32 $0x10, v3;
	_ =	sdelay $0x1  }
0x357: {  	v0 =	vld.idx.msk [tilespmem:v0+s5+$0x0], $0xffff  }
0x358: {  	v2 =	vadd.s32 $0x11, v4;
	_ =	sdelay $0x1  }
0x359: {  	v1 =	vld.idx.msk [tilespmem:v1+s5+$0x0], $0xffff  }
0x35a: {  	v5 =	vadd.s32 $0x11, v3  }
0x35b: {  	[tilespmem:s17+$0xB100] =	vst v0  }
0x35c: {  	v0 =	vld.idx.msk [tilespmem:v2+s5+$0x0], $0xffff;
	s1 =	sld [smem:$0x7E1]  }
0x35d: {  	v2 =	vadd.s32 $0x12, v4  }
0x35e: {  	[tilespmem:s2+$0xB100] =	vst v1  }
0x35f: {  	v1 =	vld.idx.msk [tilespmem:v5+s5+$0x0], $0xffff;
	s1 =	sadd.s32 s20, s1  }
0x360: {  	v5 =	vadd.s32 $0x12, v3;
	s18 =	sadd.s32 s12, s1  }
0x361: {  	[tilespmem:s18+$0x0] =	vst v0  }
0x362: {  	v0 =	vld.idx.msk [tilespmem:v2+s5+$0x0], $0xffff;
	s2 =	sld [smem:$0x7E5]  }
0x363: {  	s3 =	simm.s32 $0x100;
	s4 =	simm.s32 $0x20;
	s1 =	sadd.s32 s10, s1;
	v2 =	vadd.s32 $0x13, v4  }
0x364: {  	s25 =	sand.u32 $0x400, s3;
	s26 =	sand.u32 $0x60, s4;
	[tilespmem:s1+$0x0] =	vst v1  }
0x365: {  	s19 =	sor.u32 s0, s25;
	s28 =	sor.u32 $0x10, s26;
	v1 =	vld.idx.msk [tilespmem:v5+s5+$0x0], $0xffff;
	s2 =	sadd.s32 s20, s2  }
0x366: {  	s21 =	sor.u32 s28, s19;
	v5 =	vadd.s32 $0x13, v3;
	s31 =	sadd.s32 s12, s2  }
0x367: {  	v6 =	vld [tilespmem:s21+$0x2900];
	[tilespmem:s31+$0x0] =	vst v0  }
0x368: {  	v2 =	vld.idx.msk [tilespmem:v2+s5+$0x0], $0xffff;
	s4 =	sld [smem:$0x7D8]  }
0x369: {  	v7 =	vadd.s32 $0x14, v4;
	s1 =	sor.u32 s26, s19;
	s2 =	sadd.s32 s10, s2  }
0x36a: {  	v8 =	vld [tilespmem:s1+$0x2900];
	[tilespmem:s2+$0x0] =	vst v1  }
0x36b: {  	v1 =	vld.idx.msk [tilespmem:v5+s5+$0x0], $0xffff;
	s6 =	sadd.s32 s20, s4  }
0x36c: {  	v0 =	vmul.u32 $0x21, v6;
	v5 =	vadd.s32 $0x14, v3;
	s4 =	sadd.s32 s12, s6  }
0x36d: {  	[tilespmem:s4+$0x0] =	vst v2  }
0x36e: {  	v6 =	vadd.s32 $0x10, v0;
	v2 =	vld.idx.msk [tilespmem:v7+s5+$0x0], $0xffff;
	s4 =	sld [smem:$0x7DB]  }
0x36f: {  	v8 =	vmul.u32 $0x21, v8;
	s2 =	sadd.s32 s10, s6;
	v7 =	vadd.s32 $0x15, v4  }
0x370: {  	[tilespmem:s2+$0x0] =	vst v1  }
0x371: {  	v1 =	vadd.s32 $0x10, v8;
	v5 =	vld.idx.msk [tilespmem:v5+s5+$0x0], $0xffff;
	s7 =	sadd.s32 s20, s4  }
0x372: {  	v9 =	vadd.s32 $0x15, v3;
	s4 =	sadd.s32 s12, s7  }
0x373: {  	v6 =	vld.idx.msk [tilespmem:v6+s5+$0x0], $0xffff;
	[tilespmem:s4+$0x0] =	vst v2  }
0x374: {  	v2 =	vld.idx.msk [tilespmem:v7+s5+$0x0], $0xffff;
	v7 =	vadd.s32 $0x11, v0  }
0x375: {  	s2 =	sadd.s32 s10, s7;
	s4 =	sld [smem:$0x7DE]  }
0x376: {  	v10 =	vadd.s32 $0x16, v4;
	v1 =	vld.idx.msk [tilespmem:v1+s5+$0x0], $0xffff;
	[tilespmem:s2+$0x0] =	vst v5  }
0x377: {  	v5 =	vadd.s32 $0x11, v8;
	v9 =	vld.idx.msk [tilespmem:v9+s5+$0x0], $0xffff  }
0x378: {  	v11 =	vadd.s32 $0x16, v3;
	[tilespmem:s21+$0xB100] =	vst v6;
	s8 =	sadd.s32 s20, s4  }
0x379: {  	s11 =	sld [smem:$0x7E1];
	s9 =	sadd.s32 s12, s8;
	v6 =	vld.idx.msk [tilespmem:v7+s5+$0x0], $0xffff  }
0x37a: {  	[tilespmem:s9+$0x0] =	vst v2;
	v7 =	vadd.s32 $0x12, v0  }
0x37b: {  	s2 =	sadd.s32 s10, s8;
	[tilespmem:s1+$0xB100] =	vst v1;
	v2 =	vld.idx.msk [tilespmem:v10+s5+$0x0], $0xffff;
	s13 =	sld [smem:$0x7E2]  }
0x37c: {  	s14 =	sadd.s32 s25, s11;
	v1 =	vadd.s32 $0x17, v4;
	v5 =	vld.idx.msk [tilespmem:v5+s5+$0x0], $0xffff;
	[tilespmem:s2+$0x0] =	vst v9  }
0x37d: {  	s15 =	sadd.s32 s28, s14;
	v9 =	vadd.s32 $0x12, v8;
	v10 =	vld.idx.msk [tilespmem:v11+s5+$0x0], $0xffff  }
0x37e: {  	v11 =	vadd.s32 $0x17, v3;
	s16 =	sadd.s32 s20, s13;
	[tilespmem:s15+$0x0] =	vst v6  }
0x37f: {  	s6 =	simm.s32 $0x200;
	s17 =	sadd.s32 s12, s16;
	v6 =	vld.idx.msk [tilespmem:v7+s5+$0x0], $0xffff;
	s19 =	sld [smem:$0x7E5]  }
0x380: {  	s7 =	simm.s32 $0x40;
	s1 =	sadd.s32 s26, s14;
	s18 =	sld [smem:$0x7E4];
	[tilespmem:s17+$0x0] =	vst v2;
	v2 =	vadd.s32 $0x13, v0  }
0x381: {  	s29 =	sand.u32 $0x400, s6;
	s30 =	sand.u32 $0x60, s7;
	s3 =	sadd.s32 s10, s16;
	[tilespmem:s1+$0x0] =	vst v5;
	v1 =	vld.idx.msk [tilespmem:v1+s5+$0x0], $0xffff  }
0x382: {  	s6 =	sor.u32 s0, s29;
	v5 =	vadd.s32 $0x18, v4;
	s1 =	sor.u32 $0x10, s30;
	v7 =	vld.idx.msk [tilespmem:v9+s5+$0x0], $0xffff;
	[tilespmem:s3+$0x0] =	vst v10;
	s21 =	sadd.s32 s25, s19  }
0x383: {  	s3 =	sor.u32 s1, s6;
	v10 =	vld.idx.msk [tilespmem:v11+s5+$0x0], $0xffff;
	s2 =	sadd.s32 s28, s21  }
0x384: {  	s4 =	sadd.s32 s20, s18;
	v9 =	vadd.s32 $0x13, v8;
	v12 =	vld [tilespmem:s3+$0x2900];
	[tilespmem:s2+$0x0] =	vst v6  }
0x385: {  	s31 =	sadd.s32 s12, s4;
	v11 =	vadd.s32 $0x18, v3;
	s2 =	sor.u32 s30, s6;
	v2 =	vld.idx.msk [tilespmem:v2+s5+$0x0], $0xffff  }
0x386: {  	[tilespmem:s31+$0x0] =	vst v1;
	s8 =	sld [smem:$0x7D8];
	v13 =	vld [tilespmem:s2+$0x2900]  }
0x387: {  	s7 =	sadd.s32 s26, s21;
	v6 =	vadd.s32 $0x14, v0;
	v5 =	vld.idx.msk [tilespmem:v5+s5+$0x0], $0xffff;
	s9 =	sld [smem:$0x7D9]  }
0x388: {  	s4 =	sadd.s32 s10, s4;
	[tilespmem:s7+$0x0] =	vst v7;
	v7 =	vadd.s32 $0x19, v4  }
0x389: {  	v14 =	vld.idx.msk [tilespmem:v9+s5+$0x0], $0xffff;
	[tilespmem:s4+$0x0] =	vst v10;
	s11 =	sadd.s32 s25, s8  }
0x38a: {  	v10 =	vadd.s32 $0x14, v8;
	v1 =	vmul.u32 $0x21, v12;
	v11 =	vld.idx.msk [tilespmem:v11+s5+$0x0], $0xffff;
	s13 =	sadd.s32 s28, s11;
	s7 =	sadd.s32 s20, s9  }
0x38b: {  	v12 =	vadd.s32 $0x19, v3;
	[tilespmem:s13+$0x0] =	vst v2;
	s14 =	sadd.s32 s12, s7  }
0x38c: {  	v9 =	vmul.u32 $0x21, v13;
	v2 =	vld.idx.msk [tilespmem:v6+s5+$0x0], $0xffff;
	[tilespmem:s14+$0x0] =	vst v5;
	v5 =	vadd.s32 $0x10, v1;
	s15 =	sld [smem:$0x7DB]  }
0x38d: {  	s6 =	sadd.s32 s26, s11;
	v6 =	vld.idx.msk [tilespmem:v7+s5+$0x0], $0xffff;
	v7 =	vadd.s32 $0x15, v0  }
0x38e: {  	s7 =	sadd.s32 s10, s7;
	[tilespmem:s6+$0x0] =	vst v14;
	s16 =	sld [smem:$0x7DC];
	v14 =	vadd.s32 $0x10, v9  }
0x38f: {  	v13 =	vadd.s32 $0x1A, v4;
	v10 =	vld.idx.msk [tilespmem:v10+s5+$0x0], $0xffff;
	[tilespmem:s7+$0x0] =	vst v11;
	s4 =	sadd.s32 s25, s15  }
0x390: {  	v12 =	vld.idx.msk [tilespmem:v12+s5+$0x0], $0xffff;
	s17 =	sadd.s32 s28, s4  }
0x391: {  	v11 =	vadd.s32 $0x15, v8;
	s18 =	sadd.s32 s20, s16;
	v5 =	vld.idx.msk [tilespmem:v5+s5+$0x0], $0xffff;
	[tilespmem:s17+$0x0] =	vst v2  }
0x392: {  	v15 =	vadd.s32 $0x1A, v3;
	s19 =	sadd.s32 s12, s18;
	v2 =	vld.idx.msk [tilespmem:v7+s5+$0x0], $0xffff  }
0x393: {  	[tilespmem:s19+$0x0] =	vst v6;
	v6 =	vadd.s32 $0x11, v1;
	s21 =	sld [smem:$0x7DE];
	v14 =	vld.idx.msk [tilespmem:v14+s5+$0x0], $0xffff  }
0x394: {  	s4 =	sadd.s32 s26, s4;
	v7 =	vld.idx.msk [tilespmem:v13+s5+$0x0], $0xffff;
	v13 =	vadd.s32 $0x16, v0  }
0x395: {  	v16 =	vadd.s32 $0x11, v9;
	s7 =	sadd.s32 s10, s18;
	[tilespmem:s4+$0x0] =	vst v10;
	s31 =	sld [smem:$0x7DF]  }
0x396: {  	v10 =	vadd.s32 $0x1B, v4;
	v11 =	vld.idx.msk [tilespmem:v11+s5+$0x0], $0xffff;
	[tilespmem:s7+$0x0] =	vst v12;
	s9 =	sadd.s32 s25, s21  }
0x397: {  	[tilespmem:s3+$0xB100] =	vst v5;
	s11 =	sadd.s32 s28, s9;
	v5 =	vld.idx.msk [tilespmem:v15+s5+$0x0], $0xffff  }
0x398: {  	v12 =	vadd.s32 $0x16, v8;
	s13 =	sadd.s32 s20, s31;
	v6 =	vld.idx.msk [tilespmem:v6+s5+$0x0], $0xffff;
	[tilespmem:s11+$0x0] =	vst v2;
	s15 =	sld [smem:$0x7E1]  }
0x399: {  	v15 =	vadd.s32 $0x1B, v3;
	s14 =	sadd.s32 s12, s13;
	[tilespmem:s2+$0xB100] =	vst v14;
	v2 =	vld.idx.msk [tilespmem:v13+s5+$0x0], $0xffff;
	s16 =	sld [smem:$0x7E2]  }
0x39a: {  	s4 =	sadd.s32 s26, s9;
	[tilespmem:s14+$0x0] =	vst v7;
	v7 =	vadd.s32 $0x12, v1;
	v14 =	vld.idx.msk [tilespmem:v16+s5+$0x0], $0xffff  }
0x39b: {  	s6 =	sadd.s32 s10, s13;
	v13 =	vadd.s32 $0x17, v0;
	[tilespmem:s4+$0x0] =	vst v11;
	v10 =	vld.idx.msk [tilespmem:v10+s5+$0x0], $0xffff;
	s17 =	sld [smem:$0x7E3];
	s7 =	sadd.s32 s29, s15  }
0x39c: {  	v16 =	vadd.s32 $0x12, v9;
	s18 =	sadd.s32 s1, s7;
	s3 =	sadd.s32 s25, s16;
	[tilespmem:s6+$0x0] =	vst v5  }
0x39d: {  	s9 =	simm.s32 $0x60;
	v11 =	vadd.s32 $0x1C, v4;
	v12 =	vld.idx.msk [tilespmem:v12+s5+$0x0], $0xffff;
	[tilespmem:s18+$0x0] =	vst v6;
	s19 =	sadd.s32 s28, s3  }
0x39e: {  	s31 =	sld [smem:$0x7E4];
	v5 =	vadd.s32 $0x17, v8;
	s7 =	sadd.s32 s30, s7;
	v6 =	vld.idx.msk [tilespmem:v15+s5+$0x0], $0xffff;
	s21 =	sadd.s32 s20, s17;
	[tilespmem:s19+$0x0] =	vst v2  }
0x39f: {  	s15 =	simm.s32 $0x300;
	v7 =	vld.idx.msk [tilespmem:v7+s5+$0x0], $0xffff;
	s14 =	sadd.s32 s12, s21;
	s11 =	sld [smem:$0x7E5];
	[tilespmem:s7+$0x0] =	vst v14  }
0x3a0: {  	s8 =	sand.u32 $0x60, s9;
	s4 =	sand.u32 $0x400, s15;
	v2 =	vld.idx.msk [tilespmem:v13+s5+$0x0], $0xffff;
	[tilespmem:s14+$0x0] =	vst v10;
	v10 =	vadd.s32 $0x13, v1  }
0x3a1: {  	s3 =	sadd.s32 s26, s3;
	s7 =	sor.u32 $0x10, s8;
	s6 =	sadd.s32 s10, s21;
	v13 =	vadd.s32 $0x18, v0;
	v14 =	vld.idx.msk [tilespmem:v16+s5+$0x0], $0xffff  }
0x3a2: {  	v15 =	vadd.s32 $0x13, v9;
	s14 =	sor.u32 s0, s4;
	[tilespmem:s3+$0x0] =	vst v12;
	v11 =	vld.idx.msk [tilespmem:v11+s5+$0x0], $0xffff;
	s13 =	sld [smem:$0x7D7];
	s11 =	sadd.s32 s29, s11  }
0x3a3: {  	s15 =	sadd.s32 s25, s31;
	v12 =	vadd.s32 $0x1D, v4;
	s2 =	sor.u32 s7, s14;
	v5 =	vld.idx.msk [tilespmem:v5+s5+$0x0], $0xffff;
	s16 =	sadd.s32 s1, s11;
	[tilespmem:s6+$0x0] =	vst v6  }
0x3a4: {  	s17 =	sadd.s32 s28, s15;
	v16 =	vld [tilespmem:s2+$0x2900];
	[tilespmem:s16+$0x0] =	vst v7  }
0x3a5: {  	s19 =	sadd.s32 s30, s11;
	s13 =	sadd.s32 s20, s13;
	v7 =	vadd.s32 $0x18, v8;
	v10 =	vld.idx.msk [tilespmem:v10+s5+$0x0], $0xffff;
	[tilespmem:s17+$0x0] =	vst v2  }
0x3a6: {  	v17 =	vadd.s32 $0x1C, v3;
	s18 =	sadd.s32 s12, s13;
	s16 =	sld [smem:$0x7D8];
	[tilespmem:s19+$0x0] =	vst v14;
	v13 =	vld.idx.msk [tilespmem:v13+s5+$0x0], $0xffff  }
0x3a7: {  	v6 =	vadd.s32 $0x14, v1;
	[tilespmem:s18+$0x0] =	vst v11;
	s21 =	sld [smem:$0x7D9];
	v15 =	vld.idx.msk [tilespmem:v15+s5+$0x0], $0xffff  }
0x3a8: {  	s31 =	sadd.s32 s26, s15;
	s3 =	sor.u32 s8, s14;
	v14 =	vadd.s32 $0x19, v0;
	v11 =	vld.idx.msk [tilespmem:v12+s5+$0x0], $0xffff  }
0x3a9: {  	v18 =	vadd.s32 $0x14, v9;
	v12 =	vld [tilespmem:s3+$0x2900];
	s15 =	sld [smem:$0x7DA];
	[tilespmem:s31+$0x0] =	vst v5;
	s17 =	sadd.s32 s29, s16  }
0x3aa: {  	v5 =	vadd.s32 $0x1E, v4;
	v2 =	vmul.u32 $0x21, v16;
	s18 =	sadd.s32 s1, s17;
	v7 =	vld.idx.msk [tilespmem:v7+s5+$0x0], $0xffff;
	s19 =	sadd.s32 s25, s21  }
0x3ab: {  	v16 =	vadd.s32 $0x19, v8;
	[tilespmem:s18+$0x0] =	vst v10;
	s21 =	sadd.s32 s28, s19;
	v10 =	vld.idx.msk [tilespmem:v17+s5+$0x0], $0xffff  }
0x3ac: {  	s11 =	sadd.s32 s20, s15;
	s15 =	sadd.s32 s30, s17;
	v6 =	vld.idx.msk [tilespmem:v6+s5+$0x0], $0xffff;
	[tilespmem:s21+$0x0] =	vst v13;
	v13 =	vadd.s32 $0x10, v2  }
0x3ad: {  	v24 =	vadd.s32 $0x1D, v3;
	s6 =	sadd.s32 s12, s11;
	s31 =	sld [smem:$0x7DB];
	[tilespmem:s15+$0x0] =	vst v15;
	v14 =	vld.idx.msk [tilespmem:v14+s5+$0x0], $0xffff  }
0x3ae: {  	s16 =	sadd.s32 s26, s19;
	[tilespmem:s6+$0x0] =	vst v11;
	v11 =	vadd.s32 $0x15, v1;
	s17 =	sld [smem:$0x7DC];
	v17 =	vld.idx.msk [tilespmem:v18+s5+$0x0], $0xffff  }
0x3af: {  	v15 =	vadd.s32 $0x1A, v0;
	v5 =	vld.idx.msk [tilespmem:v5+s5+$0x0], $0xffff;
	[tilespmem:s16+$0x0] =	vst v7  }
0x3b0: {  	s13 =	sadd.s32 s10, s13;
	v12 =	vmul.u32 $0x21, v12;
	v18 =	vadd.s32 $0x15, v9;
	s18 =	sld [smem:$0x7DD];
	s14 =	sadd.s32 s29, s31;
	v16 =	vld.idx.msk [tilespmem:v16+s5+$0x0], $0xffff  }
0x3b1: {  	v4 =	vadd.s32 $0x1F, v4;
	s19 =	sadd.s32 s1, s14;
	s6 =	sadd.s32 s25, s17;
	[tilespmem:s13+$0x0] =	vst v10;
	v13 =	vld.idx.msk [tilespmem:v13+s5+$0x0], $0xffff  }
0x3b2: {  	v7 =	vadd.s32 $0x10, v12;
	[tilespmem:s19+$0x0] =	vst v6;
	s21 =	sadd.s32 s28, s6;
	v29 =	vld.idx.msk [tilespmem:v24+s5+$0x0], $0xffff  }
0x3b3: {  	v19 =	vadd.s32 $0x1A, v8;
	s14 =	sadd.s32 s30, s14;
	s15 =	sadd.s32 s20, s18;
	v21 =	vld.idx.msk [tilespmem:v11+s5+$0x0], $0xffff;
	[tilespmem:s21+$0x0] =	vst v14;
	s17 =	sld [smem:$0x7DE]  }
0x3b4: {  	v33 =	vadd.s32 $0x1B, v8;
	s31 =	sadd.s32 s12, s15;
	v14 =	vadd.s32 $0x11, v2;
	[tilespmem:s14+$0x0] =	vst v17;
	v23 =	vld.idx.msk [tilespmem:v15+s5+$0x0], $0xffff;
	s18 =	sld [smem:$0x7DF]  }
0x3b5: {  	v40 =	vadd.s32 $0x17, v1;
	v34 =	vadd.s32 $0x16, v9;
	v10 =	vadd.s32 $0x16, v1;
	s6 =	sadd.s32 s26, s6;
	[tilespmem:s31+$0x0] =	vst v5;
	v28 =	vld.idx.msk [tilespmem:v18+s5+$0x0], $0xffff  }
0x3b6: {  	v22 =	vadd.s32 $0x17, v9;
	v20 =	vadd.s32 $0x18, v9;
	v17 =	vadd.s32 $0x1B, v0;
	v25 =	vld.idx.msk [tilespmem:v4+s5+$0x0], $0xffff;
	s19 =	sld [smem:$0x7E0];
	s21 =	sadd.s32 s29, s17;
	[tilespmem:s6+$0x0] =	vst v16  }
0x3b7: {  	v38 =	vadd.s32 $0x12, v2;
	v31 =	vadd.s32 $0x11, v12;
	v32 =	vadd.s32 $0x12, v12;
	v26 =	vld.idx.msk [tilespmem:v7+s5+$0x0], $0xffff;
	[tilespmem:s2+$0xB100] =	vst v13;
	s31 =	sadd.s32 s1, s21;
	s6 =	sadd.s32 s25, s18  }
0x3b8: {  	v30 =	vadd.s32 $0x13, v12;
	v27 =	vadd.s32 $0x14, v12;
	v6 =	vadd.s32 $0x1E, v8;
	v19 =	vld.idx.msk [tilespmem:v19+s5+$0x0], $0xffff;
	[tilespmem:s31+$0x0] =	vst v21;
	s13 =	sadd.s32 s28, s6  }
0x3b9: {  	v24 =	vadd.s32 $0x1E, v12;
	v11 =	vadd.s32 $0x1C, v8;
	v5 =	vadd.s32 $0x1E, v3;
	s21 =	sadd.s32 s30, s21;
	v14 =	vld.idx.msk [tilespmem:v14+s5+$0x0], $0xffff;
	s17 =	sadd.s32 s20, s19;
	s18 =	sld [smem:$0x7E1];
	[tilespmem:s13+$0x0] =	vst v23  }
0x3ba: {  	v3 =	vadd.s32 $0x1F, v3;
	v18 =	vadd.s32 $0x19, v9;
	v15 =	vadd.s32 $0x1B, v9;
	v36 =	vld.idx.msk [tilespmem:v10+s5+$0x0], $0xffff;
	s12 =	sadd.s32 s12, s17;
	s19 =	sld [smem:$0x7E2];
	[tilespmem:s21+$0x0] =	vst v28  }
0x3bb: {  	v7 =	vadd.s32 $0x1D, v8;
	v4 =	vadd.s32 $0x1F, v8;
	v8 =	vadd.s32 $0x1E, v9;
	s2 =	simm.s32 $0x6;
	s20 =	sadd.s32 s10, s15;
	v39 =	vld.idx.msk [tilespmem:v17+s5+$0x0], $0xffff;
	[tilespmem:s12+$0x0] =	vst v25;
	s31 =	sld [smem:$0x7E3]  }
0x3bc: {  	v16 =	vadd.s32 $0x1A, v9;
	v13 =	vadd.s32 $0x1C, v9;
	s6 =	sadd.s32 s26, s6;
	s12 =	sadd.s32 s10, s11;
	[tilespmem:s3+$0xB100] =	vst v26;
	v35 =	vld.idx.msk [tilespmem:v34+s5+$0x0], $0xffff;
	v34 =	vadd.s32 $0x1C, v0;
	s14 =	sadd.s32 s4, s18  }
0x3bd: {  	v21 =	vadd.s32 $0x1C, v12;
	v10 =	vadd.s32 $0x1D, v9;
	v9 =	vadd.s32 $0x1F, v9;
	s10 =	sadd.s32 s10, s17;
	v37 =	vld.idx.msk [tilespmem:v31+s5+$0x0], $0xffff;
	s16 =	sadd.s32 s7, s14;
	s17 =	sadd.s32 s29, s19;
	[tilespmem:s6+$0x0] =	vst v19  }
0x3be: {  	s15 =	simm.s32 $0x400;
	v28 =	vadd.s32 $0x18, v12;
	v23 =	vadd.s32 $0x19, v12;
	v26 =	vadd.s32 $0x15, v12;
	[tilespmem:s16+$0x0] =	vst v14;
	s18 =	sadd.s32 s1, s17;
	v33 =	vld.idx.msk [tilespmem:v33+s5+$0x0], $0xffff;
	s21 =	sadd.s32 s25, s31  }
0x3bf: {  	v25 =	vadd.s32 $0x16, v12;
	v17 =	vadd.s32 $0x1B, v12;
	v31 =	vadd.s32 $0x17, v12;
	s19 =	sld [smem:$0x7E4];
	s13 =	sadd.s32 s8, s14;
	v38 =	vld.idx.msk [tilespmem:v38+s5+$0x0], $0xffff;
	[tilespmem:s18+$0x0] =	vst v36;
	s31 =	sadd.s32 s28, s21  }
0x3c0: {  	v19 =	vadd.s32 $0x1A, v12;
	v14 =	vadd.s32 $0x1D, v12;
	s3 =	sadd.s32 s30, s17;
	v12 =	vadd.s32 $0x1F, v12;
	s18 =	sadd.s32 s26, s21;
	s6 =	sld [smem:$0x7E5];
	v36 =	vld.idx.msk [tilespmem:v40+s5+$0x0], $0xffff;
	[tilespmem:s31+$0x0] =	vst v39  }
.LBB2_16:
0x3c1: {  	s11 =	sand.u32 $0x400, s15;
	v39 =	vadd.s32 $0x13, v2;
	s9 =	sadd.s32 $0x20, s9;
	v34 =	vld.idx.msk [tilespmem:v34+s5+$0x0], $0xffff;
	[tilespmem:s12+$0x0] =	vst v29;
	s17 =	smov.u32 s28  }
0x3c2: {  	v29 =	vadd.s32 $0x18, v1;
	s16 =	sand.u32 $0x60, s9;
	s12 =	sor.u32 s0, s11;
	[tilespmem:s13+$0x0] =	vst v37;
	s13 =	sld [smem:$0x7D7];
	v37 =	vld.idx.msk [tilespmem:v5+s5+$0x0], $0xffff;
	v5 =	vmovc v6;
	v6 =	vmov v8;
	v8 =	vmov v24  }
0x3c3: {  	s14 =	sor.u32 $0x10, s16;
	v24 =	vld.idx.msk [tilespmem:v32+s5+$0x0], $0xffff;
	s6 =	sadd.s32 s4, s6;
	[tilespmem:s3+$0x0] =	vst v35;
	s3 =	sadd.s32 s29, s19;
	v32 =	vadd.s32 $0x1D, v0  }
0x3c4: {  	s2 =	sadd.s32 $0x2, s2;
	s19 =	sor.u32 s14, s12;
	s21 =	sadd.s32 s7, s6;
	v35 =	vld.idx.msk [tilespmem:v22+s5+$0x0], $0xffff;
	[tilespmem:s18+$0x0] =	vst v33;
	v22 =	vmov v31  }
0x3c5: {  	p0 =	slt.u32 s2, $0xC;
	v31 =	vld [tilespmem:s19+$0x2900];
	[tilespmem:s21+$0x0] =	vst v38;
	s21 =	sadd.s32 s1, s3;
	s13 =	sadd.s32 s25, s13  }
0x3c6: {  	s18 =	sor.u32 s16, s12;
	s6 =	sadd.s32 s8, s6;
	v33 =	vld.idx.msk [tilespmem:v39+s5+$0x0], $0xffff;
	[tilespmem:s21+$0x0] =	vst v36;
	s12 =	sadd.s32 s17, s13  }
0x3c7: {  	s31 =	sadd.s32 s30, s3;
	s3 =	sadd.s32 s26, s13;
	s21 =	sld [smem:$0x7D8];
	v29 =	vld.idx.msk [tilespmem:v29+s5+$0x0], $0xffff;
	[tilespmem:s12+$0x0] =	vst v34  }
0x3c8: {  	s28 =	smov.u32 s1;
	s1 =	smov.u32 s7;
	v34 =	vadd.s32 $0x14, v2;
	s12 =	sld [smem:$0x7D9];
	v32 =	vld.idx.msk [tilespmem:v32+s5+$0x0], $0xffff;
	[tilespmem:s20+$0x0] =	vst v37  }
0x3c9: {  	s7 =	smov.u32 s14;
	v36 =	vld [tilespmem:s18+$0x2900];
	[tilespmem:s6+$0x0] =	vst v24;
	v24 =	vadd.s32 $0x19, v1;
	s6 =	sld [smem:$0x7DA]  }
0x3ca: {  	v30 =	vld.idx.msk [tilespmem:v30+s5+$0x0], $0xffff;
	s13 =	sadd.s32 s4, s21;
	[tilespmem:s31+$0x0] =	vst v35;
	v35 =	vadd.s32 $0x1E, v0  }
0x3cb: {  	s14 =	sadd.s32 s8, s13;
	s13 =	sadd.s32 s1, s13;
	v37 =	vld.idx.msk [tilespmem:v20+s5+$0x0], $0xffff;
	s12 =	sadd.s32 s29, s12;
	v20 =	vmov v28  }
0x3cc: {  	v28 =	vmul.u32 $0x21, v31;
	[tilespmem:s13+$0x0] =	vst v33;
	s13 =	sadd.s32 s30, s12;
	s12 =	sadd.s32 s28, s12;
	v31 =	vld.idx.msk [tilespmem:v11+s5+$0x0], $0xffff;
	s6 =	sadd.s32 s25, s6;
	v11 =	vmov v13;
	v13 =	vmov v21  }
0x3cd: {  	v21 =	vld.idx.msk [tilespmem:v34+s5+$0x0], $0xffff;
	[tilespmem:s12+$0x0] =	vst v29;
	s12 =	sadd.s32 s26, s6;
	s6 =	sadd.s32 s17, s6  }
0x3ce: {  	v33 =	vadd.s32 $0x10, v28;
	v29 =	vmul.u32 $0x21, v36;
	s20 =	sld [smem:$0x7DB];
	v24 =	vld.idx.msk [tilespmem:v24+s5+$0x0], $0xffff;
	[tilespmem:s6+$0x0] =	vst v32  }
0x3cf: {  	v34 =	vadd.s32 $0x15, v2;
	s6 =	sld [smem:$0x7DC];
	v35 =	vld.idx.msk [tilespmem:v35+s5+$0x0], $0xffff  }
0x3d0: {  	v39 =	vadd.s32 $0x1A, v1;
	v36 =	vadd.s32 $0x10, v29;
	v38 =	vadd.s32 $0x11, v29;
	[tilespmem:s14+$0x0] =	vst v30;
	s14 =	sld [smem:$0x7DD];
	v40 =	vld.idx.msk [tilespmem:v3+s5+$0x0], $0xffff;
	v3 =	vmovc v4;
	v4 =	vmovc v9  }
0x3d1: {  	v32 =	vadd.s32 $0x12, v29;
	v30 =	vadd.s32 $0x13, v29;
	v41 =	vld.idx.msk [tilespmem:v27+s5+$0x0], $0xffff;
	s20 =	sadd.s32 s4, s20;
	[tilespmem:s13+$0x0] =	vst v37;
	v37 =	vadd.s32 $0x1F, v0;
	v0 =	vmovc v1;
	v1 =	vmovc v2  }
0x3d2: {  	v42 =	vadd.s32 $0x15, v29;
	v43 =	vadd.s32 $0x16, v29;
	v27 =	vadd.s32 $0x14, v29;
	v2 =	vmovc v28;
	s13 =	sadd.s32 s8, s20;
	s20 =	sadd.s32 s1, s20;
	v44 =	vld.idx.msk [tilespmem:v18+s5+$0x0], $0xffff;
	s6 =	sadd.s32 s29, s6;
	[tilespmem:s3+$0x0] =	vst v31;
	v18 =	vmovc v23  }
0x3d3: {  	v9 =	vmovc v12;
	v28 =	vadd.s32 $0x18, v29;
	v31 =	vadd.s32 $0x17, v29;
	v23 =	vadd.s32 $0x19, v29;
	v33 =	vld.idx.msk [tilespmem:v33+s5+$0x0], $0xffff;
	[tilespmem:s20+$0x0] =	vst v21;
	s3 =	sadd.s32 s30, s6;
	s6 =	sadd.s32 s28, s6;
	s14 =	sadd.s32 s25, s14  }
0x3d4: {  	v45 =	vadd.s32 $0x1A, v29;
	v46 =	vadd.s32 $0x1B, v29;
	v21 =	vadd.s32 $0x1C, v29;
	v34 =	vld.idx.msk [tilespmem:v34+s5+$0x0], $0xffff;
	[tilespmem:s6+$0x0] =	vst v24;
	s20 =	sadd.s32 s26, s14;
	s6 =	sadd.s32 s17, s14  }
0x3d5: {  	v47 =	vadd.s32 $0x1D, v29;
	v48 =	vadd.s32 $0x11, v2;
	v24 =	vadd.s32 $0x1E, v29;
	s14 =	sld [smem:$0x7DE];
	v39 =	vld.idx.msk [tilespmem:v39+s5+$0x0], $0xffff;
	[tilespmem:s6+$0x0] =	vst v35  }
0x3d6: {  	v12 =	vadd.s32 $0x1F, v29;
	v29 =	vadd.s32 $0x16, v1;
	s6 =	sld [smem:$0x7DF];
	v35 =	vld.idx.msk [tilespmem:v37+s5+$0x0], $0xffff;
	[tilespmem:s10+$0x0] =	vst v40  }
0x3d7: {  	v37 =	vadd.s32 $0x1B, v0;
	v36 =	vld.idx.msk [tilespmem:v36+s5+$0x0], $0xffff;
	[tilespmem:s13+$0x0] =	vst v41;
	s10 =	sld [smem:$0x7E0]  }
0x3d8: {  	v40 =	vld.idx.msk [tilespmem:v26+s5+$0x0], $0xffff;
	s13 =	sadd.s32 s4, s14;
	[tilespmem:s3+$0x0] =	vst v44;
	v26 =	vmov v42  }
0x3d9: {  	[tilespmem:s19+$0xB100] =	vst v33;
	s3 =	sadd.s32 s8, s13;
	s13 =	sadd.s32 s1, s13;
	v33 =	vld.idx.msk [tilespmem:v16+s5+$0x0], $0xffff;
	s6 =	sadd.s32 s29, s6;
	v16 =	vmov v19;
	v19 =	vmov v45  }
0x3da: {  	v41 =	vld.idx.msk [tilespmem:v48+s5+$0x0], $0xffff;
	[tilespmem:s13+$0x0] =	vst v34;
	s14 =	sadd.s32 s30, s6;
	s6 =	sadd.s32 s28, s6;
	s13 =	sadd.s32 s25, s10  }
0x3db: {  	s19 =	sld [smem:$0x7E1];
	v42 =	vld.idx.msk [tilespmem:v29+s5+$0x0], $0xffff;
	[tilespmem:s6+$0x0] =	vst v39;
	s10 =	sadd.s32 s26, s13;
	s6 =	sadd.s32 s17, s13  }
0x3dc: {  	s25 =	smov.u32 s29;
	s29 =	smov.u32 s4;
	v39 =	vadd.s32 $0x12, v2;
	s17 =	sld [smem:$0x7E2];
	v44 =	vld.idx.msk [tilespmem:v37+s5+$0x0], $0xffff;
	[tilespmem:s6+$0x0] =	vst v35  }
0x3dd: {  	s4 =	smov.u32 s11;
	s26 =	smov.u32 s30;
	[tilespmem:s18+$0xB100] =	vst v36;
	v36 =	vadd.s32 $0x17, v1;
	s6 =	sld [smem:$0x7E3];
	v29 =	vld.idx.msk [tilespmem:v7+s5+$0x0], $0xffff;
	v7 =	vmovc v10;
	v10 =	vmov v14;
	v14 =	vmov v47  }
.Ltmp6:
0x3de: {  	v34 =	vadd.s32 $0x1C, v0;
	s30 =	smov.u32 s8;
	v37 =	vld.idx.msk [tilespmem:v38+s5+$0x0], $0xffff;
	s11 =	sadd.s32 s4, s19;
	[tilespmem:s3+$0x0] =	vst v40;
	(pc) =	sbr.rel @p0 .LBB2_16-.Ltmp6, $4  }
0x3df: {  	s13 =	sadd.s32 s16, s11;
	s3 =	sadd.s32 s7, s11;
	v35 =	vld.idx.msk [tilespmem:v25+s5+$0x0], $0xffff;
	s8 =	sadd.s32 s29, s17;
	[tilespmem:s14+$0x0] =	vst v33;
	v25 =	vmov v43  }
0x3e0: {  	[tilespmem:s3+$0x0] =	vst v41;
	s3 =	sadd.s32 s30, s8;
	s8 =	sadd.s32 s1, s8;
	v33 =	vld.idx.msk [tilespmem:v15+s5+$0x0], $0xffff;
	s6 =	sadd.s32 s25, s6;
	v15 =	vmov v17;
	v17 =	vmov v46  }
0x3e1: {  	v38 =	vld.idx.msk [tilespmem:v39+s5+$0x0], $0xffff;
	s19 =	sld [smem:$0x7E4];
	[tilespmem:s8+$0x0] =	vst v42;
	s18 =	sadd.s32 s26, s6;
	s8 =	sadd.s32 s28, s6  }
0x3e2: {  	s15 =	sadd.s32 $0x100, s15;
	s6 =	sld [smem:$0x7E5];
	v36 =	vld.idx.msk [tilespmem:v36+s5+$0x0], $0xffff;
	[tilespmem:s8+$0x0] =	vst v44;
	s8 =	smov.u32 s16  }
0x3e3: {  	v39 =	vadd.s32 $0x13, v2;
	_ =	sdelay $0x1  }
0x3e4: {  	s0 =	sadd.s32 s4, s6  }
0x3e5: {  	[tilespmem:s13+$0x0] =	vst v37;
	s2 =	sadd.s32 s7, s0  }
0x3e6: {  	v32 =	vld.idx.msk [tilespmem:v32+s5+$0x0], $0xffff;
	[tilespmem:s2+$0x0] =	vst v38  }
0x3e7: {  	v53 =	vld.idx.msk [tilespmem:v39+s5+$0x0], $0xffff;
	s2 =	sld [smem:$0x7D8]  }
0x3e8: {  	v54 =	vadd.s32 $0x14, v2;
	_ =	sdelay $0x1  }
0x3e9: {  	s0 =	sadd.s32 s8, s0;
	s9 =	sadd.s32 s4, s2  }
0x3ea: {  	[tilespmem:s0+$0x0] =	vst v32;
	s2 =	sadd.s32 s7, s9  }
0x3eb: {  	v30 =	vld.idx.msk [tilespmem:v30+s5+$0x0], $0xffff;
	[tilespmem:s2+$0x0] =	vst v53  }
0x3ec: {  	v55 =	vld.idx.msk [tilespmem:v54+s5+$0x0], $0xffff;
	s2 =	sld [smem:$0x7DB]  }
0x3ed: {  	v56 =	vadd.s32 $0x15, v2;
	_ =	sdelay $0x1  }
0x3ee: {  	s0 =	sadd.s32 s8, s9;
	s11 =	sadd.s32 s4, s2  }
0x3ef: {  	[tilespmem:s0+$0x0] =	vst v30;
	s2 =	sadd.s32 s7, s11  }
0x3f0: {  	v27 =	vld.idx.msk [tilespmem:v27+s5+$0x0], $0xffff;
	[tilespmem:s2+$0x0] =	vst v55  }
0x3f1: {  	v57 =	vld.idx.msk [tilespmem:v56+s5+$0x0], $0xffff;
	s2 =	sld [smem:$0x7DE]  }
0x3f2: {  	v58 =	vadd.s32 $0x16, v2;
	_ =	sdelay $0x1  }
0x3f3: {  	s0 =	sadd.s32 s8, s11;
	s13 =	sadd.s32 s4, s2  }
0x3f4: {  	[tilespmem:s0+$0x0] =	vst v27;
	s2 =	sadd.s32 s7, s13  }
0x3f5: {  	v26 =	vld.idx.msk [tilespmem:v26+s5+$0x0], $0xffff;
	[tilespmem:s2+$0x0] =	vst v57  }
0x3f6: {  	v59 =	vld.idx.msk [tilespmem:v58+s5+$0x0], $0xffff;
	s2 =	sld [smem:$0x7E2]  }
0x3f7: {  	v60 =	vadd.s32 $0x17, v2;
	_ =	sdelay $0x1  }
0x3f8: {  	s0 =	sadd.s32 s8, s13;
	s14 =	sadd.s32 s4, s2  }
0x3f9: {  	[tilespmem:s0+$0x0] =	vst v26;
	s2 =	sadd.s32 s7, s14  }
0x3fa: {  	v61 =	vadd.s32 $0x18, v1;
	s15 =	sld [smem:$0x7E4];
	v25 =	vld.idx.msk [tilespmem:v25+s5+$0x0], $0xffff;
	[tilespmem:s2+$0x0] =	vst v59  }
0x3fb: {  	v27 =	vld.idx.msk [tilespmem:v60+s5+$0x0], $0xffff  }
0x3fc: {  	v62 =	vadd.s32 $0x18, v2;
	s16 =	sadd.s32 s29, s19;
	[tilespmem:s3+$0x0] =	vst v35  }
0x3fd: {  	s17 =	sadd.s32 s1, s16;
	v22 =	vld.idx.msk [tilespmem:v22+s5+$0x0], $0xffff  }
0x3fe: {  	[tilespmem:s17+$0x0] =	vst v36;
	s0 =	sadd.s32 s8, s14;
	s6 =	sadd.s32 s4, s15  }
0x3ff: {  	s3 =	sld [smem:$0x7D9];
	v26 =	vld.idx.msk [tilespmem:v61+s5+$0x0], $0xffff;
	s19 =	sadd.s32 s7, s6;
	[tilespmem:s0+$0x0] =	vst v25  }
0x400: {  	v63 =	vadd.s32 $0x19, v1;
	v25 =	vld.idx.msk [tilespmem:v31+s5+$0x0], $0xffff;
	[tilespmem:s19+$0x0] =	vst v27  }
0x401: {  	s21 =	sadd.s32 s30, s16;
	v27 =	vld.idx.msk [tilespmem:v62+s5+$0x0], $0xffff;
	s9 =	sld [smem:$0x7D9]  }
0x402: {  	v35 =	vadd.s32 $0x19, v2;
	[tilespmem:s21+$0x0] =	vst v22;
	s31 =	sadd.s32 s29, s3  }
0x403: {  	v20 =	vld.idx.msk [tilespmem:v20+s5+$0x0], $0xffff;
	s11 =	sadd.s32 s1, s31  }
0x404: {  	[tilespmem:s11+$0x0] =	vst v26;
	s6 =	sadd.s32 s8, s6;
	s3 =	sadd.s32 s4, s9  }
0x405: {  	v26 =	vld.idx.msk [tilespmem:v63+s5+$0x0], $0xffff;
	s0 =	sld [smem:$0x7DC];
	[tilespmem:s6+$0x0] =	vst v25;
	s13 =	sadd.s32 s7, s3  }
0x406: {  	v36 =	vadd.s32 $0x1A, v1;
	v25 =	vld.idx.msk [tilespmem:v28+s5+$0x0], $0xffff;
	[tilespmem:s13+$0x0] =	vst v27  }
0x407: {  	s2 =	sadd.s32 s30, s31;
	v22 =	vld.idx.msk [tilespmem:v35+s5+$0x0], $0xffff;
	s6 =	sld [smem:$0x7DC]  }
0x408: {  	v37 =	vadd.s32 $0x1A, v2;
	[tilespmem:s2+$0x0] =	vst v20;
	s0 =	sadd.s32 s29, s0  }
0x409: {  	v18 =	vld.idx.msk [tilespmem:v18+s5+$0x0], $0xffff;
	s14 =	sadd.s32 s1, s0  }
0x40a: {  	[tilespmem:s14+$0x0] =	vst v26;
	s3 =	sadd.s32 s8, s3;
	s6 =	sadd.s32 s4, s6  }
0x40b: {  	v26 =	vld.idx.msk [tilespmem:v36+s5+$0x0], $0xffff;
	s2 =	sld [smem:$0x7DF];
	[tilespmem:s3+$0x0] =	vst v25;
	s15 =	sadd.s32 s7, s6  }
0x40c: {  	v38 =	vadd.s32 $0x1B, v1;
	v23 =	vld.idx.msk [tilespmem:v23+s5+$0x0], $0xffff;
	[tilespmem:s15+$0x0] =	vst v22  }
0x40d: {  	s0 =	sadd.s32 s30, s0;
	v20 =	vld.idx.msk [tilespmem:v37+s5+$0x0], $0xffff;
	s3 =	sld [smem:$0x7DF]  }
0x40e: {  	v39 =	vadd.s32 $0x1B, v2;
	[tilespmem:s0+$0x0] =	vst v18;
	s2 =	sadd.s32 s29, s2  }
0x40f: {  	v16 =	vld.idx.msk [tilespmem:v16+s5+$0x0], $0xffff;
	s16 =	sadd.s32 s1, s2  }
0x410: {  	v42 =	vld.idx.msk [tilespmem:v34+s5+$0x0], $0xffff;
	s9 =	sld [smem:$0x7D7];
	[tilespmem:s16+$0x0] =	vst v26;
	s6 =	sadd.s32 s8, s6;
	s3 =	sadd.s32 s4, s3  }
0x411: {  	v44 =	vadd.s32 $0x1D, v0;
	v40 =	vld.idx.msk [tilespmem:v38+s5+$0x0], $0xffff;
	s0 =	sld [smem:$0x7E3];
	[tilespmem:s6+$0x0] =	vst v23;
	s17 =	sadd.s32 s7, s3  }
0x412: {  	v41 =	vadd.s32 $0x1C, v1;
	v19 =	vld.idx.msk [tilespmem:v19+s5+$0x0], $0xffff;
	[tilespmem:s17+$0x0] =	vst v20  }
0x413: {  	[tilespmem:s18+$0x0] =	vst v33;
	s2 =	sadd.s32 s30, s2;
	s9 =	sadd.s32 s25, s9;
	v18 =	vld.idx.msk [tilespmem:v39+s5+$0x0], $0xffff;
	s6 =	sld [smem:$0x7E3]  }
0x414: {  	v43 =	vadd.s32 $0x1C, v2;
	[tilespmem:s2+$0x0] =	vst v16;
	s11 =	sadd.s32 s28, s9;
	s0 =	sadd.s32 s29, s0  }
0x415: {  	v15 =	vld.idx.msk [tilespmem:v15+s5+$0x0], $0xffff;
	[tilespmem:s11+$0x0] =	vst v42;
	s19 =	sadd.s32 s1, s0  }
0x416: {  	v46 =	vld.idx.msk [tilespmem:v44+s5+$0x0], $0xffff;
	s11 =	sld [smem:$0x7DA];
	[tilespmem:s19+$0x0] =	vst v40;
	s3 =	sadd.s32 s8, s3;
	s6 =	sadd.s32 s4, s6  }
0x417: {  	v48 =	vadd.s32 $0x1E, v0;
	v22 =	vld.idx.msk [tilespmem:v41+s5+$0x0], $0xffff;
	s2 =	sld [smem:$0x7D7];
	[tilespmem:s3+$0x0] =	vst v19;
	s21 =	sadd.s32 s7, s6  }
0x418: {  	v45 =	vadd.s32 $0x1D, v1;
	v17 =	vld.idx.msk [tilespmem:v17+s5+$0x0], $0xffff;
	[tilespmem:s21+$0x0] =	vst v18  }
0x419: {  	s0 =	sadd.s32 s30, s0;
	s11 =	sadd.s32 s25, s11;
	v16 =	vld.idx.msk [tilespmem:v43+s5+$0x0], $0xffff;
	s3 =	sld [smem:$0x7D7]  }
0x41a: {  	v47 =	vadd.s32 $0x1D, v2;
	[tilespmem:s0+$0x0] =	vst v15;
	s14 =	sadd.s32 s28, s11;
	s2 =	sadd.s32 s29, s2  }
0x41b: {  	v11 =	vld.idx.msk [tilespmem:v11+s5+$0x0], $0xffff;
	[tilespmem:s14+$0x0] =	vst v46;
	s31 =	sadd.s32 s1, s2  }
0x41c: {  	v51 =	vld.idx.msk [tilespmem:v48+s5+$0x0], $0xffff;
	s15 =	sld [smem:$0x7DD];
	[tilespmem:s31+$0x0] =	vst v22;
	s6 =	sadd.s32 s8, s6;
	s3 =	sadd.s32 s4, s3  }
0x41d: {  	v49 =	vld.idx.msk [tilespmem:v45+s5+$0x0], $0xffff;
	s0 =	sld [smem:$0x7DA];
	[tilespmem:s6+$0x0] =	vst v17;
	s13 =	sadd.s32 s7, s3  }
0x41e: {  	v50 =	vadd.s32 $0x1E, v1;
	v13 =	vld.idx.msk [tilespmem:v13+s5+$0x0], $0xffff;
	[tilespmem:s13+$0x0] =	vst v16  }
0x41f: {  	[tilespmem:s12+$0x0] =	vst v29;
	s9 =	sadd.s32 s26, s9;
	s12 =	sadd.s32 s25, s15;
	v15 =	vld.idx.msk [tilespmem:v47+s5+$0x0], $0xffff;
	s6 =	sld [smem:$0x7DA]  }
0x420: {  	v52 =	vadd.s32 $0x1E, v2;
	[tilespmem:s9+$0x0] =	vst v11;
	s19 =	sadd.s32 s28, s12;
	s0 =	sadd.s32 s29, s0;
	v53 =	vld.idx.msk [tilespmem:v21+s5+$0x0], $0xffff  }
0x421: {  	v7 =	vld.idx.msk [tilespmem:v7+s5+$0x0], $0xffff;
	[tilespmem:s19+$0x0] =	vst v51;
	s16 =	sadd.s32 s1, s0  }
0x422: {  	v5 =	vld.idx.msk [tilespmem:v5+s5+$0x0], $0xffff;
	s2 =	sadd.s32 s30, s2;
	[tilespmem:s16+$0x0] =	vst v49;
	s6 =	sadd.s32 s4, s6  }
0x423: {  	v54 =	vld.idx.msk [tilespmem:v50+s5+$0x0], $0xffff;
	s17 =	sld [smem:$0x7DD];
	[tilespmem:s2+$0x0] =	vst v13;
	s18 =	sadd.s32 s7, s6  }
0x424: {  	v10 =	vld.idx.msk [tilespmem:v10+s5+$0x0], $0xffff;
	s3 =	sadd.s32 s8, s3;
	[tilespmem:s18+$0x0] =	vst v15  }
0x425: {  	s11 =	sadd.s32 s26, s11;
	v55 =	vld.idx.msk [tilespmem:v52+s5+$0x0], $0xffff;
	s31 =	sld [smem:$0x7DD];
	[tilespmem:s3+$0x0] =	vst v53  }
0x426: {  	s14 =	sld [smem:$0x7E0];
	[tilespmem:s11+$0x0] =	vst v7;
	s21 =	sadd.s32 s29, s17;
	v56 =	vld.idx.msk [tilespmem:v14+s5+$0x0], $0xffff  }
0x427: {  	[tilespmem:s20+$0x0] =	vst v5;
	v6 =	vld.idx.msk [tilespmem:v6+s5+$0x0], $0xffff;
	s13 =	sadd.s32 s1, s21  }
0x428: {  	s0 =	sadd.s32 s30, s0;
	[tilespmem:s13+$0x0] =	vst v54;
	s9 =	sadd.s32 s4, s31  }
0x429: {  	v57 =	vadd.s32 $0x1F, v0;
	s15 =	sld [smem:$0x7E0];
	[tilespmem:s0+$0x0] =	vst v10;
	s16 =	sadd.s32 s7, s9  }
0x42a: {  	v58 =	vadd.s32 $0x1F, v1;
	v59 =	vld.idx.msk [tilespmem:v8+s5+$0x0], $0xffff;
	s17 =	sadd.s32 s8, s6;
	[tilespmem:s16+$0x0] =	vst v55  }
0x42b: {  	v3 =	vld.idx.msk [tilespmem:v3+s5+$0x0], $0xffff;
	s19 =	sadd.s32 s26, s12;
	s18 =	sld [smem:$0x7E0];
	[tilespmem:s17+$0x0] =	vst v56  }
0x42c: {  	v60 =	vadd.s32 $0x1F, v2;
	[tilespmem:s19+$0x0] =	vst v6;
	v61 =	vld.idx.msk [tilespmem:v24+s5+$0x0], $0xffff  }
0x42d: {  	v4 =	vld.idx.msk [tilespmem:v4+s5+$0x0], $0xffff  }
0x42e: {  	v0 =	vld.idx.msk [tilespmem:v57+s5+$0x0], $0xffff;
	s20 =	sadd.s32 s30, s21  }
0x42f: {  	v1 =	vld.idx.msk [tilespmem:v58+s5+$0x0], $0xffff;
	[tilespmem:s20+$0x0] =	vst v59  }
0x430: {  	[tilespmem:s10+$0x0] =	vst v3;
	s21 =	sadd.s32 s25, s14;
	v62 =	vld.idx.msk [tilespmem:v9+s5+$0x0], $0xffff;
	s25 =	sadd.s32 s8, s9  }
0x431: {  	s24 =	sadd.s32 $0x1, s24;
	s0 =	sadd.s32 s26, s21;
	v2 =	vld.idx.msk [tilespmem:v60+s5+$0x0], $0xffff;
	[tilespmem:s25+$0x0] =	vst v61  }
0x432: {  	p0 =	sne.s32 s24, $0x8;
	[tilespmem:s0+$0x0] =	vst v4;
	s26 =	sadd.s32 s29, s15;
	s3 =	sadd.s32 s28, s21;
	v63 =	vld.idx.msk [tilespmem:v12+s5+$0x0], $0xffff  }
.Ltmp7:
0x433: {  	s28 =	sadd.s32 s1, s26;
	[tilespmem:s3+$0x0] =	vst v0;
	(pc) =	sbr.rel @p0 .LBB2_15-.Ltmp7, $4  }
0x434: {  	s29 =	sadd.s32 s30, s26;
	[tilespmem:s28+$0x0] =	vst v1;
	s30 =	sadd.s32 s4, s18  }
0x435: {  	[tilespmem:s29+$0x0] =	vst v62;
	s31 =	sadd.s32 s7, s30  }
0x436: {  	s0 =	sadd.s32 s8, s30;
	[tilespmem:s31+$0x0] =	vst v2  }
0x437: {  	[tilespmem:s0+$0x0] =	vst v63  }
0x438: {  	s4 =	sld [smem:$0x7F8];
	_ =	sdelay $0x2  }
0x439: {  	s4 =	sadd.s32 $0x1, s4  }
0x43a: {  	p0 =	sne.s32 s4, $0x15  }
.Ltmp8:
0x43b: {  	s1 =	sld [smem:$0x7FB];
	(pc) =	sbr.rel @p0 .LBB2_2-.Ltmp8, $4  }
0x43c: {  	s0 =	sadd.s32 $0xE0000, s22  }
0x43d: {  	s31 =	simm.s32 $0x800;
	s0 =	sshrl.u32 s0, $0x3  }
0x43e: {  	s2 =	simm.s32 $0xE000;
	s3 =	simm.s32 $0xB100;
	s0 =	sadd.s32 s1, s0  }
0x43f: {  	[hbm4b:s0+s31] =	stream.strided.scatter [tilespmem:s3], [sflag:$0x4], $0x8000, s2, s31, $0x38;
	[tilespmem:$0x13100] =	vst v63  }
0x440: {  	s0 =	simm.s32 $0x3  }
0x441: {  	_ =	swait.ge [sflag:s0], $0x8000  }
0x442: {  	[sflag:s0] =	ssyncset.done $0x0  }
0x443: {  	s1 =	simm.s32 $0x4;
	[sflag:s0] =	ssyncadd.s32 $0xFFFF8000  }
0x444: {  	_ =	swait.ge [sflag:s1], $0x8000  }
0x445: {  	s2 =	sld [smem:$0x7F9]  }
0x446: {  	s31 =	sld [smem:$0x7FD];
	_ =	sdelay $0x1  }
0x447: {  	s2 =	sadd.s32 $0x1, s2  }
0x448: {  	p0 =	sne.s32 s2, s31  }
.Ltmp9:
0x449: {  	_ = 	snop;
	(pc) =	sbr.rel @p0 .LBB2_1-.Ltmp9, $3  }
0x44a: {  	_ =	sdelay $0x1  }
0x44b: {  	[sflag:s1] =	ssyncset.done $0x0  }
0x44c: {  	[sflag:s1] =	ssyncadd.s32 $0xFFFF8000  }
0x44d: {  	_ =	sfence.sel $0x180000  }
0x44e: {  	[bflag:$0x0] =	sbarrier.arrive $0xFFFF  }
0x44f: {  	_ =	strace $0x90000047  }
0x450: {  	s0 =	stileid.u32;
	[bflag:$0x2] =	sbarrier.arrive $0xFFFF  }
0x451: {  	p0 =	sne.s32 s0, $0x0;
	s0 =	rddreg [dreg:$0x3]  }
0x452: {  	s0 =	sadd.s32 @!p0 $0x100000, s0  }
0x453: {  	[sflag:s0] =	ssyncadd.tile.s32 @!p0 $0x1;
	_ =	shalt  }
.Lfunc_end2:
_tile_overlayer_lowered:
.L_overlay_start_2:
0x454: {  	(tag) =	ssettag $0x2  }
0x455: {  	s0 =	rddreg [dreg:$0x0];
	s2 =	stileid.u32  }
0x456: {  	s1 =	rddreg [dreg:$0x1];
	p0 =	sne.s32 s2, $0x0  }
0x457: {  	s3 =	rddreg [dreg:$0x2];
	[bflag:$0x3] =	sbarrier.arrive $0xFFFF;
	s2 =	simm.s32 @!p0 $0x1C05  }
0x458: {  	[timem:s3], [sflag:s2] =	dma.local @!p0 [hbm:s0], s1  }
0x459: {  	s0 =	simm.s32 @!p0 $0x5  }
0x45a: {  	_ =	swait.ge @!p0 [sflag:s0], s1  }
0x45b: {  	s1 =	ssub.s32 @!p0 $0x0, s1;
	[sflag:s0] =	ssyncset.done @!p0 $0x0  }
0x45c: {  	[sflag:s0] =	ssyncadd.s32 @!p0 s1  }
0x45d: {  	[bflag:$0x3] =	sbarrier.arrive $0xFFFF  }
0x45e: {  	_ =	shalt  }

</sc_bundles>
